<compile_context>
chip_gen: v7x
topology: tpu7x:2x2x1
jax: 0.10.2.dev20260603
libtpu: 0.0.44.dev20260713+nightly
codegen_flags: <defaults>
</compile_context>

<pallas_src>
import functools

import jax
import jax.numpy as jnp
from jax import lax
from jax.experimental import pallas as pl
from jax.experimental.pallas import tpu as pltpu
from jax.experimental.pallas import tpu_sc as plsc

N = 10000
E = 320000
F = 128
NC = 2
NS = 16
L = 16
HALF = 5000
NPH = 5120
GARB = 5056
ROWS_PS = NPH // NS
EPW = E // NS
CHUNK = 80
NCHUNK = EPW // CHUNK
NBATCH = 10
CPB = NCHUNK // NBATCH
GROUPS = CHUNK // L


def _gelu_exact(a):
    y = a * 0.7071067811865476
    ay = jnp.abs(y)
    t = 1.0 / (1.0 + 0.3275911 * ay)
    poly = t * (0.254829592 + t * (-0.284496736 + t * (
        1.421413741 + t * (-1.453152027 + t * 1.061405429))))
    erf = 1.0 - poly * jnp.exp(-(ay * ay))
    erf = jnp.where(y >= 0.0, erf, -erf)
    return 0.5 * a * (1.0 + erf)


def _dense_body(f_ref, w_ref, b_ref, awt_ref, z_ref, pq_ref):
    z = jnp.dot(f_ref[...], w_ref[...], preferred_element_type=jnp.float32)
    z = z + b_ref[...]
    z_ref[...] = z
    pq_ref[...] = lax.dot_general(
        awt_ref[...], z, (((1,), (1,)), ((), ())),
        preferred_element_type=jnp.float32)


_dense_call = pl.pallas_call(
    _dense_body,
    out_shape=[
        jax.ShapeDtypeStruct((N, F), jnp.float32),
        jax.ShapeDtypeStruct((2, N), jnp.float32),
    ],
)


_mesh = plsc.VectorSubcoreMesh(core_axis_name="c", subcore_axis_name="s")


@functools.partial(
    pl.kernel,
    out_type=[
        jax.ShapeDtypeStruct((NC, NPH, F), jnp.float32),
        jax.ShapeDtypeStruct((NC, NS, NPH), jnp.float32),
    ],
    mesh=_mesh,
    compiler_params=pltpu.CompilerParams(needs_layout_passes=False),
    scratch_types=[
        pltpu.VMEM((N,), jnp.float32),
        pltpu.VMEM((N,), jnp.float32),
        pltpu.VMEM((NPH,), jnp.float32),
        pltpu.VMEM((CPB, CHUNK), jnp.int32),
        pltpu.VMEM((CPB, CHUNK), jnp.int32),
        pltpu.VMEM((CHUNK,), jnp.float32),
        pltpu.VMEM((CHUNK, F), jnp.float32),
        pltpu.VMEM((CHUNK, F), jnp.float32),
        pltpu.VMEM_SHARED((NPH, F), jnp.float32),
        pltpu.SemaphoreType.DMA,
    ],
)
def _sc_edge_kernel(pq_hbm, src_hbm, dst_hbm, z_hbm,
                    u_out, s_out,
                    p_v, q_v, s_v, src_v, dst_v, w_v, rows_v, rows2_v, u_sh,
                    sem):
    cid = lax.axis_index("c")
    sid = lax.axis_index("s")
    row0 = sid * ROWS_PS
    lo = cid * HALF
    hi = jnp.where(cid == 0, HALF, N)

    pltpu.sync_copy(pq_hbm.at[0], p_v)
    pltpu.sync_copy(pq_hbm.at[1], q_v)

    zero16 = jnp.zeros((L,), jnp.float32)

    def zs_body(i, carry):
        s_v[pl.ds(i * L, L)] = zero16
        return carry

    lax.fori_loop(0, NPH // L, zs_body, 0)

    def zr_body(r, carry):
        for j in range(F // L):
            rows_v[r, pl.ds(j * L, L)] = zero16
        return carry

    lax.fori_loop(0, CHUNK, zr_body, 0)
    for b in range(ROWS_PS // CHUNK):
        pltpu.sync_copy(rows_v, u_sh.at[pl.ds(row0 + b * CHUNK, CHUNK)])

    plsc.subcore_barrier()

    def weights(c):
        for g in range(GROUPS):
            s16 = src_v[c, pl.ds(g * L, L)]
            d16 = dst_v[c, pl.ds(g * L, L)]
            p16 = plsc.load_gather(p_v, [s16])
            q16 = plsc.load_gather(q_v, [d16])
            w16 = jnp.exp(_gelu_exact(p16 + q16))
            w_v[pl.ds(g * L, L)] = w16
            ok = (d16 >= lo) & (d16 < hi)
            l16 = jnp.where(ok, d16 - lo, GARB)
            dst_v[c, pl.ds(g * L, L)] = l16
            plsc.addupdate_scatter(s_v, [l16], w16)

    def scale_scatter(c, rv):
        @plsc.parallel_loop(0, CHUNK, unroll=2)
        def scale(e):
            wb = plsc.load_gather(w_v, [jnp.full((L,), e, jnp.int32)])
            for j in range(F // L):
                rv[e, pl.ds(j * L, L)] = rv[e, pl.ds(j * L, L)] * wb

        pltpu.sync_copy(rv, u_sh.at[dst_v.at[c]], add=True)

    def batch_body(b, carry):
        pltpu.sync_copy(src_hbm.at[sid * NBATCH + b], src_v)
        pltpu.sync_copy(dst_hbm.at[sid * NBATCH + b], dst_v)
        pltpu.async_copy(z_hbm.at[src_v.at[0]], rows_v, sem)

        def pair_body(k, carry2):
            c0 = 2 * k
            pltpu.async_copy(z_hbm.at[src_v.at[c0 + 1]], rows2_v, sem)
            weights(c0)
            pltpu.make_async_copy(z_hbm.at[src_v.at[c0]], rows_v, sem).wait()
            scale_scatter(c0, rows_v)
            pltpu.async_copy(z_hbm.at[src_v.at[c0 + 2]], rows_v, sem)
            weights(c0 + 1)
            pltpu.make_async_copy(
                z_hbm.at[src_v.at[c0 + 1]], rows2_v, sem).wait()
            scale_scatter(c0 + 1, rows2_v)
            return carry2

        lax.fori_loop(0, (CPB - 1) // 2, pair_body, 0)
        weights(CPB - 1)
        pltpu.make_async_copy(
            z_hbm.at[src_v.at[CPB - 1]], rows_v, sem).wait()
        scale_scatter(CPB - 1, rows_v)
        return carry

    lax.fori_loop(0, NBATCH, batch_body, 0)

    plsc.subcore_barrier()
    pltpu.sync_copy(u_sh.at[pl.ds(row0, ROWS_PS)],
                    u_out.at[cid, pl.ds(row0, ROWS_PS)])
    pltpu.sync_copy(s_v, s_out.at[cid, sid])


def _combine_body(u2_ref, sp_ref, h_ref):
    u = jnp.concatenate(
        [u2_ref[0, :HALF], u2_ref[1, :N - HALF]], axis=0)
    sp = jnp.sum(sp_ref[...], axis=1)
    s = jnp.concatenate([sp[0, :HALF], sp[1, :N - HALF]], axis=0)[:, None]
    safe = jnp.where(s > 0.0, s, 1.0)
    h_ref[...] = jnp.where(s > 0.0, u / safe, 0.0)


_combine_call = pl.pallas_call(
    _combine_body,
    out_shape=jax.ShapeDtypeStruct((N, F), jnp.float32),
)


@jax.jit
def kernel(feature, edge_index, W_out, b_out, attn_w):
    src = edge_index[0].reshape(NS * NBATCH, CPB, CHUNK)
    dst = edge_index[1].reshape(NS * NBATCH, CPB, CHUNK)
    awt = jnp.stack([attn_w[:F, 0], attn_w[F:, 0]])
    z, pq = _dense_call(feature, W_out, b_out.reshape(1, F), awt)
    u2, sp = _sc_edge_kernel(pq, src, dst, z)
    return _combine_call(u2, sp)

# --- scband reference (transcript-rebuilt; emitter-appended) ---
"""Pipeline reference for scband-gcn-attention-88630945120523 (READ-ONLY COPY).

The authoritative reference and input builder live on the scoring server;
editing this copy changes nothing except your own understanding.
"""

import jax, jax.numpy as jnp
import numpy as np

N_NODES = 10000
N_EDGES = 320000
IN_FEAT = 128
OUT_FEAT = 128


def setup_inputs(seed: int = 0) -> dict:
    key = jax.random.key(seed)
    k1, k2, k3, k4, k5 = jax.random.split(key, 5)
    feature = jax.random.normal(k1, (N_NODES, IN_FEAT), dtype=jnp.float32)
    edge_index = jax.random.randint(k2, (2, N_EDGES), 0, N_NODES, dtype=jnp.int32)
    # Learned params (torch: outlinear Linear(in,out), attn_fc Linear(2*out,1,bias=False))
    lim = 1.0 / np.sqrt(IN_FEAT)
    W_out = jax.random.uniform(k3, (IN_FEAT, OUT_FEAT), dtype=jnp.float32, minval=-lim, maxval=lim)
    b_out = jax.random.uniform(k4, (OUT_FEAT,), dtype=jnp.float32, minval=-lim, maxval=lim)
    lim2 = 1.0 / np.sqrt(2 * OUT_FEAT)
    attn_w = jax.random.uniform(k5, (2 * OUT_FEAT, 1), dtype=jnp.float32, minval=-lim2, maxval=lim2)
    return {"feature": feature, "edge_index": edge_index, "W_out": W_out, "b_out": b_out, "attn_w": attn_w}


def reference(feature, edge_index, W_out, b_out, attn_w):
    # z = outlinear(feature)
    z = feature @ W_out + b_out  # [N, OUT]
    src = edge_index[0]
    dst = edge_index[1]
    z_src = jnp.take(z, src, axis=0)  # gather [E, OUT]
    z_dst = jnp.take(z, dst, axis=0)  # gather [E, OUT]
    # edge_attn: e = GELU(attn_fc(cat(z_src, z_dst)))
    a = jnp.concatenate([z_src, z_dst], axis=1) @ attn_w  # [E, 1]
    e = jax.nn.gelu(a, approximate=False)[:, 0]  # [E] (torch nn.GELU default = exact)
    # reducer: per-dst-node softmax over incoming edges, then weighted sum of z_src
    m = jax.ops.segment_max(e, dst, num_segments=N_NODES)
    m = jnp.where(jnp.isfinite(m), m, 0.0)  # nodes with no in-edges
    ex = jnp.exp(e - jnp.take(m, dst))
    s = jax.ops.segment_sum(ex, dst, num_segments=N_NODES)
    alpha = ex / jnp.take(s, dst)  # edge softmax weights [E]
    h = jax.ops.segment_sum(alpha[:, None] * z_src, dst, num_segments=N_NODES)  # scatter-add [N, OUT]
    return h

if __name__ == "__main__":
    import jax
    _d = setup_inputs()
    print(jax.jit(kernel)(*tuple(_d.values())))

</pallas_src>

<mosaic_0001>
#map = affine_map<(d0, d1) -> (0, 0)>
#map1 = affine_map<(d0, d1) -> (0, 0, 0)>
module attributes {stable_mosaic.version = 14 : i64} {
  func.func @_sc_edge_kernel(%arg0: i32, %arg1: i32, %arg2: memref<2x10000xf32, #tpu.memory_space<hbm>>, %arg3: memref<160x25x80xi32, #tpu.memory_space<hbm>>, %arg4: memref<160x25x80xi32, #tpu.memory_space<hbm>>, %arg5: memref<10000x128xf32, #tpu.memory_space<hbm>>, %arg6: memref<2x5120x128xf32, #tpu.memory_space<hbm>>, %arg7: memref<2x16x5120xf32, #tpu.memory_space<hbm>>, %arg8: memref<10000xf32, #tpu.memory_space<vmem>>, %arg9: memref<10000xf32, #tpu.memory_space<vmem>>, %arg10: memref<5120xf32, #tpu.memory_space<vmem>>, %arg11: memref<25x80xi32, #tpu.memory_space<vmem>>, %arg12: memref<25x80xi32, #tpu.memory_space<vmem>>, %arg13: memref<80xf32, #tpu.memory_space<vmem>>, %arg14: memref<80x128xf32, #tpu.memory_space<vmem>>, %arg15: memref<80x128xf32, #tpu.memory_space<vmem>>, %arg16: memref<5120x128xf32, #tpu.memory_space<vmem_shared>>, %arg17: memref<!tpu.dma_semaphore, #tpu.memory_space<semaphore_mem>>) attributes {dimension_semantics = [#tpu.dimension_semantics<core_parallel>, #tpu.dimension_semantics<subcore_parallel>], iteration_bounds = array<i64: 2, 16>, scalar_prefetch = 0 : i64, scratch_operands = 10 : i64, tpu.core_type = #tpu.core_type<sc_vector_subcore>, window_params = [{transform_indices = #map}, {transform_indices = #map1}, {transform_indices = #map1}, {transform_indices = #map}, {transform_indices = #map1}, {transform_indices = #map1}]} {
    %mul3A = arith.constant 320 : i32
    %mul3A_0 = arith.muli %arg1, %mul3A : i32
    %mul3A_1 = arith.constant 5000 : i32
    %mul3A_2 = arith.muli %arg0, %mul3A_1 : i32
    %eq3A = arith.constant 0 : i32
    %eq3A_3 = arith.cmpi eq, %arg0, %eq3A : i32
    %jit3A = arith.constant 5000 : i32
    %jit3A_4 = arith.constant 10000 : i32
    %select_n3A = arith.select %eq3A_3, %jit3A, %jit3A_4 : i32
    %run_scoped3A = arith.constant 0 : i32
    "tpu.region"() ({
      %run_scoped3A_32 = tpu.sem_alloc : memref<!tpu.dma_semaphore, #tpu.memory_space<semaphore_mem>>
      %dma_start3A = arith.constant 0 : i32
      %dma_start3A_33 = tpu.memref_slice %arg2[%run_scoped3A, %dma_start3A] : memref<2x10000xf32, #tpu.memory_space<hbm>> -> memref<1x10000xf32, #tpu.memory_space<hbm>>
      %dma_start3A_34 = tpu.memref_squeeze %dma_start3A_33 : memref<1x10000xf32, #tpu.memory_space<hbm>> -> memref<10000xf32, #tpu.memory_space<hbm>>
      %dma_start3A_35 = arith.constant 0 : i32
      %dma_start3A_36 = tpu.memref_slice %arg2[%run_scoped3A, %dma_start3A_35] : memref<2x10000xf32, #tpu.memory_space<hbm>> -> memref<1x10000xf32, #tpu.memory_space<hbm>>
      %dma_start3A_37 = tpu.memref_squeeze %dma_start3A_36 : memref<1x10000xf32, #tpu.memory_space<hbm>> -> memref<10000xf32, #tpu.memory_space<hbm>>
      tpu.enqueue_dma source(%dma_start3A_37 : memref<10000xf32, #tpu.memory_space<hbm>>) target(%arg8 : memref<10000xf32, #tpu.memory_space<vmem>>) target_semaphore(%run_scoped3A_32 : memref<!tpu.dma_semaphore, #tpu.memory_space<semaphore_mem>>)
      %dma_wait3A = arith.constant 0 : i32
      %dma_wait3A_38 = tpu.memref_slice %arg2[%run_scoped3A, %dma_wait3A] : memref<2x10000xf32, #tpu.memory_space<hbm>> -> memref<1x10000xf32, #tpu.memory_space<hbm>>
      %dma_wait3A_39 = tpu.memref_squeeze %dma_wait3A_38 : memref<1x10000xf32, #tpu.memory_space<hbm>> -> memref<10000xf32, #tpu.memory_space<hbm>>
      %dma_wait3A_40 = arith.constant 0 : i32
      %dma_wait3A_41 = tpu.memref_slice %arg2[%run_scoped3A, %dma_wait3A_40] : memref<2x10000xf32, #tpu.memory_space<hbm>> -> memref<1x10000xf32, #tpu.memory_space<hbm>>
      %dma_wait3A_42 = tpu.memref_squeeze %dma_wait3A_41 : memref<1x10000xf32, #tpu.memory_space<hbm>> -> memref<10000xf32, #tpu.memory_space<hbm>>
      tpu.wait_dma2 semaphore(%run_scoped3A_32 : memref<!tpu.dma_semaphore, #tpu.memory_space<semaphore_mem>>) src(%dma_wait3A_42 : memref<10000xf32, #tpu.memory_space<hbm>>) dst(%arg8 : memref<10000xf32, #tpu.memory_space<vmem>>)
      tpu.yield
    }) : () -> ()
    %run_scoped3A_5 = arith.constant 1 : i32
    "tpu.region"() ({
      %run_scoped3A_32 = tpu.sem_alloc : memref<!tpu.dma_semaphore, #tpu.memory_space<semaphore_mem>>
      %dma_start3A = arith.constant 0 : i32
      %dma_start3A_33 = tpu.memref_slice %arg2[%run_scoped3A_5, %dma_start3A] : memref<2x10000xf32, #tpu.memory_space<hbm>> -> memref<1x10000xf32, #tpu.memory_space<hbm>>
      %dma_start3A_34 = tpu.memref_squeeze %dma_start3A_33 : memref<1x10000xf32, #tpu.memory_space<hbm>> -> memref<10000xf32, #tpu.memory_space<hbm>>
      %dma_start3A_35 = arith.constant 0 : i32
      %dma_start3A_36 = tpu.memref_slice %arg2[%run_scoped3A_5, %dma_start3A_35] : memref<2x10000xf32, #tpu.memory_space<hbm>> -> memref<1x10000xf32, #tpu.memory_space<hbm>>
      %dma_start3A_37 = tpu.memref_squeeze %dma_start3A_36 : memref<1x10000xf32, #tpu.memory_space<hbm>> -> memref<10000xf32, #tpu.memory_space<hbm>>
      tpu.enqueue_dma source(%dma_start3A_37 : memref<10000xf32, #tpu.memory_space<hbm>>) target(%arg9 : memref<10000xf32, #tpu.memory_space<vmem>>) target_semaphore(%run_scoped3A_32 : memref<!tpu.dma_semaphore, #tpu.memory_space<semaphore_mem>>)
      %dma_wait3A = arith.constant 0 : i32
      %dma_wait3A_38 = tpu.memref_slice %arg2[%run_scoped3A_5, %dma_wait3A] : memref<2x10000xf32, #tpu.memory_space<hbm>> -> memref<1x10000xf32, #tpu.memory_space<hbm>>
      %dma_wait3A_39 = tpu.memref_squeeze %dma_wait3A_38 : memref<1x10000xf32, #tpu.memory_space<hbm>> -> memref<10000xf32, #tpu.memory_space<hbm>>
      %dma_wait3A_40 = arith.constant 0 : i32
      %dma_wait3A_41 = tpu.memref_slice %arg2[%run_scoped3A_5, %dma_wait3A_40] : memref<2x10000xf32, #tpu.memory_space<hbm>> -> memref<1x10000xf32, #tpu.memory_space<hbm>>
      %dma_wait3A_42 = tpu.memref_squeeze %dma_wait3A_41 : memref<1x10000xf32, #tpu.memory_space<hbm>> -> memref<10000xf32, #tpu.memory_space<hbm>>
      tpu.wait_dma2 semaphore(%run_scoped3A_32 : memref<!tpu.dma_semaphore, #tpu.memory_space<semaphore_mem>>) src(%dma_wait3A_42 : memref<10000xf32, #tpu.memory_space<hbm>>) dst(%arg9 : memref<10000xf32, #tpu.memory_space<vmem>>)
      tpu.yield
    }) : () -> ()
    %broadcast_in_dim3A = arith.constant 0.000000e+00 : f32
    %broadcast_in_dim3A_6 = vector.broadcast %broadcast_in_dim3A : f32 to vector<16xf32>
    %scan3A = arith.constant 0 : i32
    %scan3A_7 = arith.constant 0 : i32
    %scan3A_8 = arith.constant 320 : i32
    %scan3A_9 = arith.addi %scan3A_7, %scan3A_8 : i32
    %scan3A_10 = arith.constant 1 : i32
    scf.for %scan3A_32 = %scan3A_7 to %scan3A_9 step %scan3A_10  : i32 {
      %mul3A_33 = arith.constant 16 : i32
      %mul3A_34 = arith.muli %scan3A_32, %mul3A_33 : i32
      %swap3A = arith.index_cast %mul3A_34 : i32 to index
      %swap3A_35 = tpu.vector_load %arg10[%swap3A] {strides = array<i32>} : memref<5120xf32, #tpu.memory_space<vmem>>, vector<16xf32>,
      tpu.vector_store %arg10[%swap3A], %broadcast_in_dim3A_6 {strides = array<i32>} : memref<5120xf32, #tpu.memory_space<vmem>>, vector<16xf32>,
    }
    %scan3A_11 = arith.constant 320 : i32
    %scan3A_12 = arith.constant 0 : i32
    %scan3A_13 = arith.constant 0 : i32
    %scan3A_14 = arith.constant 80 : i32
    %scan3A_15 = arith.addi %scan3A_13, %scan3A_14 : i32
    %scan3A_16 = arith.constant 1 : i32
    scf.for %scan3A_32 = %scan3A_13 to %scan3A_15 step %scan3A_16  : i32 {
      %swap3A = arith.index_cast %scan3A_32 : i32 to index
      %swap3A_33 = arith.constant 0 : index
      %swap3A_34 = tpu.vector_load %arg14[%swap3A, %swap3A_33] {strides = array<i32>} : memref<80x128xf32, #tpu.memory_space<vmem>>, vector<16xf32>,
      tpu.vector_store %arg14[%swap3A, %swap3A_33], %broadcast_in_dim3A_6 {strides = array<i32>} : memref<80x128xf32, #tpu.memory_space<vmem>>, vector<16xf32>,
      %swap3A_35 = arith.index_cast %scan3A_32 : i32 to index
      %swap3A_36 = arith.constant 16 : index
      %swap3A_37 = tpu.vector_load %arg14[%swap3A_35, %swap3A_36] {strides = array<i32>} : memref<80x128xf32, #tpu.memory_space<vmem>>, vector<16xf32>,
      tpu.vector_store %arg14[%swap3A_35, %swap3A_36], %broadcast_in_dim3A_6 {strides = array<i32>} : memref<80x128xf32, #tpu.memory_space<vmem>>, vector<16xf32>,
      %swap3A_38 = arith.index_cast %scan3A_32 : i32 to index
      %swap3A_39 = arith.constant 32 : index
      %swap3A_40 = tpu.vector_load %arg14[%swap3A_38, %swap3A_39] {strides = array<i32>} : memref<80x128xf32, #tpu.memory_space<vmem>>, vector<16xf32>,
      tpu.vector_store %arg14[%swap3A_38, %swap3A_39], %broadcast_in_dim3A_6 {strides = array<i32>} : memref<80x128xf32, #tpu.memory_space<vmem>>, vector<16xf32>,
      %swap3A_41 = arith.index_cast %scan3A_32 : i32 to index
      %swap3A_42 = arith.constant 48 : index
      %swap3A_43 = tpu.vector_load %arg14[%swap3A_41, %swap3A_42] {strides = array<i32>} : memref<80x128xf32, #tpu.memory_space<vmem>>, vector<16xf32>,
      tpu.vector_store %arg14[%swap3A_41, %swap3A_42], %broadcast_in_dim3A_6 {strides = array<i32>} : memref<80x128xf32, #tpu.memory_space<vmem>>, vector<16xf32>,
      %swap3A_44 = arith.index_cast %scan3A_32 : i32 to index
      %swap3A_45 = arith.constant 64 : index
      %swap3A_46 = tpu.vector_load %arg14[%swap3A_44, %swap3A_45] {strides = array<i32>} : memref<80x128xf32, #tpu.memory_space<vmem>>, vector<16xf32>,
      tpu.vector_store %arg14[%swap3A_44, %swap3A_45], %broadcast_in_dim3A_6 {strides = array<i32>} : memref<80x128xf32, #tpu.memory_space<vmem>>, vector<16xf32>,
      %swap3A_47 = arith.index_cast %scan3A_32 : i32 to index
      %swap3A_48 = arith.constant 80 : index
      %swap3A_49 = tpu.vector_load %arg14[%swap3A_47, %swap3A_48] {strides = array<i32>} : memref<80x128xf32, #tpu.memory_space<vmem>>, vector<16xf32>,
      tpu.vector_store %arg14[%swap3A_47, %swap3A_48], %broadcast_in_dim3A_6 {strides = array<i32>} : memref<80x128xf32, #tpu.memory_space<vmem>>, vector<16xf32>,
      %swap3A_50 = arith.index_cast %scan3A_32 : i32 to index
      %swap3A_51 = arith.constant 96 : index
      %swap3A_52 = tpu.vector_load %arg14[%swap3A_50, %swap3A_51] {strides = array<i32>} : memref<80x128xf32, #tpu.memory_space<vmem>>, vector<16xf32>,
      tpu.vector_store %arg14[%swap3A_50, %swap3A_51], %broadcast_in_dim3A_6 {strides = array<i32>} : memref<80x128xf32, #tpu.memory_space<vmem>>, vector<16xf32>,
      %swap3A_53 = arith.index_cast %scan3A_32 : i32 to index
      %swap3A_54 = arith.constant 112 : index
      %swap3A_55 = tpu.vector_load %arg14[%swap3A_53, %swap3A_54] {strides = array<i32>} : memref<80x128xf32, #tpu.memory_space<vmem>>, vector<16xf32>,
      tpu.vector_store %arg14[%swap3A_53, %swap3A_54], %broadcast_in_dim3A_6 {strides = array<i32>} : memref<80x128xf32, #tpu.memory_space<vmem>>, vector<16xf32>,
    }
    %scan3A_17 = arith.constant 80 : i32
    %add3A = arith.constant 0 : i32
    %add3A_18 = arith.addi %mul3A_0, %add3A : i32
    "tpu.region"() ({
      %run_scoped3A_32 = tpu.sem_alloc : memref<!tpu.dma_semaphore, #tpu.memory_space<semaphore_mem>>
      %dma_start3A = arith.constant 0 : i32
      %dma_start3A_33 = tpu.memref_slice %arg16[%add3A_18, %dma_start3A] : memref<5120x128xf32, #tpu.memory_space<vmem_shared>> -> memref<80x128xf32, #tpu.memory_space<vmem_shared>>
      %dma_start3A_34 = arith.constant 0 : i32
      %dma_start3A_35 = tpu.memref_slice %arg16[%add3A_18, %dma_start3A_34] : memref<5120x128xf32, #tpu.memory_space<vmem_shared>> -> memref<80x128xf32, #tpu.memory_space<vmem_shared>>
      tpu.enqueue_dma source(%arg14 : memref<80x128xf32, #tpu.memory_space<vmem>>) target(%dma_start3A_35 : memref<80x128xf32, #tpu.memory_space<vmem_shared>>) target_semaphore(%run_scoped3A_32 : memref<!tpu.dma_semaphore, #tpu.memory_space<semaphore_mem>>)
      %dma_wait3A = arith.constant 0 : i32
      %dma_wait3A_36 = tpu.memref_slice %arg16[%add3A_18, %dma_wait3A] : memref<5120x128xf32, #tpu.memory_space<vmem_shared>> -> memref<80x128xf32, #tpu.memory_space<vmem_shared>>
      %dma_wait3A_37 = arith.constant 0 : i32
      %dma_wait3A_38 = tpu.memref_slice %arg16[%add3A_18, %dma_wait3A_37] : memref<5120x128xf32, #tpu.memory_space<vmem_shared>> -> memref<80x128xf32, #tpu.memory_space<vmem_shared>>
      tpu.wait_dma2 semaphore(%run_scoped3A_32 : memref<!tpu.dma_semaphore, #tpu.memory_space<semaphore_mem>>) src(%arg14 : memref<80x128xf32, #tpu.memory_space<vmem>>) dst(%dma_wait3A_38 : memref<80x128xf32, #tpu.memory_space<vmem_shared>>)
      tpu.yield
    }) : () -> ()
    %add3A_19 = arith.constant 80 : i32
    %add3A_20 = arith.addi %mul3A_0, %add3A_19 : i32
    "tpu.region"() ({
      %run_scoped3A_32 = tpu.sem_alloc : memref<!tpu.dma_semaphore, #tpu.memory_space<semaphore_mem>>
      %dma_start3A = arith.constant 0 : i32
      %dma_start3A_33 = tpu.memref_slice %arg16[%add3A_20, %dma_start3A] : memref<5120x128xf32, #tpu.memory_space<vmem_shared>> -> memref<80x128xf32, #tpu.memory_space<vmem_shared>>
      %dma_start3A_34 = arith.constant 0 : i32
      %dma_start3A_35 = tpu.memref_slice %arg16[%add3A_20, %dma_start3A_34] : memref<5120x128xf32, #tpu.memory_space<vmem_shared>> -> memref<80x128xf32, #tpu.memory_space<vmem_shared>>
      tpu.enqueue_dma source(%arg14 : memref<80x128xf32, #tpu.memory_space<vmem>>) target(%dma_start3A_35 : memref<80x128xf32, #tpu.memory_space<vmem_shared>>) target_semaphore(%run_scoped3A_32 : memref<!tpu.dma_semaphore, #tpu.memory_space<semaphore_mem>>)
      %dma_wait3A = arith.constant 0 : i32
      %dma_wait3A_36 = tpu.memref_slice %arg16[%add3A_20, %dma_wait3A] : memref<5120x128xf32, #tpu.memory_space<vmem_shared>> -> memref<80x128xf32, #tpu.memory_space<vmem_shared>>
      %dma_wait3A_37 = arith.constant 0 : i32
      %dma_wait3A_38 = tpu.memref_slice %arg16[%add3A_20, %dma_wait3A_37] : memref<5120x128xf32, #tpu.memory_space<vmem_shared>> -> memref<80x128xf32, #tpu.memory_space<vmem_shared>>
      tpu.wait_dma2 semaphore(%run_scoped3A_32 : memref<!tpu.dma_semaphore, #tpu.memory_space<semaphore_mem>>) src(%arg14 : memref<80x128xf32, #tpu.memory_space<vmem>>) dst(%dma_wait3A_38 : memref<80x128xf32, #tpu.memory_space<vmem_shared>>)
      tpu.yield
    }) : () -> ()
    %add3A_21 = arith.constant 160 : i32
    %add3A_22 = arith.addi %mul3A_0, %add3A_21 : i32
    "tpu.region"() ({
      %run_scoped3A_32 = tpu.sem_alloc : memref<!tpu.dma_semaphore, #tpu.memory_space<semaphore_mem>>
      %dma_start3A = arith.constant 0 : i32
      %dma_start3A_33 = tpu.memref_slice %arg16[%add3A_22, %dma_start3A] : memref<5120x128xf32, #tpu.memory_space<vmem_shared>> -> memref<80x128xf32, #tpu.memory_space<vmem_shared>>
      %dma_start3A_34 = arith.constant 0 : i32
      %dma_start3A_35 = tpu.memref_slice %arg16[%add3A_22, %dma_start3A_34] : memref<5120x128xf32, #tpu.memory_space<vmem_shared>> -> memref<80x128xf32, #tpu.memory_space<vmem_shared>>
      tpu.enqueue_dma source(%arg14 : memref<80x128xf32, #tpu.memory_space<vmem>>) target(%dma_start3A_35 : memref<80x128xf32, #tpu.memory_space<vmem_shared>>) target_semaphore(%run_scoped3A_32 : memref<!tpu.dma_semaphore, #tpu.memory_space<semaphore_mem>>)
      %dma_wait3A = arith.constant 0 : i32
      %dma_wait3A_36 = tpu.memref_slice %arg16[%add3A_22, %dma_wait3A] : memref<5120x128xf32, #tpu.memory_space<vmem_shared>> -> memref<80x128xf32, #tpu.memory_space<vmem_shared>>
      %dma_wait3A_37 = arith.constant 0 : i32
      %dma_wait3A_38 = tpu.memref_slice %arg16[%add3A_22, %dma_wait3A_37] : memref<5120x128xf32, #tpu.memory_space<vmem_shared>> -> memref<80x128xf32, #tpu.memory_space<vmem_shared>>
      tpu.wait_dma2 semaphore(%run_scoped3A_32 : memref<!tpu.dma_semaphore, #tpu.memory_space<semaphore_mem>>) src(%arg14 : memref<80x128xf32, #tpu.memory_space<vmem>>) dst(%dma_wait3A_38 : memref<80x128xf32, #tpu.memory_space<vmem_shared>>)
      tpu.yield
    }) : () -> ()
    %add3A_23 = arith.constant 240 : i32
    %add3A_24 = arith.addi %mul3A_0, %add3A_23 : i32
    "tpu.region"() ({
      %run_scoped3A_32 = tpu.sem_alloc : memref<!tpu.dma_semaphore, #tpu.memory_space<semaphore_mem>>
      %dma_start3A = arith.constant 0 : i32
      %dma_start3A_33 = tpu.memref_slice %arg16[%add3A_24, %dma_start3A] : memref<5120x128xf32, #tpu.memory_space<vmem_shared>> -> memref<80x128xf32, #tpu.memory_space<vmem_shared>>
      %dma_start3A_34 = arith.constant 0 : i32
      %dma_start3A_35 = tpu.memref_slice %arg16[%add3A_24, %dma_start3A_34] : memref<5120x128xf32, #tpu.memory_space<vmem_shared>> -> memref<80x128xf32, #tpu.memory_space<vmem_shared>>
      tpu.enqueue_dma source(%arg14 : memref<80x128xf32, #tpu.memory_space<vmem>>) target(%dma_start3A_35 : memref<80x128xf32, #tpu.memory_space<vmem_shared>>) target_semaphore(%run_scoped3A_32 : memref<!tpu.dma_semaphore, #tpu.memory_space<semaphore_mem>>)
      %dma_wait3A = arith.constant 0 : i32
      %dma_wait3A_36 = tpu.memref_slice %arg16[%add3A_24, %dma_wait3A] : memref<5120x128xf32, #tpu.memory_space<vmem_shared>> -> memref<80x128xf32, #tpu.memory_space<vmem_shared>>
      %dma_wait3A_37 = arith.constant 0 : i32
      %dma_wait3A_38 = tpu.memref_slice %arg16[%add3A_24, %dma_wait3A_37] : memref<5120x128xf32, #tpu.memory_space<vmem_shared>> -> memref<80x128xf32, #tpu.memory_space<vmem_shared>>
      tpu.wait_dma2 semaphore(%run_scoped3A_32 : memref<!tpu.dma_semaphore, #tpu.memory_space<semaphore_mem>>) src(%arg14 : memref<80x128xf32, #tpu.memory_space<vmem>>) dst(%dma_wait3A_38 : memref<80x128xf32, #tpu.memory_space<vmem_shared>>)
      tpu.yield
    }) : () -> ()
    %barrier3A = arith.constant 0 : index
    tpu.barrier barrier_id(%barrier3A)
    %scan3A_25 = arith.constant 0 : i32
    %scan3A_26 = arith.constant 0 : i32
    %scan3A_27 = arith.constant 10 : i32
    %scan3A_28 = arith.addi %scan3A_26, %scan3A_27 : i32
    %scan3A_29 = arith.constant 1 : i32
    scf.for %scan3A_32 = %scan3A_26 to %scan3A_28 step %scan3A_29  : i32 {
      %mul3A_33 = arith.constant 10 : i32
      %mul3A_34 = arith.muli %arg1, %mul3A_33 : i32
      %add3A_35 = arith.addi %mul3A_34, %scan3A_32 : i32
      "tpu.region"() ({
        %run_scoped3A_464 = tpu.sem_alloc : memref<!tpu.dma_semaphore, #tpu.memory_space<semaphore_mem>>
        %dma_start3A_465 = arith.constant 0 : i32
        %dma_start3A_466 = arith.constant 0 : i32
        %dma_start3A_467 = tpu.memref_slice %arg3[%add3A_35, %dma_start3A_465, %dma_start3A_466] : memref<160x25x80xi32, #tpu.memory_space<hbm>> -> memref<1x25x80xi32, #tpu.memory_space<hbm>>
        %dma_start3A_468 = tpu.memref_squeeze %dma_start3A_467 : memref<1x25x80xi32, #tpu.memory_space<hbm>> -> memref<25x80xi32, #tpu.memory_space<hbm>>
        %dma_start3A_469 = arith.constant 0 : i32
        %dma_start3A_470 = arith.constant 0 : i32
        %dma_start3A_471 = tpu.memref_slice %arg3[%add3A_35, %dma_start3A_469, %dma_start3A_470] : memref<160x25x80xi32, #tpu.memory_space<hbm>> -> memref<1x25x80xi32, #tpu.memory_space<hbm>>
        %dma_start3A_472 = tpu.memref_squeeze %dma_start3A_471 : memref<1x25x80xi32, #tpu.memory_space<hbm>> -> memref<25x80xi32, #tpu.memory_space<hbm>>
        tpu.enqueue_dma source(%dma_start3A_472 : memref<25x80xi32, #tpu.memory_space<hbm>>) target(%arg11 : memref<25x80xi32, #tpu.memory_space<vmem>>) target_semaphore(%run_scoped3A_464 : memref<!tpu.dma_semaphore, #tpu.memory_space<semaphore_mem>>)
        %dma_wait3A_473 = arith.constant 0 : i32
        %dma_wait3A_474 = arith.constant 0 : i32
        %dma_wait3A_475 = tpu.memref_slice %arg3[%add3A_35, %dma_wait3A_473, %dma_wait3A_474] : memref<160x25x80xi32, #tpu.memory_space<hbm>> -> memref<1x25x80xi32, #tpu.memory_space<hbm>>
        %dma_wait3A_476 = tpu.memref_squeeze %dma_wait3A_475 : memref<1x25x80xi32, #tpu.memory_space<hbm>> -> memref<25x80xi32, #tpu.memory_space<hbm>>
        %dma_wait3A_477 = arith.constant 0 : i32
        %dma_wait3A_478 = arith.constant 0 : i32
        %dma_wait3A_479 = tpu.memref_slice %arg3[%add3A_35, %dma_wait3A_477, %dma_wait3A_478] : memref<160x25x80xi32, #tpu.memory_space<hbm>> -> memref<1x25x80xi32, #tpu.memory_space<hbm>>
        %dma_wait3A_480 = tpu.memref_squeeze %dma_wait3A_479 : memref<1x25x80xi32, #tpu.memory_space<hbm>> -> memref<25x80xi32, #tpu.memory_space<hbm>>
        tpu.wait_dma2 semaphore(%run_scoped3A_464 : memref<!tpu.dma_semaphore, #tpu.memory_space<semaphore_mem>>) src(%dma_wait3A_480 : memref<25x80xi32, #tpu.memory_space<hbm>>) dst(%arg11 : memref<25x80xi32, #tpu.memory_space<vmem>>)
        tpu.yield
      }) : () -> ()
      %mul3A_36 = arith.constant 10 : i32
      %mul3A_37 = arith.muli %arg1, %mul3A_36 : i32
      %add3A_38 = arith.addi %mul3A_37, %scan3A_32 : i32
      "tpu.region"() ({
        %run_scoped3A_464 = tpu.sem_alloc : memref<!tpu.dma_semaphore, #tpu.memory_space<semaphore_mem>>
        %dma_start3A_465 = arith.constant 0 : i32
        %dma_start3A_466 = arith.constant 0 : i32
        %dma_start3A_467 = tpu.memref_slice %arg4[%add3A_38, %dma_start3A_465, %dma_start3A_466] : memref<160x25x80xi32, #tpu.memory_space<hbm>> -> memref<1x25x80xi32, #tpu.memory_space<hbm>>
        %dma_start3A_468 = tpu.memref_squeeze %dma_start3A_467 : memref<1x25x80xi32, #tpu.memory_space<hbm>> -> memref<25x80xi32, #tpu.memory_space<hbm>>
        %dma_start3A_469 = arith.constant 0 : i32
        %dma_start3A_470 = arith.constant 0 : i32
        %dma_start3A_471 = tpu.memref_slice %arg4[%add3A_38, %dma_start3A_469, %dma_start3A_470] : memref<160x25x80xi32, #tpu.memory_space<hbm>> -> memref<1x25x80xi32, #tpu.memory_space<hbm>>
        %dma_start3A_472 = tpu.memref_squeeze %dma_start3A_471 : memref<1x25x80xi32, #tpu.memory_space<hbm>> -> memref<25x80xi32, #tpu.memory_space<hbm>>
        tpu.enqueue_dma source(%dma_start3A_472 : memref<25x80xi32, #tpu.memory_space<hbm>>) target(%arg12 : memref<25x80xi32, #tpu.memory_space<vmem>>) target_semaphore(%run_scoped3A_464 : memref<!tpu.dma_semaphore, #tpu.memory_space<semaphore_mem>>)
        %dma_wait3A_473 = arith.constant 0 : i32
        %dma_wait3A_474 = arith.constant 0 : i32
        %dma_wait3A_475 = tpu.memref_slice %arg4[%add3A_38, %dma_wait3A_473, %dma_wait3A_474] : memref<160x25x80xi32, #tpu.memory_space<hbm>> -> memref<1x25x80xi32, #tpu.memory_space<hbm>>
        %dma_wait3A_476 = tpu.memref_squeeze %dma_wait3A_475 : memref<1x25x80xi32, #tpu.memory_space<hbm>> -> memref<25x80xi32, #tpu.memory_space<hbm>>
        %dma_wait3A_477 = arith.constant 0 : i32
        %dma_wait3A_478 = arith.constant 0 : i32
        %dma_wait3A_479 = tpu.memref_slice %arg4[%add3A_38, %dma_wait3A_477, %dma_wait3A_478] : memref<160x25x80xi32, #tpu.memory_space<hbm>> -> memref<1x25x80xi32, #tpu.memory_space<hbm>>
        %dma_wait3A_480 = tpu.memref_squeeze %dma_wait3A_479 : memref<1x25x80xi32, #tpu.memory_space<hbm>> -> memref<25x80xi32, #tpu.memory_space<hbm>>
        tpu.wait_dma2 semaphore(%run_scoped3A_464 : memref<!tpu.dma_semaphore, #tpu.memory_space<semaphore_mem>>) src(%dma_wait3A_480 : memref<25x80xi32, #tpu.memory_space<hbm>>) dst(%arg12 : memref<25x80xi32, #tpu.memory_space<vmem>>)
        tpu.yield
      }) : () -> ()
      %dma_start3A = arith.constant 0 : i32
      %dma_start3A_39 = arith.constant 0 : i32
      %dma_start3A_40 = tpu.memref_slice %arg11[%dma_start3A, %dma_start3A_39] : memref<25x80xi32, #tpu.memory_space<vmem>> -> memref<1x80xi32, #tpu.memory_space<vmem>>
      %dma_start3A_41 = tpu.memref_squeeze %dma_start3A_40 : memref<1x80xi32, #tpu.memory_space<vmem>> -> memref<80xi32, #tpu.memory_space<vmem>>
      %dma_start3A_42 = arith.constant 0 : i32
      %dma_start3A_43 = arith.constant 0 : i32
      %dma_start3A_44 = tpu.memref_slice %arg5[%dma_start3A_42, %dma_start3A_43] : memref<10000x128xf32, #tpu.memory_space<hbm>> -> memref<10000x128xf32, #tpu.memory_space<hbm>>
      tpu.enqueue_indirect_dma source(%dma_start3A_44 : memref<10000x128xf32, #tpu.memory_space<hbm>>) target(%arg14 : memref<80x128xf32, #tpu.memory_space<vmem>>) offsets(%dma_start3A_41 : memref<80xi32, #tpu.memory_space<vmem>>) semaphore(%arg17 : memref<!tpu.dma_semaphore, #tpu.memory_space<semaphore_mem>>)
      %scan3A_45 = arith.constant 0 : i32
      %scan3A_46 = arith.constant 0 : i32
      %scan3A_47 = arith.constant 12 : i32
      %scan3A_48 = arith.addi %scan3A_46, %scan3A_47 : i32
      %scan3A_49 = arith.constant 1 : i32
      scf.for %scan3A_464 = %scan3A_46 to %scan3A_48 step %scan3A_49  : i32 {
        %mul3A_465 = arith.constant 2 : i32
        %mul3A_466 = arith.muli %mul3A_465, %scan3A_464 : i32
        %add3A_467 = arith.constant 1 : i32
        %add3A_468 = arith.addi %mul3A_466, %add3A_467 : i32
        %dma_start3A_469 = arith.constant 0 : i32
        %dma_start3A_470 = tpu.memref_slice %arg11[%add3A_468, %dma_start3A_469] : memref<25x80xi32, #tpu.memory_space<vmem>> -> memref<1x80xi32, #tpu.memory_space<vmem>>
        %dma_start3A_471 = tpu.memref_squeeze %dma_start3A_470 : memref<1x80xi32, #tpu.memory_space<vmem>> -> memref<80xi32, #tpu.memory_space<vmem>>
        %dma_start3A_472 = arith.constant 0 : i32
        %dma_start3A_473 = arith.constant 0 : i32
        %dma_start3A_474 = tpu.memref_slice %arg5[%dma_start3A_472, %dma_start3A_473] : memref<10000x128xf32, #tpu.memory_space<hbm>> -> memref<10000x128xf32, #tpu.memory_space<hbm>>
        tpu.enqueue_indirect_dma source(%dma_start3A_474 : memref<10000x128xf32, #tpu.memory_space<hbm>>) target(%arg15 : memref<80x128xf32, #tpu.memory_space<vmem>>) offsets(%dma_start3A_471 : memref<80xi32, #tpu.memory_space<vmem>>) semaphore(%arg17 : memref<!tpu.dma_semaphore, #tpu.memory_space<semaphore_mem>>)
        %get3A_475 = arith.index_cast %mul3A_466 : i32 to index
        %get3A_476 = arith.constant 0 : index
        %get3A_477 = tpu.vector_load %arg11[%get3A_475, %get3A_476] {strides = array<i32>} : memref<25x80xi32, #tpu.memory_space<vmem>>, vector<16xi32>,
        %get3A_478 = arith.index_cast %mul3A_466 : i32 to index
        %get3A_479 = arith.constant 0 : index
        %get3A_480 = tpu.vector_load %arg12[%get3A_478, %get3A_479] {strides = array<i32>} : memref<25x80xi32, #tpu.memory_space<vmem>>, vector<16xi32>,
        %gather3A_481 = tpu.vector_load_idx %arg8[%get3A_477] : memref<10000xf32, #tpu.memory_space<vmem>>[vector<16xi32>], vector<16xf32>,
        %gather3A_482 = tpu.vector_load_idx %arg9[%get3A_480] : memref<10000xf32, #tpu.memory_space<vmem>>[vector<16xi32>], vector<16xf32>,
        %add3A_483 = arith.addf %gather3A_481, %gather3A_482 : vector<16xf32>
        %mul3A_484 = arith.constant 0.707106769 : f32
        %mul3A_485 = vector.broadcast %mul3A_484 : f32 to vector<16xf32>
        %mul3A_486 = arith.mulf %add3A_483, %mul3A_485 : vector<16xf32>
        %abs3A_487 = math.absf %mul3A_486 : vector<16xf32>
        %mul3A_488 = arith.constant 0.327591091 : f32
        %mul3A_489 = vector.broadcast %mul3A_488 : f32 to vector<16xf32>
        %mul3A_490 = arith.mulf %mul3A_489, %abs3A_487 : vector<16xf32>
        %add3A_491 = arith.constant 1.000000e+00 : f32
        %add3A_492 = vector.broadcast %add3A_491 : f32 to vector<16xf32>
        %add3A_493 = arith.addf %add3A_492, %mul3A_490 : vector<16xf32>
        %div3A_494 = arith.constant 1.000000e+00 : f32
        %div3A_495 = vector.broadcast %div3A_494 : f32 to vector<16xf32>
        %div3A_496 = arith.divf %div3A_495, %add3A_493 : vector<16xf32>
        %mul3A_497 = arith.constant 1.06140542 : f32
        %mul3A_498 = vector.broadcast %mul3A_497 : f32 to vector<16xf32>
        %mul3A_499 = arith.mulf %div3A_496, %mul3A_498 : vector<16xf32>
        %add3A_500 = arith.constant -1.45315206 : f32
        %add3A_501 = vector.broadcast %add3A_500 : f32 to vector<16xf32>
        %add3A_502 = arith.addf %add3A_501, %mul3A_499 : vector<16xf32>
        %mul3A_503 = arith.mulf %div3A_496, %add3A_502 : vector<16xf32>
        %add3A_504 = arith.constant 1.42141378 : f32
        %add3A_505 = vector.broadcast %add3A_504 : f32 to vector<16xf32>
        %add3A_506 = arith.addf %add3A_505, %mul3A_503 : vector<16xf32>
        %mul3A_507 = arith.mulf %div3A_496, %add3A_506 : vector<16xf32>
        %add3A_508 = arith.constant -0.284496725 : f32
        %add3A_509 = vector.broadcast %add3A_508 : f32 to vector<16xf32>
        %add3A_510 = arith.addf %add3A_509, %mul3A_507 : vector<16xf32>
        %mul3A_511 = arith.mulf %div3A_496, %add3A_510 : vector<16xf32>
        %add3A_512 = arith.constant 0.254829586 : f32
        %add3A_513 = vector.broadcast %add3A_512 : f32 to vector<16xf32>
        %add3A_514 = arith.addf %add3A_513, %mul3A_511 : vector<16xf32>
        %mul3A_515 = arith.mulf %div3A_496, %add3A_514 : vector<16xf32>
        %mul3A_516 = arith.mulf %abs3A_487, %abs3A_487 : vector<16xf32>
        %neg3A_517 = arith.constant 0.000000e+00 : f32
        %neg3A_518 = vector.broadcast %neg3A_517 : f32 to vector<16xf32>
        %neg3A_519 = arith.subf %neg3A_518, %mul3A_516 : vector<16xf32>
        %exp3A_520 = math.exp %neg3A_519 : vector<16xf32>
        %mul3A_521 = arith.mulf %mul3A_515, %exp3A_520 : vector<16xf32>
        %sub3A_522 = arith.constant 1.000000e+00 : f32
        %sub3A_523 = vector.broadcast %sub3A_522 : f32 to vector<16xf32>
        %sub3A_524 = arith.subf %sub3A_523, %mul3A_521 : vector<16xf32>
        %ge3A_525 = arith.constant 0.000000e+00 : f32
        %ge3A_526 = vector.broadcast %ge3A_525 : f32 to vector<16xf32>
        %ge3A_527 = arith.cmpf oge, %mul3A_486, %ge3A_526 : vector<16xf32>
        %neg3A_528 = arith.constant 0.000000e+00 : f32
        %neg3A_529 = vector.broadcast %neg3A_528 : f32 to vector<16xf32>
        %neg3A_530 = arith.subf %neg3A_529, %sub3A_524 : vector<16xf32>
        %select_n3A_531 = arith.select %ge3A_527, %sub3A_524, %neg3A_530 : vector<16xi1>, vector<16xf32>
        %mul3A_532 = arith.constant 5.000000e-01 : f32
        %mul3A_533 = vector.broadcast %mul3A_532 : f32 to vector<16xf32>
        %mul3A_534 = arith.mulf %mul3A_533, %add3A_483 : vector<16xf32>
        %add3A_535 = arith.constant 1.000000e+00 : f32
        %add3A_536 = vector.broadcast %add3A_535 : f32 to vector<16xf32>
        %add3A_537 = arith.addf %add3A_536, %select_n3A_531 : vector<16xf32>
        %mul3A_538 = arith.mulf %mul3A_534, %add3A_537 : vector<16xf32>
        %exp3A_539 = math.exp %mul3A_538 : vector<16xf32>
        %swap3A_540 = arith.constant 0 : index
        %swap3A_541 = tpu.vector_load %arg13[%swap3A_540] {strides = array<i32>} : memref<80xf32, #tpu.memory_space<vmem>>, vector<16xf32>,
        tpu.vector_store %arg13[%swap3A_540], %exp3A_539 {strides = array<i32>} : memref<80xf32, #tpu.memory_space<vmem>>, vector<16xf32>,
        %ge3A_542 = vector.broadcast %mul3A_2 : i32 to vector<16xi32>
        %ge3A_543 = arith.cmpi sge, %get3A_480, %ge3A_542 : vector<16xi32>
        %lt3A_544 = vector.broadcast %select_n3A : i32 to vector<16xi32>
        %lt3A_545 = arith.cmpi slt, %get3A_480, %lt3A_544 : vector<16xi32>
        %and3A_546 = arith.andi %ge3A_543, %lt3A_545 : vector<16xi1>
        %sub3A_547 = vector.broadcast %mul3A_2 : i32 to vector<16xi32>
        %sub3A_548 = arith.subi %get3A_480, %sub3A_547 : vector<16xi32>
        %jit3A_549 = arith.constant 5056 : i32
        %broadcast_in_dim3A_550 = vector.broadcast %jit3A_549 : i32 to vector<16xi32>
        %select_n3A_551 = arith.select %and3A_546, %sub3A_548, %broadcast_in_dim3A_550 : vector<16xi1>, vector<16xi32>
        %swap3A_552 = arith.index_cast %mul3A_466 : i32 to index
        %swap3A_553 = arith.constant 0 : index
        %swap3A_554 = tpu.vector_load %arg12[%swap3A_552, %swap3A_553] {strides = array<i32>} : memref<25x80xi32, #tpu.memory_space<vmem>>, vector<16xi32>,
        tpu.vector_store %arg12[%swap3A_552, %swap3A_553], %select_n3A_551 {strides = array<i32>} : memref<25x80xi32, #tpu.memory_space<vmem>>, vector<16xi32>,
        tpu.vector_store_idx %arg10[%select_n3A_551], %exp3A_539 {add = true} : memref<5120xf32, #tpu.memory_space<vmem>>[vector<16xi32>], vector<16xf32>,
        %get3A_555 = arith.index_cast %mul3A_466 : i32 to index
        %get3A_556 = arith.constant 16 : index
        %get3A_557 = tpu.vector_load %arg11[%get3A_555, %get3A_556] {strides = array<i32>} : memref<25x80xi32, #tpu.memory_space<vmem>>, vector<16xi32>,
        %get3A_558 = arith.index_cast %mul3A_466 : i32 to index
        %get3A_559 = arith.constant 16 : index
        %get3A_560 = tpu.vector_load %arg12[%get3A_558, %get3A_559] {strides = array<i32>} : memref<25x80xi32, #tpu.memory_space<vmem>>, vector<16xi32>,
        %gather3A_561 = tpu.vector_load_idx %arg8[%get3A_557] : memref<10000xf32, #tpu.memory_space<vmem>>[vector<16xi32>], vector<16xf32>,
        %gather3A_562 = tpu.vector_load_idx %arg9[%get3A_560] : memref<10000xf32, #tpu.memory_space<vmem>>[vector<16xi32>], vector<16xf32>,
        %add3A_563 = arith.addf %gather3A_561, %gather3A_562 : vector<16xf32>
        %mul3A_564 = arith.constant 0.707106769 : f32
        %mul3A_565 = vector.broadcast %mul3A_564 : f32 to vector<16xf32>
        %mul3A_566 = arith.mulf %add3A_563, %mul3A_565 : vector<16xf32>
        %abs3A_567 = math.absf %mul3A_566 : vector<16xf32>
        %mul3A_568 = arith.constant 0.327591091 : f32
        %mul3A_569 = vector.broadcast %mul3A_568 : f32 to vector<16xf32>
        %mul3A_570 = arith.mulf %mul3A_569, %abs3A_567 : vector<16xf32>
        %add3A_571 = arith.constant 1.000000e+00 : f32
        %add3A_572 = vector.broadcast %add3A_571 : f32 to vector<16xf32>
        %add3A_573 = arith.addf %add3A_572, %mul3A_570 : vector<16xf32>
        %div3A_574 = arith.constant 1.000000e+00 : f32
        %div3A_575 = vector.broadcast %div3A_574 : f32 to vector<16xf32>
        %div3A_576 = arith.divf %div3A_575, %add3A_573 : vector<16xf32>
        %mul3A_577 = arith.constant 1.06140542 : f32
        %mul3A_578 = vector.broadcast %mul3A_577 : f32 to vector<16xf32>
        %mul3A_579 = arith.mulf %div3A_576, %mul3A_578 : vector<16xf32>
        %add3A_580 = arith.constant -1.45315206 : f32
        %add3A_581 = vector.broadcast %add3A_580 : f32 to vector<16xf32>
        %add3A_582 = arith.addf %add3A_581, %mul3A_579 : vector<16xf32>
        %mul3A_583 = arith.mulf %div3A_576, %add3A_582 : vector<16xf32>
        %add3A_584 = arith.constant 1.42141378 : f32
        %add3A_585 = vector.broadcast %add3A_584 : f32 to vector<16xf32>
        %add3A_586 = arith.addf %add3A_585, %mul3A_583 : vector<16xf32>
        %mul3A_587 = arith.mulf %div3A_576, %add3A_586 : vector<16xf32>
        %add3A_588 = arith.constant -0.284496725 : f32
        %add3A_589 = vector.broadcast %add3A_588 : f32 to vector<16xf32>
        %add3A_590 = arith.addf %add3A_589, %mul3A_587 : vector<16xf32>
        %mul3A_591 = arith.mulf %div3A_576, %add3A_590 : vector<16xf32>
        %add3A_592 = arith.constant 0.254829586 : f32
        %add3A_593 = vector.broadcast %add3A_592 : f32 to vector<16xf32>
        %add3A_594 = arith.addf %add3A_593, %mul3A_591 : vector<16xf32>
        %mul3A_595 = arith.mulf %div3A_576, %add3A_594 : vector<16xf32>
        %mul3A_596 = arith.mulf %abs3A_567, %abs3A_567 : vector<16xf32>
        %neg3A_597 = arith.constant 0.000000e+00 : f32
        %neg3A_598 = vector.broadcast %neg3A_597 : f32 to vector<16xf32>
        %neg3A_599 = arith.subf %neg3A_598, %mul3A_596 : vector<16xf32>
        %exp3A_600 = math.exp %neg3A_599 : vector<16xf32>
        %mul3A_601 = arith.mulf %mul3A_595, %exp3A_600 : vector<16xf32>
        %sub3A_602 = arith.constant 1.000000e+00 : f32
        %sub3A_603 = vector.broadcast %sub3A_602 : f32 to vector<16xf32>
        %sub3A_604 = arith.subf %sub3A_603, %mul3A_601 : vector<16xf32>
        %ge3A_605 = arith.constant 0.000000e+00 : f32
        %ge3A_606 = vector.broadcast %ge3A_605 : f32 to vector<16xf32>
        %ge3A_607 = arith.cmpf oge, %mul3A_566, %ge3A_606 : vector<16xf32>
        %neg3A_608 = arith.constant 0.000000e+00 : f32
        %neg3A_609 = vector.broadcast %neg3A_608 : f32 to vector<16xf32>
        %neg3A_610 = arith.subf %neg3A_609, %sub3A_604 : vector<16xf32>
        %select_n3A_611 = arith.select %ge3A_607, %sub3A_604, %neg3A_610 : vector<16xi1>, vector<16xf32>
        %mul3A_612 = arith.constant 5.000000e-01 : f32
        %mul3A_613 = vector.broadcast %mul3A_612 : f32 to vector<16xf32>
        %mul3A_614 = arith.mulf %mul3A_613, %add3A_563 : vector<16xf32>
        %add3A_615 = arith.constant 1.000000e+00 : f32
        %add3A_616 = vector.broadcast %add3A_615 : f32 to vector<16xf32>
        %add3A_617 = arith.addf %add3A_616, %select_n3A_611 : vector<16xf32>
        %mul3A_618 = arith.mulf %mul3A_614, %add3A_617 : vector<16xf32>
        %exp3A_619 = math.exp %mul3A_618 : vector<16xf32>
        %swap3A_620 = arith.constant 16 : index
        %swap3A_621 = tpu.vector_load %arg13[%swap3A_620] {strides = array<i32>} : memref<80xf32, #tpu.memory_space<vmem>>, vector<16xf32>,
        tpu.vector_store %arg13[%swap3A_620], %exp3A_619 {strides = array<i32>} : memref<80xf32, #tpu.memory_space<vmem>>, vector<16xf32>,
        %ge3A_622 = vector.broadcast %mul3A_2 : i32 to vector<16xi32>
        %ge3A_623 = arith.cmpi sge, %get3A_560, %ge3A_622 : vector<16xi32>
        %lt3A_624 = vector.broadcast %select_n3A : i32 to vector<16xi32>
        %lt3A_625 = arith.cmpi slt, %get3A_560, %lt3A_624 : vector<16xi32>
        %and3A_626 = arith.andi %ge3A_623, %lt3A_625 : vector<16xi1>
        %sub3A_627 = vector.broadcast %mul3A_2 : i32 to vector<16xi32>
        %sub3A_628 = arith.subi %get3A_560, %sub3A_627 : vector<16xi32>
        %jit3A_629 = arith.constant 5056 : i32
        %broadcast_in_dim3A_630 = vector.broadcast %jit3A_629 : i32 to vector<16xi32>
        %select_n3A_631 = arith.select %and3A_626, %sub3A_628, %broadcast_in_dim3A_630 : vector<16xi1>, vector<16xi32>
        %swap3A_632 = arith.index_cast %mul3A_466 : i32 to index
        %swap3A_633 = arith.constant 16 : index
        %swap3A_634 = tpu.vector_load %arg12[%swap3A_632, %swap3A_633] {strides = array<i32>} : memref<25x80xi32, #tpu.memory_space<vmem>>, vector<16xi32>,
        tpu.vector_store %arg12[%swap3A_632, %swap3A_633], %select_n3A_631 {strides = array<i32>} : memref<25x80xi32, #tpu.memory_space<vmem>>, vector<16xi32>,
        tpu.vector_store_idx %arg10[%select_n3A_631], %exp3A_619 {add = true} : memref<5120xf32, #tpu.memory_space<vmem>>[vector<16xi32>], vector<16xf32>,
        %get3A_635 = arith.index_cast %mul3A_466 : i32 to index
        %get3A_636 = arith.constant 32 : index
        %get3A_637 = tpu.vector_load %arg11[%get3A_635, %get3A_636] {strides = array<i32>} : memref<25x80xi32, #tpu.memory_space<vmem>>, vector<16xi32>,
        %get3A_638 = arith.index_cast %mul3A_466 : i32 to index
        %get3A_639 = arith.constant 32 : index
        %get3A_640 = tpu.vector_load %arg12[%get3A_638, %get3A_639] {strides = array<i32>} : memref<25x80xi32, #tpu.memory_space<vmem>>, vector<16xi32>,
        %gather3A_641 = tpu.vector_load_idx %arg8[%get3A_637] : memref<10000xf32, #tpu.memory_space<vmem>>[vector<16xi32>], vector<16xf32>,
        %gather3A_642 = tpu.vector_load_idx %arg9[%get3A_640] : memref<10000xf32, #tpu.memory_space<vmem>>[vector<16xi32>], vector<16xf32>,
        %add3A_643 = arith.addf %gather3A_641, %gather3A_642 : vector<16xf32>
        %mul3A_644 = arith.constant 0.707106769 : f32
        %mul3A_645 = vector.broadcast %mul3A_644 : f32 to vector<16xf32>
        %mul3A_646 = arith.mulf %add3A_643, %mul3A_645 : vector<16xf32>
        %abs3A_647 = math.absf %mul3A_646 : vector<16xf32>
        %mul3A_648 = arith.constant 0.327591091 : f32
        %mul3A_649 = vector.broadcast %mul3A_648 : f32 to vector<16xf32>
        %mul3A_650 = arith.mulf %mul3A_649, %abs3A_647 : vector<16xf32>
        %add3A_651 = arith.constant 1.000000e+00 : f32
        %add3A_652 = vector.broadcast %add3A_651 : f32 to vector<16xf32>
        %add3A_653 = arith.addf %add3A_652, %mul3A_650 : vector<16xf32>
        %div3A_654 = arith.constant 1.000000e+00 : f32
        %div3A_655 = vector.broadcast %div3A_654 : f32 to vector<16xf32>
        %div3A_656 = arith.divf %div3A_655, %add3A_653 : vector<16xf32>
        %mul3A_657 = arith.constant 1.06140542 : f32
        %mul3A_658 = vector.broadcast %mul3A_657 : f32 to vector<16xf32>
        %mul3A_659 = arith.mulf %div3A_656, %mul3A_658 : vector<16xf32>
        %add3A_660 = arith.constant -1.45315206 : f32
        %add3A_661 = vector.broadcast %add3A_660 : f32 to vector<16xf32>
        %add3A_662 = arith.addf %add3A_661, %mul3A_659 : vector<16xf32>
        %mul3A_663 = arith.mulf %div3A_656, %add3A_662 : vector<16xf32>
        %add3A_664 = arith.constant 1.42141378 : f32
        %add3A_665 = vector.broadcast %add3A_664 : f32 to vector<16xf32>
        %add3A_666 = arith.addf %add3A_665, %mul3A_663 : vector<16xf32>
        %mul3A_667 = arith.mulf %div3A_656, %add3A_666 : vector<16xf32>
        %add3A_668 = arith.constant -0.284496725 : f32
        %add3A_669 = vector.broadcast %add3A_668 : f32 to vector<16xf32>
        %add3A_670 = arith.addf %add3A_669, %mul3A_667 : vector<16xf32>
        %mul3A_671 = arith.mulf %div3A_656, %add3A_670 : vector<16xf32>
        %add3A_672 = arith.constant 0.254829586 : f32
        %add3A_673 = vector.broadcast %add3A_672 : f32 to vector<16xf32>
        %add3A_674 = arith.addf %add3A_673, %mul3A_671 : vector<16xf32>
        %mul3A_675 = arith.mulf %div3A_656, %add3A_674 : vector<16xf32>
        %mul3A_676 = arith.mulf %abs3A_647, %abs3A_647 : vector<16xf32>
        %neg3A_677 = arith.constant 0.000000e+00 : f32
        %neg3A_678 = vector.broadcast %neg3A_677 : f32 to vector<16xf32>
        %neg3A_679 = arith.subf %neg3A_678, %mul3A_676 : vector<16xf32>
        %exp3A_680 = math.exp %neg3A_679 : vector<16xf32>
        %mul3A_681 = arith.mulf %mul3A_675, %exp3A_680 : vector<16xf32>
        %sub3A_682 = arith.constant 1.000000e+00 : f32
        %sub3A_683 = vector.broadcast %sub3A_682 : f32 to vector<16xf32>
        %sub3A_684 = arith.subf %sub3A_683, %mul3A_681 : vector<16xf32>
        %ge3A_685 = arith.constant 0.000000e+00 : f32
        %ge3A_686 = vector.broadcast %ge3A_685 : f32 to vector<16xf32>
        %ge3A_687 = arith.cmpf oge, %mul3A_646, %ge3A_686 : vector<16xf32>
        %neg3A_688 = arith.constant 0.000000e+00 : f32
        %neg3A_689 = vector.broadcast %neg3A_688 : f32 to vector<16xf32>
        %neg3A_690 = arith.subf %neg3A_689, %sub3A_684 : vector<16xf32>
        %select_n3A_691 = arith.select %ge3A_687, %sub3A_684, %neg3A_690 : vector<16xi1>, vector<16xf32>
        %mul3A_692 = arith.constant 5.000000e-01 : f32
        %mul3A_693 = vector.broadcast %mul3A_692 : f32 to vector<16xf32>
        %mul3A_694 = arith.mulf %mul3A_693, %add3A_643 : vector<16xf32>
        %add3A_695 = arith.constant 1.000000e+00 : f32
        %add3A_696 = vector.broadcast %add3A_695 : f32 to vector<16xf32>
        %add3A_697 = arith.addf %add3A_696, %select_n3A_691 : vector<16xf32>
        %mul3A_698 = arith.mulf %mul3A_694, %add3A_697 : vector<16xf32>
        %exp3A_699 = math.exp %mul3A_698 : vector<16xf32>
        %swap3A_700 = arith.constant 32 : index
        %swap3A_701 = tpu.vector_load %arg13[%swap3A_700] {strides = array<i32>} : memref<80xf32, #tpu.memory_space<vmem>>, vector<16xf32>,
        tpu.vector_store %arg13[%swap3A_700], %exp3A_699 {strides = array<i32>} : memref<80xf32, #tpu.memory_space<vmem>>, vector<16xf32>,
        %ge3A_702 = vector.broadcast %mul3A_2 : i32 to vector<16xi32>
        %ge3A_703 = arith.cmpi sge, %get3A_640, %ge3A_702 : vector<16xi32>
        %lt3A_704 = vector.broadcast %select_n3A : i32 to vector<16xi32>
        %lt3A_705 = arith.cmpi slt, %get3A_640, %lt3A_704 : vector<16xi32>
        %and3A_706 = arith.andi %ge3A_703, %lt3A_705 : vector<16xi1>
        %sub3A_707 = vector.broadcast %mul3A_2 : i32 to vector<16xi32>
        %sub3A_708 = arith.subi %get3A_640, %sub3A_707 : vector<16xi32>
        %jit3A_709 = arith.constant 5056 : i32
        %broadcast_in_dim3A_710 = vector.broadcast %jit3A_709 : i32 to vector<16xi32>
        %select_n3A_711 = arith.select %and3A_706, %sub3A_708, %broadcast_in_dim3A_710 : vector<16xi1>, vector<16xi32>
        %swap3A_712 = arith.index_cast %mul3A_466 : i32 to index
        %swap3A_713 = arith.constant 32 : index
        %swap3A_714 = tpu.vector_load %arg12[%swap3A_712, %swap3A_713] {strides = array<i32>} : memref<25x80xi32, #tpu.memory_space<vmem>>, vector<16xi32>,
        tpu.vector_store %arg12[%swap3A_712, %swap3A_713], %select_n3A_711 {strides = array<i32>} : memref<25x80xi32, #tpu.memory_space<vmem>>, vector<16xi32>,
        tpu.vector_store_idx %arg10[%select_n3A_711], %exp3A_699 {add = true} : memref<5120xf32, #tpu.memory_space<vmem>>[vector<16xi32>], vector<16xf32>,
        %get3A_715 = arith.index_cast %mul3A_466 : i32 to index
        %get3A_716 = arith.constant 48 : index
        %get3A_717 = tpu.vector_load %arg11[%get3A_715, %get3A_716] {strides = array<i32>} : memref<25x80xi32, #tpu.memory_space<vmem>>, vector<16xi32>,
        %get3A_718 = arith.index_cast %mul3A_466 : i32 to index
        %get3A_719 = arith.constant 48 : index
        %get3A_720 = tpu.vector_load %arg12[%get3A_718, %get3A_719] {strides = array<i32>} : memref<25x80xi32, #tpu.memory_space<vmem>>, vector<16xi32>,
        %gather3A_721 = tpu.vector_load_idx %arg8[%get3A_717] : memref<10000xf32, #tpu.memory_space<vmem>>[vector<16xi32>], vector<16xf32>,
        %gather3A_722 = tpu.vector_load_idx %arg9[%get3A_720] : memref<10000xf32, #tpu.memory_space<vmem>>[vector<16xi32>], vector<16xf32>,
        %add3A_723 = arith.addf %gather3A_721, %gather3A_722 : vector<16xf32>
        %mul3A_724 = arith.constant 0.707106769 : f32
        %mul3A_725 = vector.broadcast %mul3A_724 : f32 to vector<16xf32>
        %mul3A_726 = arith.mulf %add3A_723, %mul3A_725 : vector<16xf32>
        %abs3A_727 = math.absf %mul3A_726 : vector<16xf32>
        %mul3A_728 = arith.constant 0.327591091 : f32
        %mul3A_729 = vector.broadcast %mul3A_728 : f32 to vector<16xf32>
        %mul3A_730 = arith.mulf %mul3A_729, %abs3A_727 : vector<16xf32>
        %add3A_731 = arith.constant 1.000000e+00 : f32
        %add3A_732 = vector.broadcast %add3A_731 : f32 to vector<16xf32>
        %add3A_733 = arith.addf %add3A_732, %mul3A_730 : vector<16xf32>
        %div3A_734 = arith.constant 1.000000e+00 : f32
        %div3A_735 = vector.broadcast %div3A_734 : f32 to vector<16xf32>
        %div3A_736 = arith.divf %div3A_735, %add3A_733 : vector<16xf32>
        %mul3A_737 = arith.constant 1.06140542 : f32
        %mul3A_738 = vector.broadcast %mul3A_737 : f32 to vector<16xf32>
        %mul3A_739 = arith.mulf %div3A_736, %mul3A_738 : vector<16xf32>
        %add3A_740 = arith.constant -1.45315206 : f32
        %add3A_741 = vector.broadcast %add3A_740 : f32 to vector<16xf32>
        %add3A_742 = arith.addf %add3A_741, %mul3A_739 : vector<16xf32>
        %mul3A_743 = arith.mulf %div3A_736, %add3A_742 : vector<16xf32>
        %add3A_744 = arith.constant 1.42141378 : f32
        %add3A_745 = vector.broadcast %add3A_744 : f32 to vector<16xf32>
        %add3A_746 = arith.addf %add3A_745, %mul3A_743 : vector<16xf32>
        %mul3A_747 = arith.mulf %div3A_736, %add3A_746 : vector<16xf32>
        %add3A_748 = arith.constant -0.284496725 : f32
        %add3A_749 = vector.broadcast %add3A_748 : f32 to vector<16xf32>
        %add3A_750 = arith.addf %add3A_749, %mul3A_747 : vector<16xf32>
        %mul3A_751 = arith.mulf %div3A_736, %add3A_750 : vector<16xf32>
        %add3A_752 = arith.constant 0.254829586 : f32
        %add3A_753 = vector.broadcast %add3A_752 : f32 to vector<16xf32>
        %add3A_754 = arith.addf %add3A_753, %mul3A_751 : vector<16xf32>
        %mul3A_755 = arith.mulf %div3A_736, %add3A_754 : vector<16xf32>
        %mul3A_756 = arith.mulf %abs3A_727, %abs3A_727 : vector<16xf32>
        %neg3A_757 = arith.constant 0.000000e+00 : f32
        %neg3A_758 = vector.broadcast %neg3A_757 : f32 to vector<16xf32>
        %neg3A_759 = arith.subf %neg3A_758, %mul3A_756 : vector<16xf32>
        %exp3A_760 = math.exp %neg3A_759 : vector<16xf32>
        %mul3A_761 = arith.mulf %mul3A_755, %exp3A_760 : vector<16xf32>
        %sub3A_762 = arith.constant 1.000000e+00 : f32
        %sub3A_763 = vector.broadcast %sub3A_762 : f32 to vector<16xf32>
        %sub3A_764 = arith.subf %sub3A_763, %mul3A_761 : vector<16xf32>
        %ge3A_765 = arith.constant 0.000000e+00 : f32
        %ge3A_766 = vector.broadcast %ge3A_765 : f32 to vector<16xf32>
        %ge3A_767 = arith.cmpf oge, %mul3A_726, %ge3A_766 : vector<16xf32>
        %neg3A_768 = arith.constant 0.000000e+00 : f32
        %neg3A_769 = vector.broadcast %neg3A_768 : f32 to vector<16xf32>
        %neg3A_770 = arith.subf %neg3A_769, %sub3A_764 : vector<16xf32>
        %select_n3A_771 = arith.select %ge3A_767, %sub3A_764, %neg3A_770 : vector<16xi1>, vector<16xf32>
        %mul3A_772 = arith.constant 5.000000e-01 : f32
        %mul3A_773 = vector.broadcast %mul3A_772 : f32 to vector<16xf32>
        %mul3A_774 = arith.mulf %mul3A_773, %add3A_723 : vector<16xf32>
        %add3A_775 = arith.constant 1.000000e+00 : f32
        %add3A_776 = vector.broadcast %add3A_775 : f32 to vector<16xf32>
        %add3A_777 = arith.addf %add3A_776, %select_n3A_771 : vector<16xf32>
        %mul3A_778 = arith.mulf %mul3A_774, %add3A_777 : vector<16xf32>
        %exp3A_779 = math.exp %mul3A_778 : vector<16xf32>
        %swap3A_780 = arith.constant 48 : index
        %swap3A_781 = tpu.vector_load %arg13[%swap3A_780] {strides = array<i32>} : memref<80xf32, #tpu.memory_space<vmem>>, vector<16xf32>,
        tpu.vector_store %arg13[%swap3A_780], %exp3A_779 {strides = array<i32>} : memref<80xf32, #tpu.memory_space<vmem>>, vector<16xf32>,
        %ge3A_782 = vector.broadcast %mul3A_2 : i32 to vector<16xi32>
        %ge3A_783 = arith.cmpi sge, %get3A_720, %ge3A_782 : vector<16xi32>
        %lt3A_784 = vector.broadcast %select_n3A : i32 to vector<16xi32>
        %lt3A_785 = arith.cmpi slt, %get3A_720, %lt3A_784 : vector<16xi32>
        %and3A_786 = arith.andi %ge3A_783, %lt3A_785 : vector<16xi1>
        %sub3A_787 = vector.broadcast %mul3A_2 : i32 to vector<16xi32>
        %sub3A_788 = arith.subi %get3A_720, %sub3A_787 : vector<16xi32>
        %jit3A_789 = arith.constant 5056 : i32
        %broadcast_in_dim3A_790 = vector.broadcast %jit3A_789 : i32 to vector<16xi32>
        %select_n3A_791 = arith.select %and3A_786, %sub3A_788, %broadcast_in_dim3A_790 : vector<16xi1>, vector<16xi32>
        %swap3A_792 = arith.index_cast %mul3A_466 : i32 to index
        %swap3A_793 = arith.constant 48 : index
        %swap3A_794 = tpu.vector_load %arg12[%swap3A_792, %swap3A_793] {strides = array<i32>} : memref<25x80xi32, #tpu.memory_space<vmem>>, vector<16xi32>,
        tpu.vector_store %arg12[%swap3A_792, %swap3A_793], %select_n3A_791 {strides = array<i32>} : memref<25x80xi32, #tpu.memory_space<vmem>>, vector<16xi32>,
        tpu.vector_store_idx %arg10[%select_n3A_791], %exp3A_779 {add = true} : memref<5120xf32, #tpu.memory_space<vmem>>[vector<16xi32>], vector<16xf32>,
        %get3A_795 = arith.index_cast %mul3A_466 : i32 to index
        %get3A_796 = arith.constant 64 : index
        %get3A_797 = tpu.vector_load %arg11[%get3A_795, %get3A_796] {strides = array<i32>} : memref<25x80xi32, #tpu.memory_space<vmem>>, vector<16xi32>,
        %get3A_798 = arith.index_cast %mul3A_466 : i32 to index
        %get3A_799 = arith.constant 64 : index
        %get3A_800 = tpu.vector_load %arg12[%get3A_798, %get3A_799] {strides = array<i32>} : memref<25x80xi32, #tpu.memory_space<vmem>>, vector<16xi32>,
        %gather3A_801 = tpu.vector_load_idx %arg8[%get3A_797] : memref<10000xf32, #tpu.memory_space<vmem>>[vector<16xi32>], vector<16xf32>,
        %gather3A_802 = tpu.vector_load_idx %arg9[%get3A_800] : memref<10000xf32, #tpu.memory_space<vmem>>[vector<16xi32>], vector<16xf32>,
        %add3A_803 = arith.addf %gather3A_801, %gather3A_802 : vector<16xf32>
        %mul3A_804 = arith.constant 0.707106769 : f32
        %mul3A_805 = vector.broadcast %mul3A_804 : f32 to vector<16xf32>
        %mul3A_806 = arith.mulf %add3A_803, %mul3A_805 : vector<16xf32>
        %abs3A_807 = math.absf %mul3A_806 : vector<16xf32>
        %mul3A_808 = arith.constant 0.327591091 : f32
        %mul3A_809 = vector.broadcast %mul3A_808 : f32 to vector<16xf32>
        %mul3A_810 = arith.mulf %mul3A_809, %abs3A_807 : vector<16xf32>
        %add3A_811 = arith.constant 1.000000e+00 : f32
        %add3A_812 = vector.broadcast %add3A_811 : f32 to vector<16xf32>
        %add3A_813 = arith.addf %add3A_812, %mul3A_810 : vector<16xf32>
        %div3A_814 = arith.constant 1.000000e+00 : f32
        %div3A_815 = vector.broadcast %div3A_814 : f32 to vector<16xf32>
        %div3A_816 = arith.divf %div3A_815, %add3A_813 : vector<16xf32>
        %mul3A_817 = arith.constant 1.06140542 : f32
        %mul3A_818 = vector.broadcast %mul3A_817 : f32 to vector<16xf32>
        %mul3A_819 = arith.mulf %div3A_816, %mul3A_818 : vector<16xf32>
        %add3A_820 = arith.constant -1.45315206 : f32
        %add3A_821 = vector.broadcast %add3A_820 : f32 to vector<16xf32>
        %add3A_822 = arith.addf %add3A_821, %mul3A_819 : vector<16xf32>
        %mul3A_823 = arith.mulf %div3A_816, %add3A_822 : vector<16xf32>
        %add3A_824 = arith.constant 1.42141378 : f32
        %add3A_825 = vector.broadcast %add3A_824 : f32 to vector<16xf32>
        %add3A_826 = arith.addf %add3A_825, %mul3A_823 : vector<16xf32>
        %mul3A_827 = arith.mulf %div3A_816, %add3A_826 : vector<16xf32>
        %add3A_828 = arith.constant -0.284496725 : f32
        %add3A_829 = vector.broadcast %add3A_828 : f32 to vector<16xf32>
        %add3A_830 = arith.addf %add3A_829, %mul3A_827 : vector<16xf32>
        %mul3A_831 = arith.mulf %div3A_816, %add3A_830 : vector<16xf32>
        %add3A_832 = arith.constant 0.254829586 : f32
        %add3A_833 = vector.broadcast %add3A_832 : f32 to vector<16xf32>
        %add3A_834 = arith.addf %add3A_833, %mul3A_831 : vector<16xf32>
        %mul3A_835 = arith.mulf %div3A_816, %add3A_834 : vector<16xf32>
        %mul3A_836 = arith.mulf %abs3A_807, %abs3A_807 : vector<16xf32>
        %neg3A_837 = arith.constant 0.000000e+00 : f32
        %neg3A_838 = vector.broadcast %neg3A_837 : f32 to vector<16xf32>
        %neg3A_839 = arith.subf %neg3A_838, %mul3A_836 : vector<16xf32>
        %exp3A_840 = math.exp %neg3A_839 : vector<16xf32>
        %mul3A_841 = arith.mulf %mul3A_835, %exp3A_840 : vector<16xf32>
        %sub3A_842 = arith.constant 1.000000e+00 : f32
        %sub3A_843 = vector.broadcast %sub3A_842 : f32 to vector<16xf32>
        %sub3A_844 = arith.subf %sub3A_843, %mul3A_841 : vector<16xf32>
        %ge3A_845 = arith.constant 0.000000e+00 : f32
        %ge3A_846 = vector.broadcast %ge3A_845 : f32 to vector<16xf32>
        %ge3A_847 = arith.cmpf oge, %mul3A_806, %ge3A_846 : vector<16xf32>
        %neg3A_848 = arith.constant 0.000000e+00 : f32
        %neg3A_849 = vector.broadcast %neg3A_848 : f32 to vector<16xf32>
        %neg3A_850 = arith.subf %neg3A_849, %sub3A_844 : vector<16xf32>
        %select_n3A_851 = arith.select %ge3A_847, %sub3A_844, %neg3A_850 : vector<16xi1>, vector<16xf32>
        %mul3A_852 = arith.constant 5.000000e-01 : f32
        %mul3A_853 = vector.broadcast %mul3A_852 : f32 to vector<16xf32>
        %mul3A_854 = arith.mulf %mul3A_853, %add3A_803 : vector<16xf32>
        %add3A_855 = arith.constant 1.000000e+00 : f32
        %add3A_856 = vector.broadcast %add3A_855 : f32 to vector<16xf32>
        %add3A_857 = arith.addf %add3A_856, %select_n3A_851 : vector<16xf32>
        %mul3A_858 = arith.mulf %mul3A_854, %add3A_857 : vector<16xf32>
        %exp3A_859 = math.exp %mul3A_858 : vector<16xf32>
        %swap3A_860 = arith.constant 64 : index
        %swap3A_861 = tpu.vector_load %arg13[%swap3A_860] {strides = array<i32>} : memref<80xf32, #tpu.memory_space<vmem>>, vector<16xf32>,
        tpu.vector_store %arg13[%swap3A_860], %exp3A_859 {strides = array<i32>} : memref<80xf32, #tpu.memory_space<vmem>>, vector<16xf32>,
        %ge3A_862 = vector.broadcast %mul3A_2 : i32 to vector<16xi32>
        %ge3A_863 = arith.cmpi sge, %get3A_800, %ge3A_862 : vector<16xi32>
        %lt3A_864 = vector.broadcast %select_n3A : i32 to vector<16xi32>
        %lt3A_865 = arith.cmpi slt, %get3A_800, %lt3A_864 : vector<16xi32>
        %and3A_866 = arith.andi %ge3A_863, %lt3A_865 : vector<16xi1>
        %sub3A_867 = vector.broadcast %mul3A_2 : i32 to vector<16xi32>
        %sub3A_868 = arith.subi %get3A_800, %sub3A_867 : vector<16xi32>
        %jit3A_869 = arith.constant 5056 : i32
        %broadcast_in_dim3A_870 = vector.broadcast %jit3A_869 : i32 to vector<16xi32>
        %select_n3A_871 = arith.select %and3A_866, %sub3A_868, %broadcast_in_dim3A_870 : vector<16xi1>, vector<16xi32>
        %swap3A_872 = arith.index_cast %mul3A_466 : i32 to index
        %swap3A_873 = arith.constant 64 : index
        %swap3A_874 = tpu.vector_load %arg12[%swap3A_872, %swap3A_873] {strides = array<i32>} : memref<25x80xi32, #tpu.memory_space<vmem>>, vector<16xi32>,
        tpu.vector_store %arg12[%swap3A_872, %swap3A_873], %select_n3A_871 {strides = array<i32>} : memref<25x80xi32, #tpu.memory_space<vmem>>, vector<16xi32>,
        tpu.vector_store_idx %arg10[%select_n3A_871], %exp3A_859 {add = true} : memref<5120xf32, #tpu.memory_space<vmem>>[vector<16xi32>], vector<16xf32>,
        %dma_wait3A_875 = arith.constant 0 : i32
        %dma_wait3A_876 = tpu.memref_slice %arg11[%mul3A_466, %dma_wait3A_875] : memref<25x80xi32, #tpu.memory_space<vmem>> -> memref<1x80xi32, #tpu.memory_space<vmem>>
        %dma_wait3A_877 = tpu.memref_squeeze %dma_wait3A_876 : memref<1x80xi32, #tpu.memory_space<vmem>> -> memref<80xi32, #tpu.memory_space<vmem>>
        %dma_wait3A_878 = arith.constant 0 : i32
        %dma_wait3A_879 = arith.constant 0 : i32
        %dma_wait3A_880 = tpu.memref_slice %arg5[%dma_wait3A_878, %dma_wait3A_879] : memref<10000x128xf32, #tpu.memory_space<hbm>> -> memref<10000x128xf32, #tpu.memory_space<hbm>>
        tpu.wait_indirect_dma semaphore(%arg17 : memref<!tpu.dma_semaphore, #tpu.memory_space<semaphore_mem>>) src(%dma_wait3A_880 : memref<10000x128xf32, #tpu.memory_space<hbm>>) dst(%arg14 : memref<80x128xf32, #tpu.memory_space<vmem>>)
        %parallel_loop3A_881 = arith.constant 0 : i32
        %parallel_loop3A_882 = arith.constant 80 : i32
        %parallel_loop3A_883 = arith.constant 1 : i32
        scf.for %parallel_loop3A_1307 = %parallel_loop3A_881 to %parallel_loop3A_882 step %parallel_loop3A_883  : i32 {
          %parallel_loop3A_1308 = vector.broadcast %parallel_loop3A_1307 : i32 to vector<16xi32>
          %parallel_loop3A_1309 = tpu.vector_load_idx %arg13[%parallel_loop3A_1308] : memref<80xf32, #tpu.memory_space<vmem>>[vector<16xi32>], vector<16xf32>,
          %parallel_loop3A_1310 = arith.index_cast %parallel_loop3A_1307 : i32 to index
          %parallel_loop3A_1311 = arith.constant 0 : index
          %parallel_loop3A_1312 = tpu.vector_load %arg14[%parallel_loop3A_1310, %parallel_loop3A_1311] {strides = array<i32>} : memref<80x128xf32, #tpu.memory_space<vmem>>, vector<16xf32>,
          %parallel_loop3A_1313 = arith.mulf %parallel_loop3A_1312, %parallel_loop3A_1309 : vector<16xf32>
          %parallel_loop3A_1314 = arith.index_cast %parallel_loop3A_1307 : i32 to index
          %parallel_loop3A_1315 = arith.constant 0 : index
          %parallel_loop3A_1316 = tpu.vector_load %arg14[%parallel_loop3A_1314, %parallel_loop3A_1315] {strides = array<i32>} : memref<80x128xf32, #tpu.memory_space<vmem>>, vector<16xf32>,
          tpu.vector_store %arg14[%parallel_loop3A_1314, %parallel_loop3A_1315], %parallel_loop3A_1313 {strides = array<i32>} : memref<80x128xf32, #tpu.memory_space<vmem>>, vector<16xf32>,
          %parallel_loop3A_1317 = arith.index_cast %parallel_loop3A_1307 : i32 to index
          %parallel_loop3A_1318 = arith.constant 16 : index
          %parallel_loop3A_1319 = tpu.vector_load %arg14[%parallel_loop3A_1317, %parallel_loop3A_1318] {strides = array<i32>} : memref<80x128xf32, #tpu.memory_space<vmem>>, vector<16xf32>,
          %parallel_loop3A_1320 = arith.mulf %parallel_loop3A_1319, %parallel_loop3A_1309 : vector<16xf32>
          %parallel_loop3A_1321 = arith.index_cast %parallel_loop3A_1307 : i32 to index
          %parallel_loop3A_1322 = arith.constant 16 : index
          %parallel_loop3A_1323 = tpu.vector_load %arg14[%parallel_loop3A_1321, %parallel_loop3A_1322] {strides = array<i32>} : memref<80x128xf32, #tpu.memory_space<vmem>>, vector<16xf32>,
          tpu.vector_store %arg14[%parallel_loop3A_1321, %parallel_loop3A_1322], %parallel_loop3A_1320 {strides = array<i32>} : memref<80x128xf32, #tpu.memory_space<vmem>>, vector<16xf32>,
          %parallel_loop3A_1324 = arith.index_cast %parallel_loop3A_1307 : i32 to index
          %parallel_loop3A_1325 = arith.constant 32 : index
          %parallel_loop3A_1326 = tpu.vector_load %arg14[%parallel_loop3A_1324, %parallel_loop3A_1325] {strides = array<i32>} : memref<80x128xf32, #tpu.memory_space<vmem>>, vector<16xf32>,
          %parallel_loop3A_1327 = arith.mulf %parallel_loop3A_1326, %parallel_loop3A_1309 : vector<16xf32>
          %parallel_loop3A_1328 = arith.index_cast %parallel_loop3A_1307 : i32 to index
          %parallel_loop3A_1329 = arith.constant 32 : index
          %parallel_loop3A_1330 = tpu.vector_load %arg14[%parallel_loop3A_1328, %parallel_loop3A_1329] {strides = array<i32>} : memref<80x128xf32, #tpu.memory_space<vmem>>, vector<16xf32>,
          tpu.vector_store %arg14[%parallel_loop3A_1328, %parallel_loop3A_1329], %parallel_loop3A_1327 {strides = array<i32>} : memref<80x128xf32, #tpu.memory_space<vmem>>, vector<16xf32>,
          %parallel_loop3A_1331 = arith.index_cast %parallel_loop3A_1307 : i32 to index
          %parallel_loop3A_1332 = arith.constant 48 : index
          %parallel_loop3A_1333 = tpu.vector_load %arg14[%parallel_loop3A_1331, %parallel_loop3A_1332] {strides = array<i32>} : memref<80x128xf32, #tpu.memory_space<vmem>>, vector<16xf32>,
          %parallel_loop3A_1334 = arith.mulf %parallel_loop3A_1333, %parallel_loop3A_1309 : vector<16xf32>
          %parallel_loop3A_1335 = arith.index_cast %parallel_loop3A_1307 : i32 to index
          %parallel_loop3A_1336 = arith.constant 48 : index
          %parallel_loop3A_1337 = tpu.vector_load %arg14[%parallel_loop3A_1335, %parallel_loop3A_1336] {strides = array<i32>} : memref<80x128xf32, #tpu.memory_space<vmem>>, vector<16xf32>,
          tpu.vector_store %arg14[%parallel_loop3A_1335, %parallel_loop3A_1336], %parallel_loop3A_1334 {strides = array<i32>} : memref<80x128xf32, #tpu.memory_space<vmem>>, vector<16xf32>,
          %parallel_loop3A_1338 = arith.index_cast %parallel_loop3A_1307 : i32 to index
          %parallel_loop3A_1339 = arith.constant 64 : index
          %parallel_loop3A_1340 = tpu.vector_load %arg14[%parallel_loop3A_1338, %parallel_loop3A_1339] {strides = array<i32>} : memref<80x128xf32, #tpu.memory_space<vmem>>, vector<16xf32>,
          %parallel_loop3A_1341 = arith.mulf %parallel_loop3A_1340, %parallel_loop3A_1309 : vector<16xf32>
          %parallel_loop3A_1342 = arith.index_cast %parallel_loop3A_1307 : i32 to index
          %parallel_loop3A_1343 = arith.constant 64 : index
          %parallel_loop3A_1344 = tpu.vector_load %arg14[%parallel_loop3A_1342, %parallel_loop3A_1343] {strides = array<i32>} : memref<80x128xf32, #tpu.memory_space<vmem>>, vector<16xf32>,
          tpu.vector_store %arg14[%parallel_loop3A_1342, %parallel_loop3A_1343], %parallel_loop3A_1341 {strides = array<i32>} : memref<80x128xf32, #tpu.memory_space<vmem>>, vector<16xf32>,
          %parallel_loop3A_1345 = arith.index_cast %parallel_loop3A_1307 : i32 to index
          %parallel_loop3A_1346 = arith.constant 80 : index
          %parallel_loop3A_1347 = tpu.vector_load %arg14[%parallel_loop3A_1345, %parallel_loop3A_1346] {strides = array<i32>} : memref<80x128xf32, #tpu.memory_space<vmem>>, vector<16xf32>,
          %parallel_loop3A_1348 = arith.mulf %parallel_loop3A_1347, %parallel_loop3A_1309 : vector<16xf32>
          %parallel_loop3A_1349 = arith.index_cast %parallel_loop3A_1307 : i32 to index
          %parallel_loop3A_1350 = arith.constant 80 : index
          %parallel_loop3A_1351 = tpu.vector_load %arg14[%parallel_loop3A_1349, %parallel_loop3A_1350] {strides = array<i32>} : memref<80x128xf32, #tpu.memory_space<vmem>>, vector<16xf32>,
          tpu.vector_store %arg14[%parallel_loop3A_1349, %parallel_loop3A_1350], %parallel_loop3A_1348 {strides = array<i32>} : memref<80x128xf32, #tpu.memory_space<vmem>>, vector<16xf32>,
          %parallel_loop3A_1352 = arith.index_cast %parallel_loop3A_1307 : i32 to index
          %parallel_loop3A_1353 = arith.constant 96 : index
          %parallel_loop3A_1354 = tpu.vector_load %arg14[%parallel_loop3A_1352, %parallel_loop3A_1353] {strides = array<i32>} : memref<80x128xf32, #tpu.memory_space<vmem>>, vector<16xf32>,
          %parallel_loop3A_1355 = arith.mulf %parallel_loop3A_1354, %parallel_loop3A_1309 : vector<16xf32>
          %parallel_loop3A_1356 = arith.index_cast %parallel_loop3A_1307 : i32 to index
          %parallel_loop3A_1357 = arith.constant 96 : index
          %parallel_loop3A_1358 = tpu.vector_load %arg14[%parallel_loop3A_1356, %parallel_loop3A_1357] {strides = array<i32>} : memref<80x128xf32, #tpu.memory_space<vmem>>, vector<16xf32>,
          tpu.vector_store %arg14[%parallel_loop3A_1356, %parallel_loop3A_1357], %parallel_loop3A_1355 {strides = array<i32>} : memref<80x128xf32, #tpu.memory_space<vmem>>, vector<16xf32>,
          %parallel_loop3A_1359 = arith.index_cast %parallel_loop3A_1307 : i32 to index
          %parallel_loop3A_1360 = arith.constant 112 : index
          %parallel_loop3A_1361 = tpu.vector_load %arg14[%parallel_loop3A_1359, %parallel_loop3A_1360] {strides = array<i32>} : memref<80x128xf32, #tpu.memory_space<vmem>>, vector<16xf32>,
          %parallel_loop3A_1362 = arith.mulf %parallel_loop3A_1361, %parallel_loop3A_1309 : vector<16xf32>
          %parallel_loop3A_1363 = arith.index_cast %parallel_loop3A_1307 : i32 to index
          %parallel_loop3A_1364 = arith.constant 112 : index
          %parallel_loop3A_1365 = tpu.vector_load %arg14[%parallel_loop3A_1363, %parallel_loop3A_1364] {strides = array<i32>} : memref<80x128xf32, #tpu.memory_space<vmem>>, vector<16xf32>,
          tpu.vector_store %arg14[%parallel_loop3A_1363, %parallel_loop3A_1364], %parallel_loop3A_1362 {strides = array<i32>} : memref<80x128xf32, #tpu.memory_space<vmem>>, vector<16xf32>,
        } {sc.loop_unroll_factor = 2 : i64, sc.parallel_access}
        "tpu.region"() ({
          %run_scoped3A_1307 = tpu.sem_alloc : memref<!tpu.dma_semaphore, #tpu.memory_space<semaphore_mem>>
          %dma_start3A_1308 = arith.constant 0 : i32
          %dma_start3A_1309 = tpu.memref_slice %arg12[%mul3A_466, %dma_start3A_1308] : memref<25x80xi32, #tpu.memory_space<vmem>> -> memref<1x80xi32, #tpu.memory_space<vmem>>
          %dma_start3A_1310 = tpu.memref_squeeze %dma_start3A_1309 : memref<1x80xi32, #tpu.memory_space<vmem>> -> memref<80xi32, #tpu.memory_space<vmem>>
          %dma_start3A_1311 = arith.constant 0 : i32
          %dma_start3A_1312 = arith.constant 0 : i32
          %dma_start3A_1313 = tpu.memref_slice %arg16[%dma_start3A_1311, %dma_start3A_1312] : memref<5120x128xf32, #tpu.memory_space<vmem_shared>> -> memref<5120x128xf32, #tpu.memory_space<vmem_shared>>
          tpu.enqueue_indirect_dma source(%arg14 : memref<80x128xf32, #tpu.memory_space<vmem>>) target(%dma_start3A_1313 : memref<5120x128xf32, #tpu.memory_space<vmem_shared>>) offsets(%dma_start3A_1310 : memref<80xi32, #tpu.memory_space<vmem>>) semaphore(%run_scoped3A_1307 : memref<!tpu.dma_semaphore, #tpu.memory_space<semaphore_mem>>) {add = true}
          %dma_wait3A_1314 = arith.constant 0 : i32
          %dma_wait3A_1315 = tpu.memref_slice %arg12[%mul3A_466, %dma_wait3A_1314] : memref<25x80xi32, #tpu.memory_space<vmem>> -> memref<1x80xi32, #tpu.memory_space<vmem>>
          %dma_wait3A_1316 = tpu.memref_squeeze %dma_wait3A_1315 : memref<1x80xi32, #tpu.memory_space<vmem>> -> memref<80xi32, #tpu.memory_space<vmem>>
          %dma_wait3A_1317 = arith.constant 0 : i32
          %dma_wait3A_1318 = arith.constant 0 : i32
          %dma_wait3A_1319 = tpu.memref_slice %arg16[%dma_wait3A_1317, %dma_wait3A_1318] : memref<5120x128xf32, #tpu.memory_space<vmem_shared>> -> memref<5120x128xf32, #tpu.memory_space<vmem_shared>>
          tpu.wait_indirect_dma semaphore(%run_scoped3A_1307 : memref<!tpu.dma_semaphore, #tpu.memory_space<semaphore_mem>>) src(%arg14 : memref<80x128xf32, #tpu.memory_space<vmem>>) dst(%dma_wait3A_1319 : memref<5120x128xf32, #tpu.memory_space<vmem_shared>>)
          tpu.yield
        }) : () -> ()
        %add3A_884 = arith.constant 2 : i32
        %add3A_885 = arith.addi %mul3A_466, %add3A_884 : i32
        %dma_start3A_886 = arith.constant 0 : i32
        %dma_start3A_887 = tpu.memref_slice %arg11[%add3A_885, %dma_start3A_886] : memref<25x80xi32, #tpu.memory_space<vmem>> -> memref<1x80xi32, #tpu.memory_space<vmem>>
        %dma_start3A_888 = tpu.memref_squeeze %dma_start3A_887 : memref<1x80xi32, #tpu.memory_space<vmem>> -> memref<80xi32, #tpu.memory_space<vmem>>
        %dma_start3A_889 = arith.constant 0 : i32
        %dma_start3A_890 = arith.constant 0 : i32
        %dma_start3A_891 = tpu.memref_slice %arg5[%dma_start3A_889, %dma_start3A_890] : memref<10000x128xf32, #tpu.memory_space<hbm>> -> memref<10000x128xf32, #tpu.memory_space<hbm>>
        tpu.enqueue_indirect_dma source(%dma_start3A_891 : memref<10000x128xf32, #tpu.memory_space<hbm>>) target(%arg14 : memref<80x128xf32, #tpu.memory_space<vmem>>) offsets(%dma_start3A_888 : memref<80xi32, #tpu.memory_space<vmem>>) semaphore(%arg17 : memref<!tpu.dma_semaphore, #tpu.memory_space<semaphore_mem>>)
        %add3A_892 = arith.constant 1 : i32
        %add3A_893 = arith.addi %mul3A_466, %add3A_892 : i32
        %get3A_894 = arith.index_cast %add3A_893 : i32 to index
        %get3A_895 = arith.constant 0 : index
        %get3A_896 = tpu.vector_load %arg11[%get3A_894, %get3A_895] {strides = array<i32>} : memref<25x80xi32, #tpu.memory_space<vmem>>, vector<16xi32>,
        %get3A_897 = arith.index_cast %add3A_893 : i32 to index
        %get3A_898 = arith.constant 0 : index
        %get3A_899 = tpu.vector_load %arg12[%get3A_897, %get3A_898] {strides = array<i32>} : memref<25x80xi32, #tpu.memory_space<vmem>>, vector<16xi32>,
        %gather3A_900 = tpu.vector_load_idx %arg8[%get3A_896] : memref<10000xf32, #tpu.memory_space<vmem>>[vector<16xi32>], vector<16xf32>,
        %gather3A_901 = tpu.vector_load_idx %arg9[%get3A_899] : memref<10000xf32, #tpu.memory_space<vmem>>[vector<16xi32>], vector<16xf32>,
        %add3A_902 = arith.addf %gather3A_900, %gather3A_901 : vector<16xf32>
        %mul3A_903 = arith.constant 0.707106769 : f32
        %mul3A_904 = vector.broadcast %mul3A_903 : f32 to vector<16xf32>
        %mul3A_905 = arith.mulf %add3A_902, %mul3A_904 : vector<16xf32>
        %abs3A_906 = math.absf %mul3A_905 : vector<16xf32>
        %mul3A_907 = arith.constant 0.327591091 : f32
        %mul3A_908 = vector.broadcast %mul3A_907 : f32 to vector<16xf32>
        %mul3A_909 = arith.mulf %mul3A_908, %abs3A_906 : vector<16xf32>
        %add3A_910 = arith.constant 1.000000e+00 : f32
        %add3A_911 = vector.broadcast %add3A_910 : f32 to vector<16xf32>
        %add3A_912 = arith.addf %add3A_911, %mul3A_909 : vector<16xf32>
        %div3A_913 = arith.constant 1.000000e+00 : f32
        %div3A_914 = vector.broadcast %div3A_913 : f32 to vector<16xf32>
        %div3A_915 = arith.divf %div3A_914, %add3A_912 : vector<16xf32>
        %mul3A_916 = arith.constant 1.06140542 : f32
        %mul3A_917 = vector.broadcast %mul3A_916 : f32 to vector<16xf32>
        %mul3A_918 = arith.mulf %div3A_915, %mul3A_917 : vector<16xf32>
        %add3A_919 = arith.constant -1.45315206 : f32
        %add3A_920 = vector.broadcast %add3A_919 : f32 to vector<16xf32>
        %add3A_921 = arith.addf %add3A_920, %mul3A_918 : vector<16xf32>
        %mul3A_922 = arith.mulf %div3A_915, %add3A_921 : vector<16xf32>
        %add3A_923 = arith.constant 1.42141378 : f32
        %add3A_924 = vector.broadcast %add3A_923 : f32 to vector<16xf32>
        %add3A_925 = arith.addf %add3A_924, %mul3A_922 : vector<16xf32>
        %mul3A_926 = arith.mulf %div3A_915, %add3A_925 : vector<16xf32>
        %add3A_927 = arith.constant -0.284496725 : f32
        %add3A_928 = vector.broadcast %add3A_927 : f32 to vector<16xf32>
        %add3A_929 = arith.addf %add3A_928, %mul3A_926 : vector<16xf32>
        %mul3A_930 = arith.mulf %div3A_915, %add3A_929 : vector<16xf32>
        %add3A_931 = arith.constant 0.254829586 : f32
        %add3A_932 = vector.broadcast %add3A_931 : f32 to vector<16xf32>
        %add3A_933 = arith.addf %add3A_932, %mul3A_930 : vector<16xf32>
        %mul3A_934 = arith.mulf %div3A_915, %add3A_933 : vector<16xf32>
        %mul3A_935 = arith.mulf %abs3A_906, %abs3A_906 : vector<16xf32>
        %neg3A_936 = arith.constant 0.000000e+00 : f32
        %neg3A_937 = vector.broadcast %neg3A_936 : f32 to vector<16xf32>
        %neg3A_938 = arith.subf %neg3A_937, %mul3A_935 : vector<16xf32>
        %exp3A_939 = math.exp %neg3A_938 : vector<16xf32>
        %mul3A_940 = arith.mulf %mul3A_934, %exp3A_939 : vector<16xf32>
        %sub3A_941 = arith.constant 1.000000e+00 : f32
        %sub3A_942 = vector.broadcast %sub3A_941 : f32 to vector<16xf32>
        %sub3A_943 = arith.subf %sub3A_942, %mul3A_940 : vector<16xf32>
        %ge3A_944 = arith.constant 0.000000e+00 : f32
        %ge3A_945 = vector.broadcast %ge3A_944 : f32 to vector<16xf32>
        %ge3A_946 = arith.cmpf oge, %mul3A_905, %ge3A_945 : vector<16xf32>
        %neg3A_947 = arith.constant 0.000000e+00 : f32
        %neg3A_948 = vector.broadcast %neg3A_947 : f32 to vector<16xf32>
        %neg3A_949 = arith.subf %neg3A_948, %sub3A_943 : vector<16xf32>
        %select_n3A_950 = arith.select %ge3A_946, %sub3A_943, %neg3A_949 : vector<16xi1>, vector<16xf32>
        %mul3A_951 = arith.constant 5.000000e-01 : f32
        %mul3A_952 = vector.broadcast %mul3A_951 : f32 to vector<16xf32>
        %mul3A_953 = arith.mulf %mul3A_952, %add3A_902 : vector<16xf32>
        %add3A_954 = arith.constant 1.000000e+00 : f32
        %add3A_955 = vector.broadcast %add3A_954 : f32 to vector<16xf32>
        %add3A_956 = arith.addf %add3A_955, %select_n3A_950 : vector<16xf32>
        %mul3A_957 = arith.mulf %mul3A_953, %add3A_956 : vector<16xf32>
        %exp3A_958 = math.exp %mul3A_957 : vector<16xf32>
        %swap3A_959 = arith.constant 0 : index
        %swap3A_960 = tpu.vector_load %arg13[%swap3A_959] {strides = array<i32>} : memref<80xf32, #tpu.memory_space<vmem>>, vector<16xf32>,
        tpu.vector_store %arg13[%swap3A_959], %exp3A_958 {strides = array<i32>} : memref<80xf32, #tpu.memory_space<vmem>>, vector<16xf32>,
        %ge3A_961 = vector.broadcast %mul3A_2 : i32 to vector<16xi32>
        %ge3A_962 = arith.cmpi sge, %get3A_899, %ge3A_961 : vector<16xi32>
        %lt3A_963 = vector.broadcast %select_n3A : i32 to vector<16xi32>
        %lt3A_964 = arith.cmpi slt, %get3A_899, %lt3A_963 : vector<16xi32>
        %and3A_965 = arith.andi %ge3A_962, %lt3A_964 : vector<16xi1>
        %sub3A_966 = vector.broadcast %mul3A_2 : i32 to vector<16xi32>
        %sub3A_967 = arith.subi %get3A_899, %sub3A_966 : vector<16xi32>
        %jit3A_968 = arith.constant 5056 : i32
        %broadcast_in_dim3A_969 = vector.broadcast %jit3A_968 : i32 to vector<16xi32>
        %select_n3A_970 = arith.select %and3A_965, %sub3A_967, %broadcast_in_dim3A_969 : vector<16xi1>, vector<16xi32>
        %swap3A_971 = arith.index_cast %add3A_893 : i32 to index
        %swap3A_972 = arith.constant 0 : index
        %swap3A_973 = tpu.vector_load %arg12[%swap3A_971, %swap3A_972] {strides = array<i32>} : memref<25x80xi32, #tpu.memory_space<vmem>>, vector<16xi32>,
        tpu.vector_store %arg12[%swap3A_971, %swap3A_972], %select_n3A_970 {strides = array<i32>} : memref<25x80xi32, #tpu.memory_space<vmem>>, vector<16xi32>,
        tpu.vector_store_idx %arg10[%select_n3A_970], %exp3A_958 {add = true} : memref<5120xf32, #tpu.memory_space<vmem>>[vector<16xi32>], vector<16xf32>,
        %get3A_974 = arith.index_cast %add3A_893 : i32 to index
        %get3A_975 = arith.constant 16 : index
        %get3A_976 = tpu.vector_load %arg11[%get3A_974, %get3A_975] {strides = array<i32>} : memref<25x80xi32, #tpu.memory_space<vmem>>, vector<16xi32>,
        %get3A_977 = arith.index_cast %add3A_893 : i32 to index
        %get3A_978 = arith.constant 16 : index
        %get3A_979 = tpu.vector_load %arg12[%get3A_977, %get3A_978] {strides = array<i32>} : memref<25x80xi32, #tpu.memory_space<vmem>>, vector<16xi32>,
        %gather3A_980 = tpu.vector_load_idx %arg8[%get3A_976] : memref<10000xf32, #tpu.memory_space<vmem>>[vector<16xi32>], vector<16xf32>,
        %gather3A_981 = tpu.vector_load_idx %arg9[%get3A_979] : memref<10000xf32, #tpu.memory_space<vmem>>[vector<16xi32>], vector<16xf32>,
        %add3A_982 = arith.addf %gather3A_980, %gather3A_981 : vector<16xf32>
        %mul3A_983 = arith.constant 0.707106769 : f32
        %mul3A_984 = vector.broadcast %mul3A_983 : f32 to vector<16xf32>
        %mul3A_985 = arith.mulf %add3A_982, %mul3A_984 : vector<16xf32>
        %abs3A_986 = math.absf %mul3A_985 : vector<16xf32>
        %mul3A_987 = arith.constant 0.327591091 : f32
        %mul3A_988 = vector.broadcast %mul3A_987 : f32 to vector<16xf32>
        %mul3A_989 = arith.mulf %mul3A_988, %abs3A_986 : vector<16xf32>
        %add3A_990 = arith.constant 1.000000e+00 : f32
        %add3A_991 = vector.broadcast %add3A_990 : f32 to vector<16xf32>
        %add3A_992 = arith.addf %add3A_991, %mul3A_989 : vector<16xf32>
        %div3A_993 = arith.constant 1.000000e+00 : f32
        %div3A_994 = vector.broadcast %div3A_993 : f32 to vector<16xf32>
        %div3A_995 = arith.divf %div3A_994, %add3A_992 : vector<16xf32>
        %mul3A_996 = arith.constant 1.06140542 : f32
        %mul3A_997 = vector.broadcast %mul3A_996 : f32 to vector<16xf32>
        %mul3A_998 = arith.mulf %div3A_995, %mul3A_997 : vector<16xf32>
        %add3A_999 = arith.constant -1.45315206 : f32
        %add3A_1000 = vector.broadcast %add3A_999 : f32 to vector<16xf32>
        %add3A_1001 = arith.addf %add3A_1000, %mul3A_998 : vector<16xf32>
        %mul3A_1002 = arith.mulf %div3A_995, %add3A_1001 : vector<16xf32>
        %add3A_1003 = arith.constant 1.42141378 : f32
        %add3A_1004 = vector.broadcast %add3A_1003 : f32 to vector<16xf32>
        %add3A_1005 = arith.addf %add3A_1004, %mul3A_1002 : vector<16xf32>
        %mul3A_1006 = arith.mulf %div3A_995, %add3A_1005 : vector<16xf32>
        %add3A_1007 = arith.constant -0.284496725 : f32
        %add3A_1008 = vector.broadcast %add3A_1007 : f32 to vector<16xf32>
        %add3A_1009 = arith.addf %add3A_1008, %mul3A_1006 : vector<16xf32>
        %mul3A_1010 = arith.mulf %div3A_995, %add3A_1009 : vector<16xf32>
        %add3A_1011 = arith.constant 0.254829586 : f32
        %add3A_1012 = vector.broadcast %add3A_1011 : f32 to vector<16xf32>
        %add3A_1013 = arith.addf %add3A_1012, %mul3A_1010 : vector<16xf32>
        %mul3A_1014 = arith.mulf %div3A_995, %add3A_1013 : vector<16xf32>
        %mul3A_1015 = arith.mulf %abs3A_986, %abs3A_986 : vector<16xf32>
        %neg3A_1016 = arith.constant 0.000000e+00 : f32
        %neg3A_1017 = vector.broadcast %neg3A_1016 : f32 to vector<16xf32>
        %neg3A_1018 = arith.subf %neg3A_1017, %mul3A_1015 : vector<16xf32>
        %exp3A_1019 = math.exp %neg3A_1018 : vector<16xf32>
        %mul3A_1020 = arith.mulf %mul3A_1014, %exp3A_1019 : vector<16xf32>
        %sub3A_1021 = arith.constant 1.000000e+00 : f32
        %sub3A_1022 = vector.broadcast %sub3A_1021 : f32 to vector<16xf32>
        %sub3A_1023 = arith.subf %sub3A_1022, %mul3A_1020 : vector<16xf32>
        %ge3A_1024 = arith.constant 0.000000e+00 : f32
        %ge3A_1025 = vector.broadcast %ge3A_1024 : f32 to vector<16xf32>
        %ge3A_1026 = arith.cmpf oge, %mul3A_985, %ge3A_1025 : vector<16xf32>
        %neg3A_1027 = arith.constant 0.000000e+00 : f32
        %neg3A_1028 = vector.broadcast %neg3A_1027 : f32 to vector<16xf32>
        %neg3A_1029 = arith.subf %neg3A_1028, %sub3A_1023 : vector<16xf32>
        %select_n3A_1030 = arith.select %ge3A_1026, %sub3A_1023, %neg3A_1029 : vector<16xi1>, vector<16xf32>
        %mul3A_1031 = arith.constant 5.000000e-01 : f32
        %mul3A_1032 = vector.broadcast %mul3A_1031 : f32 to vector<16xf32>
        %mul3A_1033 = arith.mulf %mul3A_1032, %add3A_982 : vector<16xf32>
        %add3A_1034 = arith.constant 1.000000e+00 : f32
        %add3A_1035 = vector.broadcast %add3A_1034 : f32 to vector<16xf32>
        %add3A_1036 = arith.addf %add3A_1035, %select_n3A_1030 : vector<16xf32>
        %mul3A_1037 = arith.mulf %mul3A_1033, %add3A_1036 : vector<16xf32>
        %exp3A_1038 = math.exp %mul3A_1037 : vector<16xf32>
        %swap3A_1039 = arith.constant 16 : index
        %swap3A_1040 = tpu.vector_load %arg13[%swap3A_1039] {strides = array<i32>} : memref<80xf32, #tpu.memory_space<vmem>>, vector<16xf32>,
        tpu.vector_store %arg13[%swap3A_1039], %exp3A_1038 {strides = array<i32>} : memref<80xf32, #tpu.memory_space<vmem>>, vector<16xf32>,
        %ge3A_1041 = vector.broadcast %mul3A_2 : i32 to vector<16xi32>
        %ge3A_1042 = arith.cmpi sge, %get3A_979, %ge3A_1041 : vector<16xi32>
        %lt3A_1043 = vector.broadcast %select_n3A : i32 to vector<16xi32>
        %lt3A_1044 = arith.cmpi slt, %get3A_979, %lt3A_1043 : vector<16xi32>
        %and3A_1045 = arith.andi %ge3A_1042, %lt3A_1044 : vector<16xi1>
        %sub3A_1046 = vector.broadcast %mul3A_2 : i32 to vector<16xi32>
        %sub3A_1047 = arith.subi %get3A_979, %sub3A_1046 : vector<16xi32>
        %jit3A_1048 = arith.constant 5056 : i32
        %broadcast_in_dim3A_1049 = vector.broadcast %jit3A_1048 : i32 to vector<16xi32>
        %select_n3A_1050 = arith.select %and3A_1045, %sub3A_1047, %broadcast_in_dim3A_1049 : vector<16xi1>, vector<16xi32>
        %swap3A_1051 = arith.index_cast %add3A_893 : i32 to index
        %swap3A_1052 = arith.constant 16 : index
        %swap3A_1053 = tpu.vector_load %arg12[%swap3A_1051, %swap3A_1052] {strides = array<i32>} : memref<25x80xi32, #tpu.memory_space<vmem>>, vector<16xi32>,
        tpu.vector_store %arg12[%swap3A_1051, %swap3A_1052], %select_n3A_1050 {strides = array<i32>} : memref<25x80xi32, #tpu.memory_space<vmem>>, vector<16xi32>,
        tpu.vector_store_idx %arg10[%select_n3A_1050], %exp3A_1038 {add = true} : memref<5120xf32, #tpu.memory_space<vmem>>[vector<16xi32>], vector<16xf32>,
        %get3A_1054 = arith.index_cast %add3A_893 : i32 to index
        %get3A_1055 = arith.constant 32 : index
        %get3A_1056 = tpu.vector_load %arg11[%get3A_1054, %get3A_1055] {strides = array<i32>} : memref<25x80xi32, #tpu.memory_space<vmem>>, vector<16xi32>,
        %get3A_1057 = arith.index_cast %add3A_893 : i32 to index
        %get3A_1058 = arith.constant 32 : index
        %get3A_1059 = tpu.vector_load %arg12[%get3A_1057, %get3A_1058] {strides = array<i32>} : memref<25x80xi32, #tpu.memory_space<vmem>>, vector<16xi32>,
        %gather3A_1060 = tpu.vector_load_idx %arg8[%get3A_1056] : memref<10000xf32, #tpu.memory_space<vmem>>[vector<16xi32>], vector<16xf32>,
        %gather3A_1061 = tpu.vector_load_idx %arg9[%get3A_1059] : memref<10000xf32, #tpu.memory_space<vmem>>[vector<16xi32>], vector<16xf32>,
        %add3A_1062 = arith.addf %gather3A_1060, %gather3A_1061 : vector<16xf32>
        %mul3A_1063 = arith.constant 0.707106769 : f32
        %mul3A_1064 = vector.broadcast %mul3A_1063 : f32 to vector<16xf32>
        %mul3A_1065 = arith.mulf %add3A_1062, %mul3A_1064 : vector<16xf32>
        %abs3A_1066 = math.absf %mul3A_1065 : vector<16xf32>
        %mul3A_1067 = arith.constant 0.327591091 : f32
        %mul3A_1068 = vector.broadcast %mul3A_1067 : f32 to vector<16xf32>
        %mul3A_1069 = arith.mulf %mul3A_1068, %abs3A_1066 : vector<16xf32>
        %add3A_1070 = arith.constant 1.000000e+00 : f32
        %add3A_1071 = vector.broadcast %add3A_1070 : f32 to vector<16xf32>
        %add3A_1072 = arith.addf %add3A_1071, %mul3A_1069 : vector<16xf32>
        %div3A_1073 = arith.constant 1.000000e+00 : f32
        %div3A_1074 = vector.broadcast %div3A_1073 : f32 to vector<16xf32>
        %div3A_1075 = arith.divf %div3A_1074, %add3A_1072 : vector<16xf32>
        %mul3A_1076 = arith.constant 1.06140542 : f32
        %mul3A_1077 = vector.broadcast %mul3A_1076 : f32 to vector<16xf32>
        %mul3A_1078 = arith.mulf %div3A_1075, %mul3A_1077 : vector<16xf32>
        %add3A_1079 = arith.constant -1.45315206 : f32
        %add3A_1080 = vector.broadcast %add3A_1079 : f32 to vector<16xf32>
        %add3A_1081 = arith.addf %add3A_1080, %mul3A_1078 : vector<16xf32>
        %mul3A_1082 = arith.mulf %div3A_1075, %add3A_1081 : vector<16xf32>
        %add3A_1083 = arith.constant 1.42141378 : f32
        %add3A_1084 = vector.broadcast %add3A_1083 : f32 to vector<16xf32>
        %add3A_1085 = arith.addf %add3A_1084, %mul3A_1082 : vector<16xf32>
        %mul3A_1086 = arith.mulf %div3A_1075, %add3A_1085 : vector<16xf32>
        %add3A_1087 = arith.constant -0.284496725 : f32
        %add3A_1088 = vector.broadcast %add3A_1087 : f32 to vector<16xf32>
        %add3A_1089 = arith.addf %add3A_1088, %mul3A_1086 : vector<16xf32>
        %mul3A_1090 = arith.mulf %div3A_1075, %add3A_1089 : vector<16xf32>
        %add3A_1091 = arith.constant 0.254829586 : f32
        %add3A_1092 = vector.broadcast %add3A_1091 : f32 to vector<16xf32>
        %add3A_1093 = arith.addf %add3A_1092, %mul3A_1090 : vector<16xf32>
        %mul3A_1094 = arith.mulf %div3A_1075, %add3A_1093 : vector<16xf32>
        %mul3A_1095 = arith.mulf %abs3A_1066, %abs3A_1066 : vector<16xf32>
        %neg3A_1096 = arith.constant 0.000000e+00 : f32
        %neg3A_1097 = vector.broadcast %neg3A_1096 : f32 to vector<16xf32>
        %neg3A_1098 = arith.subf %neg3A_1097, %mul3A_1095 : vector<16xf32>
        %exp3A_1099 = math.exp %neg3A_1098 : vector<16xf32>
        %mul3A_1100 = arith.mulf %mul3A_1094, %exp3A_1099 : vector<16xf32>
        %sub3A_1101 = arith.constant 1.000000e+00 : f32
        %sub3A_1102 = vector.broadcast %sub3A_1101 : f32 to vector<16xf32>
        %sub3A_1103 = arith.subf %sub3A_1102, %mul3A_1100 : vector<16xf32>
        %ge3A_1104 = arith.constant 0.000000e+00 : f32
        %ge3A_1105 = vector.broadcast %ge3A_1104 : f32 to vector<16xf32>
        %ge3A_1106 = arith.cmpf oge, %mul3A_1065, %ge3A_1105 : vector<16xf32>
        %neg3A_1107 = arith.constant 0.000000e+00 : f32
        %neg3A_1108 = vector.broadcast %neg3A_1107 : f32 to vector<16xf32>
        %neg3A_1109 = arith.subf %neg3A_1108, %sub3A_1103 : vector<16xf32>
        %select_n3A_1110 = arith.select %ge3A_1106, %sub3A_1103, %neg3A_1109 : vector<16xi1>, vector<16xf32>
        %mul3A_1111 = arith.constant 5.000000e-01 : f32
        %mul3A_1112 = vector.broadcast %mul3A_1111 : f32 to vector<16xf32>
        %mul3A_1113 = arith.mulf %mul3A_1112, %add3A_1062 : vector<16xf32>
        %add3A_1114 = arith.constant 1.000000e+00 : f32
        %add3A_1115 = vector.broadcast %add3A_1114 : f32 to vector<16xf32>
        %add3A_1116 = arith.addf %add3A_1115, %select_n3A_1110 : vector<16xf32>
        %mul3A_1117 = arith.mulf %mul3A_1113, %add3A_1116 : vector<16xf32>
        %exp3A_1118 = math.exp %mul3A_1117 : vector<16xf32>
        %swap3A_1119 = arith.constant 32 : index
        %swap3A_1120 = tpu.vector_load %arg13[%swap3A_1119] {strides = array<i32>} : memref<80xf32, #tpu.memory_space<vmem>>, vector<16xf32>,
        tpu.vector_store %arg13[%swap3A_1119], %exp3A_1118 {strides = array<i32>} : memref<80xf32, #tpu.memory_space<vmem>>, vector<16xf32>,
        %ge3A_1121 = vector.broadcast %mul3A_2 : i32 to vector<16xi32>
        %ge3A_1122 = arith.cmpi sge, %get3A_1059, %ge3A_1121 : vector<16xi32>
        %lt3A_1123 = vector.broadcast %select_n3A : i32 to vector<16xi32>
        %lt3A_1124 = arith.cmpi slt, %get3A_1059, %lt3A_1123 : vector<16xi32>
        %and3A_1125 = arith.andi %ge3A_1122, %lt3A_1124 : vector<16xi1>
        %sub3A_1126 = vector.broadcast %mul3A_2 : i32 to vector<16xi32>
        %sub3A_1127 = arith.subi %get3A_1059, %sub3A_1126 : vector<16xi32>
        %jit3A_1128 = arith.constant 5056 : i32
        %broadcast_in_dim3A_1129 = vector.broadcast %jit3A_1128 : i32 to vector<16xi32>
        %select_n3A_1130 = arith.select %and3A_1125, %sub3A_1127, %broadcast_in_dim3A_1129 : vector<16xi1>, vector<16xi32>
        %swap3A_1131 = arith.index_cast %add3A_893 : i32 to index
        %swap3A_1132 = arith.constant 32 : index
        %swap3A_1133 = tpu.vector_load %arg12[%swap3A_1131, %swap3A_1132] {strides = array<i32>} : memref<25x80xi32, #tpu.memory_space<vmem>>, vector<16xi32>,
        tpu.vector_store %arg12[%swap3A_1131, %swap3A_1132], %select_n3A_1130 {strides = array<i32>} : memref<25x80xi32, #tpu.memory_space<vmem>>, vector<16xi32>,
        tpu.vector_store_idx %arg10[%select_n3A_1130], %exp3A_1118 {add = true} : memref<5120xf32, #tpu.memory_space<vmem>>[vector<16xi32>], vector<16xf32>,
        %get3A_1134 = arith.index_cast %add3A_893 : i32 to index
        %get3A_1135 = arith.constant 48 : index
        %get3A_1136 = tpu.vector_load %arg11[%get3A_1134, %get3A_1135] {strides = array<i32>} : memref<25x80xi32, #tpu.memory_space<vmem>>, vector<16xi32>,
        %get3A_1137 = arith.index_cast %add3A_893 : i32 to index
        %get3A_1138 = arith.constant 48 : index
        %get3A_1139 = tpu.vector_load %arg12[%get3A_1137, %get3A_1138] {strides = array<i32>} : memref<25x80xi32, #tpu.memory_space<vmem>>, vector<16xi32>,
        %gather3A_1140 = tpu.vector_load_idx %arg8[%get3A_1136] : memref<10000xf32, #tpu.memory_space<vmem>>[vector<16xi32>], vector<16xf32>,
        %gather3A_1141 = tpu.vector_load_idx %arg9[%get3A_1139] : memref<10000xf32, #tpu.memory_space<vmem>>[vector<16xi32>], vector<16xf32>,
        %add3A_1142 = arith.addf %gather3A_1140, %gather3A_1141 : vector<16xf32>
        %mul3A_1143 = arith.constant 0.707106769 : f32
        %mul3A_1144 = vector.broadcast %mul3A_1143 : f32 to vector<16xf32>
        %mul3A_1145 = arith.mulf %add3A_1142, %mul3A_1144 : vector<16xf32>
        %abs3A_1146 = math.absf %mul3A_1145 : vector<16xf32>
        %mul3A_1147 = arith.constant 0.327591091 : f32
        %mul3A_1148 = vector.broadcast %mul3A_1147 : f32 to vector<16xf32>
        %mul3A_1149 = arith.mulf %mul3A_1148, %abs3A_1146 : vector<16xf32>
        %add3A_1150 = arith.constant 1.000000e+00 : f32
        %add3A_1151 = vector.broadcast %add3A_1150 : f32 to vector<16xf32>
        %add3A_1152 = arith.addf %add3A_1151, %mul3A_1149 : vector<16xf32>
        %div3A_1153 = arith.constant 1.000000e+00 : f32
        %div3A_1154 = vector.broadcast %div3A_1153 : f32 to vector<16xf32>
        %div3A_1155 = arith.divf %div3A_1154, %add3A_1152 : vector<16xf32>
        %mul3A_1156 = arith.constant 1.06140542 : f32
        %mul3A_1157 = vector.broadcast %mul3A_1156 : f32 to vector<16xf32>
        %mul3A_1158 = arith.mulf %div3A_1155, %mul3A_1157 : vector<16xf32>
        %add3A_1159 = arith.constant -1.45315206 : f32
        %add3A_1160 = vector.broadcast %add3A_1159 : f32 to vector<16xf32>
        %add3A_1161 = arith.addf %add3A_1160, %mul3A_1158 : vector<16xf32>
        %mul3A_1162 = arith.mulf %div3A_1155, %add3A_1161 : vector<16xf32>
        %add3A_1163 = arith.constant 1.42141378 : f32
        %add3A_1164 = vector.broadcast %add3A_1163 : f32 to vector<16xf32>
        %add3A_1165 = arith.addf %add3A_1164, %mul3A_1162 : vector<16xf32>
        %mul3A_1166 = arith.mulf %div3A_1155, %add3A_1165 : vector<16xf32>
        %add3A_1167 = arith.constant -0.284496725 : f32
        %add3A_1168 = vector.broadcast %add3A_1167 : f32 to vector<16xf32>
        %add3A_1169 = arith.addf %add3A_1168, %mul3A_1166 : vector<16xf32>
        %mul3A_1170 = arith.mulf %div3A_1155, %add3A_1169 : vector<16xf32>
        %add3A_1171 = arith.constant 0.254829586 : f32
        %add3A_1172 = vector.broadcast %add3A_1171 : f32 to vector<16xf32>
        %add3A_1173 = arith.addf %add3A_1172, %mul3A_1170 : vector<16xf32>
        %mul3A_1174 = arith.mulf %div3A_1155, %add3A_1173 : vector<16xf32>
        %mul3A_1175 = arith.mulf %abs3A_1146, %abs3A_1146 : vector<16xf32>
        %neg3A_1176 = arith.constant 0.000000e+00 : f32
        %neg3A_1177 = vector.broadcast %neg3A_1176 : f32 to vector<16xf32>
        %neg3A_1178 = arith.subf %neg3A_1177, %mul3A_1175 : vector<16xf32>
        %exp3A_1179 = math.exp %neg3A_1178 : vector<16xf32>
        %mul3A_1180 = arith.mulf %mul3A_1174, %exp3A_1179 : vector<16xf32>
        %sub3A_1181 = arith.constant 1.000000e+00 : f32
        %sub3A_1182 = vector.broadcast %sub3A_1181 : f32 to vector<16xf32>
        %sub3A_1183 = arith.subf %sub3A_1182, %mul3A_1180 : vector<16xf32>
        %ge3A_1184 = arith.constant 0.000000e+00 : f32
        %ge3A_1185 = vector.broadcast %ge3A_1184 : f32 to vector<16xf32>
        %ge3A_1186 = arith.cmpf oge, %mul3A_1145, %ge3A_1185 : vector<16xf32>
        %neg3A_1187 = arith.constant 0.000000e+00 : f32
        %neg3A_1188 = vector.broadcast %neg3A_1187 : f32 to vector<16xf32>
        %neg3A_1189 = arith.subf %neg3A_1188, %sub3A_1183 : vector<16xf32>
        %select_n3A_1190 = arith.select %ge3A_1186, %sub3A_1183, %neg3A_1189 : vector<16xi1>, vector<16xf32>
        %mul3A_1191 = arith.constant 5.000000e-01 : f32
        %mul3A_1192 = vector.broadcast %mul3A_1191 : f32 to vector<16xf32>
        %mul3A_1193 = arith.mulf %mul3A_1192, %add3A_1142 : vector<16xf32>
        %add3A_1194 = arith.constant 1.000000e+00 : f32
        %add3A_1195 = vector.broadcast %add3A_1194 : f32 to vector<16xf32>
        %add3A_1196 = arith.addf %add3A_1195, %select_n3A_1190 : vector<16xf32>
        %mul3A_1197 = arith.mulf %mul3A_1193, %add3A_1196 : vector<16xf32>
        %exp3A_1198 = math.exp %mul3A_1197 : vector<16xf32>
        %swap3A_1199 = arith.constant 48 : index
        %swap3A_1200 = tpu.vector_load %arg13[%swap3A_1199] {strides = array<i32>} : memref<80xf32, #tpu.memory_space<vmem>>, vector<16xf32>,
        tpu.vector_store %arg13[%swap3A_1199], %exp3A_1198 {strides = array<i32>} : memref<80xf32, #tpu.memory_space<vmem>>, vector<16xf32>,
        %ge3A_1201 = vector.broadcast %mul3A_2 : i32 to vector<16xi32>
        %ge3A_1202 = arith.cmpi sge, %get3A_1139, %ge3A_1201 : vector<16xi32>
        %lt3A_1203 = vector.broadcast %select_n3A : i32 to vector<16xi32>
        %lt3A_1204 = arith.cmpi slt, %get3A_1139, %lt3A_1203 : vector<16xi32>
        %and3A_1205 = arith.andi %ge3A_1202, %lt3A_1204 : vector<16xi1>
        %sub3A_1206 = vector.broadcast %mul3A_2 : i32 to vector<16xi32>
        %sub3A_1207 = arith.subi %get3A_1139, %sub3A_1206 : vector<16xi32>
        %jit3A_1208 = arith.constant 5056 : i32
        %broadcast_in_dim3A_1209 = vector.broadcast %jit3A_1208 : i32 to vector<16xi32>
        %select_n3A_1210 = arith.select %and3A_1205, %sub3A_1207, %broadcast_in_dim3A_1209 : vector<16xi1>, vector<16xi32>
        %swap3A_1211 = arith.index_cast %add3A_893 : i32 to index
        %swap3A_1212 = arith.constant 48 : index
        %swap3A_1213 = tpu.vector_load %arg12[%swap3A_1211, %swap3A_1212] {strides = array<i32>} : memref<25x80xi32, #tpu.memory_space<vmem>>, vector<16xi32>,
        tpu.vector_store %arg12[%swap3A_1211, %swap3A_1212], %select_n3A_1210 {strides = array<i32>} : memref<25x80xi32, #tpu.memory_space<vmem>>, vector<16xi32>,
        tpu.vector_store_idx %arg10[%select_n3A_1210], %exp3A_1198 {add = true} : memref<5120xf32, #tpu.memory_space<vmem>>[vector<16xi32>], vector<16xf32>,
        %get3A_1214 = arith.index_cast %add3A_893 : i32 to index
        %get3A_1215 = arith.constant 64 : index
        %get3A_1216 = tpu.vector_load %arg11[%get3A_1214, %get3A_1215] {strides = array<i32>} : memref<25x80xi32, #tpu.memory_space<vmem>>, vector<16xi32>,
        %get3A_1217 = arith.index_cast %add3A_893 : i32 to index
        %get3A_1218 = arith.constant 64 : index
        %get3A_1219 = tpu.vector_load %arg12[%get3A_1217, %get3A_1218] {strides = array<i32>} : memref<25x80xi32, #tpu.memory_space<vmem>>, vector<16xi32>,
        %gather3A_1220 = tpu.vector_load_idx %arg8[%get3A_1216] : memref<10000xf32, #tpu.memory_space<vmem>>[vector<16xi32>], vector<16xf32>,
        %gather3A_1221 = tpu.vector_load_idx %arg9[%get3A_1219] : memref<10000xf32, #tpu.memory_space<vmem>>[vector<16xi32>], vector<16xf32>,
        %add3A_1222 = arith.addf %gather3A_1220, %gather3A_1221 : vector<16xf32>
        %mul3A_1223 = arith.constant 0.707106769 : f32
        %mul3A_1224 = vector.broadcast %mul3A_1223 : f32 to vector<16xf32>
        %mul3A_1225 = arith.mulf %add3A_1222, %mul3A_1224 : vector<16xf32>
        %abs3A_1226 = math.absf %mul3A_1225 : vector<16xf32>
        %mul3A_1227 = arith.constant 0.327591091 : f32
        %mul3A_1228 = vector.broadcast %mul3A_1227 : f32 to vector<16xf32>
        %mul3A_1229 = arith.mulf %mul3A_1228, %abs3A_1226 : vector<16xf32>
        %add3A_1230 = arith.constant 1.000000e+00 : f32
        %add3A_1231 = vector.broadcast %add3A_1230 : f32 to vector<16xf32>
        %add3A_1232 = arith.addf %add3A_1231, %mul3A_1229 : vector<16xf32>
        %div3A_1233 = arith.constant 1.000000e+00 : f32
        %div3A_1234 = vector.broadcast %div3A_1233 : f32 to vector<16xf32>
        %div3A_1235 = arith.divf %div3A_1234, %add3A_1232 : vector<16xf32>
        %mul3A_1236 = arith.constant 1.06140542 : f32
        %mul3A_1237 = vector.broadcast %mul3A_1236 : f32 to vector<16xf32>
        %mul3A_1238 = arith.mulf %div3A_1235, %mul3A_1237 : vector<16xf32>
        %add3A_1239 = arith.constant -1.45315206 : f32
        %add3A_1240 = vector.broadcast %add3A_1239 : f32 to vector<16xf32>
        %add3A_1241 = arith.addf %add3A_1240, %mul3A_1238 : vector<16xf32>
        %mul3A_1242 = arith.mulf %div3A_1235, %add3A_1241 : vector<16xf32>
        %add3A_1243 = arith.constant 1.42141378 : f32
        %add3A_1244 = vector.broadcast %add3A_1243 : f32 to vector<16xf32>
        %add3A_1245 = arith.addf %add3A_1244, %mul3A_1242 : vector<16xf32>
        %mul3A_1246 = arith.mulf %div3A_1235, %add3A_1245 : vector<16xf32>
        %add3A_1247 = arith.constant -0.284496725 : f32
        %add3A_1248 = vector.broadcast %add3A_1247 : f32 to vector<16xf32>
        %add3A_1249 = arith.addf %add3A_1248, %mul3A_1246 : vector<16xf32>
        %mul3A_1250 = arith.mulf %div3A_1235, %add3A_1249 : vector<16xf32>
        %add3A_1251 = arith.constant 0.254829586 : f32
        %add3A_1252 = vector.broadcast %add3A_1251 : f32 to vector<16xf32>
        %add3A_1253 = arith.addf %add3A_1252, %mul3A_1250 : vector<16xf32>
        %mul3A_1254 = arith.mulf %div3A_1235, %add3A_1253 : vector<16xf32>
        %mul3A_1255 = arith.mulf %abs3A_1226, %abs3A_1226 : vector<16xf32>
        %neg3A_1256 = arith.constant 0.000000e+00 : f32
        %neg3A_1257 = vector.broadcast %neg3A_1256 : f32 to vector<16xf32>
        %neg3A_1258 = arith.subf %neg3A_1257, %mul3A_1255 : vector<16xf32>
        %exp3A_1259 = math.exp %neg3A_1258 : vector<16xf32>
        %mul3A_1260 = arith.mulf %mul3A_1254, %exp3A_1259 : vector<16xf32>
        %sub3A_1261 = arith.constant 1.000000e+00 : f32
        %sub3A_1262 = vector.broadcast %sub3A_1261 : f32 to vector<16xf32>
        %sub3A_1263 = arith.subf %sub3A_1262, %mul3A_1260 : vector<16xf32>
        %ge3A_1264 = arith.constant 0.000000e+00 : f32
        %ge3A_1265 = vector.broadcast %ge3A_1264 : f32 to vector<16xf32>
        %ge3A_1266 = arith.cmpf oge, %mul3A_1225, %ge3A_1265 : vector<16xf32>
        %neg3A_1267 = arith.constant 0.000000e+00 : f32
        %neg3A_1268 = vector.broadcast %neg3A_1267 : f32 to vector<16xf32>
        %neg3A_1269 = arith.subf %neg3A_1268, %sub3A_1263 : vector<16xf32>
        %select_n3A_1270 = arith.select %ge3A_1266, %sub3A_1263, %neg3A_1269 : vector<16xi1>, vector<16xf32>
        %mul3A_1271 = arith.constant 5.000000e-01 : f32
        %mul3A_1272 = vector.broadcast %mul3A_1271 : f32 to vector<16xf32>
        %mul3A_1273 = arith.mulf %mul3A_1272, %add3A_1222 : vector<16xf32>
        %add3A_1274 = arith.constant 1.000000e+00 : f32
        %add3A_1275 = vector.broadcast %add3A_1274 : f32 to vector<16xf32>
        %add3A_1276 = arith.addf %add3A_1275, %select_n3A_1270 : vector<16xf32>
        %mul3A_1277 = arith.mulf %mul3A_1273, %add3A_1276 : vector<16xf32>
        %exp3A_1278 = math.exp %mul3A_1277 : vector<16xf32>
        %swap3A_1279 = arith.constant 64 : index
        %swap3A_1280 = tpu.vector_load %arg13[%swap3A_1279] {strides = array<i32>} : memref<80xf32, #tpu.memory_space<vmem>>, vector<16xf32>,
        tpu.vector_store %arg13[%swap3A_1279], %exp3A_1278 {strides = array<i32>} : memref<80xf32, #tpu.memory_space<vmem>>, vector<16xf32>,
        %ge3A_1281 = vector.broadcast %mul3A_2 : i32 to vector<16xi32>
        %ge3A_1282 = arith.cmpi sge, %get3A_1219, %ge3A_1281 : vector<16xi32>
        %lt3A_1283 = vector.broadcast %select_n3A : i32 to vector<16xi32>
        %lt3A_1284 = arith.cmpi slt, %get3A_1219, %lt3A_1283 : vector<16xi32>
        %and3A_1285 = arith.andi %ge3A_1282, %lt3A_1284 : vector<16xi1>
        %sub3A_1286 = vector.broadcast %mul3A_2 : i32 to vector<16xi32>
        %sub3A_1287 = arith.subi %get3A_1219, %sub3A_1286 : vector<16xi32>
        %jit3A_1288 = arith.constant 5056 : i32
        %broadcast_in_dim3A_1289 = vector.broadcast %jit3A_1288 : i32 to vector<16xi32>
        %select_n3A_1290 = arith.select %and3A_1285, %sub3A_1287, %broadcast_in_dim3A_1289 : vector<16xi1>, vector<16xi32>
        %swap3A_1291 = arith.index_cast %add3A_893 : i32 to index
        %swap3A_1292 = arith.constant 64 : index
        %swap3A_1293 = tpu.vector_load %arg12[%swap3A_1291, %swap3A_1292] {strides = array<i32>} : memref<25x80xi32, #tpu.memory_space<vmem>>, vector<16xi32>,
        tpu.vector_store %arg12[%swap3A_1291, %swap3A_1292], %select_n3A_1290 {strides = array<i32>} : memref<25x80xi32, #tpu.memory_space<vmem>>, vector<16xi32>,
        tpu.vector_store_idx %arg10[%select_n3A_1290], %exp3A_1278 {add = true} : memref<5120xf32, #tpu.memory_space<vmem>>[vector<16xi32>], vector<16xf32>,
        %add3A_1294 = arith.constant 1 : i32
        %add3A_1295 = arith.addi %mul3A_466, %add3A_1294 : i32
        %dma_wait3A_1296 = arith.constant 0 : i32
        %dma_wait3A_1297 = tpu.memref_slice %arg11[%add3A_1295, %dma_wait3A_1296] : memref<25x80xi32, #tpu.memory_space<vmem>> -> memref<1x80xi32, #tpu.memory_space<vmem>>
        %dma_wait3A_1298 = tpu.memref_squeeze %dma_wait3A_1297 : memref<1x80xi32, #tpu.memory_space<vmem>> -> memref<80xi32, #tpu.memory_space<vmem>>
        %dma_wait3A_1299 = arith.constant 0 : i32
        %dma_wait3A_1300 = arith.constant 0 : i32
        %dma_wait3A_1301 = tpu.memref_slice %arg5[%dma_wait3A_1299, %dma_wait3A_1300] : memref<10000x128xf32, #tpu.memory_space<hbm>> -> memref<10000x128xf32, #tpu.memory_space<hbm>>
        tpu.wait_indirect_dma semaphore(%arg17 : memref<!tpu.dma_semaphore, #tpu.memory_space<semaphore_mem>>) src(%dma_wait3A_1301 : memref<10000x128xf32, #tpu.memory_space<hbm>>) dst(%arg15 : memref<80x128xf32, #tpu.memory_space<vmem>>)
        %add3A_1302 = arith.constant 1 : i32
        %add3A_1303 = arith.addi %mul3A_466, %add3A_1302 : i32
        %parallel_loop3A_1304 = arith.constant 0 : i32
        %parallel_loop3A_1305 = arith.constant 80 : i32
        %parallel_loop3A_1306 = arith.constant 1 : i32
        scf.for %parallel_loop3A_1307 = %parallel_loop3A_1304 to %parallel_loop3A_1305 step %parallel_loop3A_1306  : i32 {
          %parallel_loop3A_1308 = vector.broadcast %parallel_loop3A_1307 : i32 to vector<16xi32>
          %parallel_loop3A_1309 = tpu.vector_load_idx %arg13[%parallel_loop3A_1308] : memref<80xf32, #tpu.memory_space<vmem>>[vector<16xi32>], vector<16xf32>,
          %parallel_loop3A_1310 = arith.index_cast %parallel_loop3A_1307 : i32 to index
          %parallel_loop3A_1311 = arith.constant 0 : index
          %parallel_loop3A_1312 = tpu.vector_load %arg15[%parallel_loop3A_1310, %parallel_loop3A_1311] {strides = array<i32>} : memref<80x128xf32, #tpu.memory_space<vmem>>, vector<16xf32>,
          %parallel_loop3A_1313 = arith.mulf %parallel_loop3A_1312, %parallel_loop3A_1309 : vector<16xf32>
          %parallel_loop3A_1314 = arith.index_cast %parallel_loop3A_1307 : i32 to index
          %parallel_loop3A_1315 = arith.constant 0 : index
          %parallel_loop3A_1316 = tpu.vector_load %arg15[%parallel_loop3A_1314, %parallel_loop3A_1315] {strides = array<i32>} : memref<80x128xf32, #tpu.memory_space<vmem>>, vector<16xf32>,
          tpu.vector_store %arg15[%parallel_loop3A_1314, %parallel_loop3A_1315], %parallel_loop3A_1313 {strides = array<i32>} : memref<80x128xf32, #tpu.memory_space<vmem>>, vector<16xf32>,
          %parallel_loop3A_1317 = arith.index_cast %parallel_loop3A_1307 : i32 to index
          %parallel_loop3A_1318 = arith.constant 16 : index
          %parallel_loop3A_1319 = tpu.vector_load %arg15[%parallel_loop3A_1317, %parallel_loop3A_1318] {strides = array<i32>} : memref<80x128xf32, #tpu.memory_space<vmem>>, vector<16xf32>,
          %parallel_loop3A_1320 = arith.mulf %parallel_loop3A_1319, %parallel_loop3A_1309 : vector<16xf32>
          %parallel_loop3A_1321 = arith.index_cast %parallel_loop3A_1307 : i32 to index
          %parallel_loop3A_1322 = arith.constant 16 : index
          %parallel_loop3A_1323 = tpu.vector_load %arg15[%parallel_loop3A_1321, %parallel_loop3A_1322] {strides = array<i32>} : memref<80x128xf32, #tpu.memory_space<vmem>>, vector<16xf32>,
          tpu.vector_store %arg15[%parallel_loop3A_1321, %parallel_loop3A_1322], %parallel_loop3A_1320 {strides = array<i32>} : memref<80x128xf32, #tpu.memory_space<vmem>>, vector<16xf32>,
          %parallel_loop3A_1324 = arith.index_cast %parallel_loop3A_1307 : i32 to index
          %parallel_loop3A_1325 = arith.constant 32 : index
          %parallel_loop3A_1326 = tpu.vector_load %arg15[%parallel_loop3A_1324, %parallel_loop3A_1325] {strides = array<i32>} : memref<80x128xf32, #tpu.memory_space<vmem>>, vector<16xf32>,
          %parallel_loop3A_1327 = arith.mulf %parallel_loop3A_1326, %parallel_loop3A_1309 : vector<16xf32>
          %parallel_loop3A_1328 = arith.index_cast %parallel_loop3A_1307 : i32 to index
          %parallel_loop3A_1329 = arith.constant 32 : index
          %parallel_loop3A_1330 = tpu.vector_load %arg15[%parallel_loop3A_1328, %parallel_loop3A_1329] {strides = array<i32>} : memref<80x128xf32, #tpu.memory_space<vmem>>, vector<16xf32>,
          tpu.vector_store %arg15[%parallel_loop3A_1328, %parallel_loop3A_1329], %parallel_loop3A_1327 {strides = array<i32>} : memref<80x128xf32, #tpu.memory_space<vmem>>, vector<16xf32>,
          %parallel_loop3A_1331 = arith.index_cast %parallel_loop3A_1307 : i32 to index
          %parallel_loop3A_1332 = arith.constant 48 : index
          %parallel_loop3A_1333 = tpu.vector_load %arg15[%parallel_loop3A_1331, %parallel_loop3A_1332] {strides = array<i32>} : memref<80x128xf32, #tpu.memory_space<vmem>>, vector<16xf32>,
          %parallel_loop3A_1334 = arith.mulf %parallel_loop3A_1333, %parallel_loop3A_1309 : vector<16xf32>
          %parallel_loop3A_1335 = arith.index_cast %parallel_loop3A_1307 : i32 to index
          %parallel_loop3A_1336 = arith.constant 48 : index
          %parallel_loop3A_1337 = tpu.vector_load %arg15[%parallel_loop3A_1335, %parallel_loop3A_1336] {strides = array<i32>} : memref<80x128xf32, #tpu.memory_space<vmem>>, vector<16xf32>,
          tpu.vector_store %arg15[%parallel_loop3A_1335, %parallel_loop3A_1336], %parallel_loop3A_1334 {strides = array<i32>} : memref<80x128xf32, #tpu.memory_space<vmem>>, vector<16xf32>,
          %parallel_loop3A_1338 = arith.index_cast %parallel_loop3A_1307 : i32 to index
          %parallel_loop3A_1339 = arith.constant 64 : index
          %parallel_loop3A_1340 = tpu.vector_load %arg15[%parallel_loop3A_1338, %parallel_loop3A_1339] {strides = array<i32>} : memref<80x128xf32, #tpu.memory_space<vmem>>, vector<16xf32>,
          %parallel_loop3A_1341 = arith.mulf %parallel_loop3A_1340, %parallel_loop3A_1309 : vector<16xf32>
          %parallel_loop3A_1342 = arith.index_cast %parallel_loop3A_1307 : i32 to index
          %parallel_loop3A_1343 = arith.constant 64 : index
          %parallel_loop3A_1344 = tpu.vector_load %arg15[%parallel_loop3A_1342, %parallel_loop3A_1343] {strides = array<i32>} : memref<80x128xf32, #tpu.memory_space<vmem>>, vector<16xf32>,
          tpu.vector_store %arg15[%parallel_loop3A_1342, %parallel_loop3A_1343], %parallel_loop3A_1341 {strides = array<i32>} : memref<80x128xf32, #tpu.memory_space<vmem>>, vector<16xf32>,
          %parallel_loop3A_1345 = arith.index_cast %parallel_loop3A_1307 : i32 to index
          %parallel_loop3A_1346 = arith.constant 80 : index
          %parallel_loop3A_1347 = tpu.vector_load %arg15[%parallel_loop3A_1345, %parallel_loop3A_1346] {strides = array<i32>} : memref<80x128xf32, #tpu.memory_space<vmem>>, vector<16xf32>,
          %parallel_loop3A_1348 = arith.mulf %parallel_loop3A_1347, %parallel_loop3A_1309 : vector<16xf32>
          %parallel_loop3A_1349 = arith.index_cast %parallel_loop3A_1307 : i32 to index
          %parallel_loop3A_1350 = arith.constant 80 : index
          %parallel_loop3A_1351 = tpu.vector_load %arg15[%parallel_loop3A_1349, %parallel_loop3A_1350] {strides = array<i32>} : memref<80x128xf32, #tpu.memory_space<vmem>>, vector<16xf32>,
          tpu.vector_store %arg15[%parallel_loop3A_1349, %parallel_loop3A_1350], %parallel_loop3A_1348 {strides = array<i32>} : memref<80x128xf32, #tpu.memory_space<vmem>>, vector<16xf32>,
          %parallel_loop3A_1352 = arith.index_cast %parallel_loop3A_1307 : i32 to index
          %parallel_loop3A_1353 = arith.constant 96 : index
          %parallel_loop3A_1354 = tpu.vector_load %arg15[%parallel_loop3A_1352, %parallel_loop3A_1353] {strides = array<i32>} : memref<80x128xf32, #tpu.memory_space<vmem>>, vector<16xf32>,
          %parallel_loop3A_1355 = arith.mulf %parallel_loop3A_1354, %parallel_loop3A_1309 : vector<16xf32>
          %parallel_loop3A_1356 = arith.index_cast %parallel_loop3A_1307 : i32 to index
          %parallel_loop3A_1357 = arith.constant 96 : index
          %parallel_loop3A_1358 = tpu.vector_load %arg15[%parallel_loop3A_1356, %parallel_loop3A_1357] {strides = array<i32>} : memref<80x128xf32, #tpu.memory_space<vmem>>, vector<16xf32>,
          tpu.vector_store %arg15[%parallel_loop3A_1356, %parallel_loop3A_1357], %parallel_loop3A_1355 {strides = array<i32>} : memref<80x128xf32, #tpu.memory_space<vmem>>, vector<16xf32>,
          %parallel_loop3A_1359 = arith.index_cast %parallel_loop3A_1307 : i32 to index
          %parallel_loop3A_1360 = arith.constant 112 : index
          %parallel_loop3A_1361 = tpu.vector_load %arg15[%parallel_loop3A_1359, %parallel_loop3A_1360] {strides = array<i32>} : memref<80x128xf32, #tpu.memory_space<vmem>>, vector<16xf32>,
          %parallel_loop3A_1362 = arith.mulf %parallel_loop3A_1361, %parallel_loop3A_1309 : vector<16xf32>
          %parallel_loop3A_1363 = arith.index_cast %parallel_loop3A_1307 : i32 to index
          %parallel_loop3A_1364 = arith.constant 112 : index
          %parallel_loop3A_1365 = tpu.vector_load %arg15[%parallel_loop3A_1363, %parallel_loop3A_1364] {strides = array<i32>} : memref<80x128xf32, #tpu.memory_space<vmem>>, vector<16xf32>,
          tpu.vector_store %arg15[%parallel_loop3A_1363, %parallel_loop3A_1364], %parallel_loop3A_1362 {strides = array<i32>} : memref<80x128xf32, #tpu.memory_space<vmem>>, vector<16xf32>,
        } {sc.loop_unroll_factor = 2 : i64, sc.parallel_access}
        "tpu.region"() ({
          %run_scoped3A_1307 = tpu.sem_alloc : memref<!tpu.dma_semaphore, #tpu.memory_space<semaphore_mem>>
          %dma_start3A_1308 = arith.constant 0 : i32
          %dma_start3A_1309 = tpu.memref_slice %arg12[%add3A_1303, %dma_start3A_1308] : memref<25x80xi32, #tpu.memory_space<vmem>> -> memref<1x80xi32, #tpu.memory_space<vmem>>
          %dma_start3A_1310 = tpu.memref_squeeze %dma_start3A_1309 : memref<1x80xi32, #tpu.memory_space<vmem>> -> memref<80xi32, #tpu.memory_space<vmem>>
          %dma_start3A_1311 = arith.constant 0 : i32
          %dma_start3A_1312 = arith.constant 0 : i32
          %dma_start3A_1313 = tpu.memref_slice %arg16[%dma_start3A_1311, %dma_start3A_1312] : memref<5120x128xf32, #tpu.memory_space<vmem_shared>> -> memref<5120x128xf32, #tpu.memory_space<vmem_shared>>
          tpu.enqueue_indirect_dma source(%arg15 : memref<80x128xf32, #tpu.memory_space<vmem>>) target(%dma_start3A_1313 : memref<5120x128xf32, #tpu.memory_space<vmem_shared>>) offsets(%dma_start3A_1310 : memref<80xi32, #tpu.memory_space<vmem>>) semaphore(%run_scoped3A_1307 : memref<!tpu.dma_semaphore, #tpu.memory_space<semaphore_mem>>) {add = true}
          %dma_wait3A_1314 = arith.constant 0 : i32
          %dma_wait3A_1315 = tpu.memref_slice %arg12[%add3A_1303, %dma_wait3A_1314] : memref<25x80xi32, #tpu.memory_space<vmem>> -> memref<1x80xi32, #tpu.memory_space<vmem>>
          %dma_wait3A_1316 = tpu.memref_squeeze %dma_wait3A_1315 : memref<1x80xi32, #tpu.memory_space<vmem>> -> memref<80xi32, #tpu.memory_space<vmem>>
          %dma_wait3A_1317 = arith.constant 0 : i32
          %dma_wait3A_1318 = arith.constant 0 : i32
          %dma_wait3A_1319 = tpu.memref_slice %arg16[%dma_wait3A_1317, %dma_wait3A_1318] : memref<5120x128xf32, #tpu.memory_space<vmem_shared>> -> memref<5120x128xf32, #tpu.memory_space<vmem_shared>>
          tpu.wait_indirect_dma semaphore(%run_scoped3A_1307 : memref<!tpu.dma_semaphore, #tpu.memory_space<semaphore_mem>>) src(%arg15 : memref<80x128xf32, #tpu.memory_space<vmem>>) dst(%dma_wait3A_1319 : memref<5120x128xf32, #tpu.memory_space<vmem_shared>>)
          tpu.yield
        }) : () -> ()
      }
      %scan3A_50 = arith.constant 12 : i32
      %get3A = arith.constant 24 : i32
      %get3A_51 = arith.index_cast %get3A : i32 to index
      %get3A_52 = arith.constant 0 : index
      %get3A_53 = tpu.vector_load %arg11[%get3A_51, %get3A_52] {strides = array<i32>} : memref<25x80xi32, #tpu.memory_space<vmem>>, vector<16xi32>,
      %get3A_54 = arith.constant 24 : i32
      %get3A_55 = arith.index_cast %get3A_54 : i32 to index
      %get3A_56 = arith.constant 0 : index
      %get3A_57 = tpu.vector_load %arg12[%get3A_55, %get3A_56] {strides = array<i32>} : memref<25x80xi32, #tpu.memory_space<vmem>>, vector<16xi32>,
      %gather3A = tpu.vector_load_idx %arg8[%get3A_53] : memref<10000xf32, #tpu.memory_space<vmem>>[vector<16xi32>], vector<16xf32>,
      %gather3A_58 = tpu.vector_load_idx %arg9[%get3A_57] : memref<10000xf32, #tpu.memory_space<vmem>>[vector<16xi32>], vector<16xf32>,
      %add3A_59 = arith.addf %gather3A, %gather3A_58 : vector<16xf32>
      %mul3A_60 = arith.constant 0.707106769 : f32
      %mul3A_61 = vector.broadcast %mul3A_60 : f32 to vector<16xf32>
      %mul3A_62 = arith.mulf %add3A_59, %mul3A_61 : vector<16xf32>
      %abs3A = math.absf %mul3A_62 : vector<16xf32>
      %mul3A_63 = arith.constant 0.327591091 : f32
      %mul3A_64 = vector.broadcast %mul3A_63 : f32 to vector<16xf32>
      %mul3A_65 = arith.mulf %mul3A_64, %abs3A : vector<16xf32>
      %add3A_66 = arith.constant 1.000000e+00 : f32
      %add3A_67 = vector.broadcast %add3A_66 : f32 to vector<16xf32>
      %add3A_68 = arith.addf %add3A_67, %mul3A_65 : vector<16xf32>
      %div3A = arith.constant 1.000000e+00 : f32
      %div3A_69 = vector.broadcast %div3A : f32 to vector<16xf32>
      %div3A_70 = arith.divf %div3A_69, %add3A_68 : vector<16xf32>
      %mul3A_71 = arith.constant 1.06140542 : f32
      %mul3A_72 = vector.broadcast %mul3A_71 : f32 to vector<16xf32>
      %mul3A_73 = arith.mulf %div3A_70, %mul3A_72 : vector<16xf32>
      %add3A_74 = arith.constant -1.45315206 : f32
      %add3A_75 = vector.broadcast %add3A_74 : f32 to vector<16xf32>
      %add3A_76 = arith.addf %add3A_75, %mul3A_73 : vector<16xf32>
      %mul3A_77 = arith.mulf %div3A_70, %add3A_76 : vector<16xf32>
      %add3A_78 = arith.constant 1.42141378 : f32
      %add3A_79 = vector.broadcast %add3A_78 : f32 to vector<16xf32>
      %add3A_80 = arith.addf %add3A_79, %mul3A_77 : vector<16xf32>
      %mul3A_81 = arith.mulf %div3A_70, %add3A_80 : vector<16xf32>
      %add3A_82 = arith.constant -0.284496725 : f32
      %add3A_83 = vector.broadcast %add3A_82 : f32 to vector<16xf32>
      %add3A_84 = arith.addf %add3A_83, %mul3A_81 : vector<16xf32>
      %mul3A_85 = arith.mulf %div3A_70, %add3A_84 : vector<16xf32>
      %add3A_86 = arith.constant 0.254829586 : f32
      %add3A_87 = vector.broadcast %add3A_86 : f32 to vector<16xf32>
      %add3A_88 = arith.addf %add3A_87, %mul3A_85 : vector<16xf32>
      %mul3A_89 = arith.mulf %div3A_70, %add3A_88 : vector<16xf32>
      %mul3A_90 = arith.mulf %abs3A, %abs3A : vector<16xf32>
      %neg3A = arith.constant 0.000000e+00 : f32
      %neg3A_91 = vector.broadcast %neg3A : f32 to vector<16xf32>
      %neg3A_92 = arith.subf %neg3A_91, %mul3A_90 : vector<16xf32>
      %exp3A = math.exp %neg3A_92 : vector<16xf32>
      %mul3A_93 = arith.mulf %mul3A_89, %exp3A : vector<16xf32>
      %sub3A = arith.constant 1.000000e+00 : f32
      %sub3A_94 = vector.broadcast %sub3A : f32 to vector<16xf32>
      %sub3A_95 = arith.subf %sub3A_94, %mul3A_93 : vector<16xf32>
      %ge3A = arith.constant 0.000000e+00 : f32
      %ge3A_96 = vector.broadcast %ge3A : f32 to vector<16xf32>
      %ge3A_97 = arith.cmpf oge, %mul3A_62, %ge3A_96 : vector<16xf32>
      %neg3A_98 = arith.constant 0.000000e+00 : f32
      %neg3A_99 = vector.broadcast %neg3A_98 : f32 to vector<16xf32>
      %neg3A_100 = arith.subf %neg3A_99, %sub3A_95 : vector<16xf32>
      %select_n3A_101 = arith.select %ge3A_97, %sub3A_95, %neg3A_100 : vector<16xi1>, vector<16xf32>
      %mul3A_102 = arith.constant 5.000000e-01 : f32
      %mul3A_103 = vector.broadcast %mul3A_102 : f32 to vector<16xf32>
      %mul3A_104 = arith.mulf %mul3A_103, %add3A_59 : vector<16xf32>
      %add3A_105 = arith.constant 1.000000e+00 : f32
      %add3A_106 = vector.broadcast %add3A_105 : f32 to vector<16xf32>
      %add3A_107 = arith.addf %add3A_106, %select_n3A_101 : vector<16xf32>
      %mul3A_108 = arith.mulf %mul3A_104, %add3A_107 : vector<16xf32>
      %exp3A_109 = math.exp %mul3A_108 : vector<16xf32>
      %swap3A = arith.constant 0 : index
      %swap3A_110 = tpu.vector_load %arg13[%swap3A] {strides = array<i32>} : memref<80xf32, #tpu.memory_space<vmem>>, vector<16xf32>,
      tpu.vector_store %arg13[%swap3A], %exp3A_109 {strides = array<i32>} : memref<80xf32, #tpu.memory_space<vmem>>, vector<16xf32>,
      %ge3A_111 = vector.broadcast %mul3A_2 : i32 to vector<16xi32>
      %ge3A_112 = arith.cmpi sge, %get3A_57, %ge3A_111 : vector<16xi32>
      %lt3A = vector.broadcast %select_n3A : i32 to vector<16xi32>
      %lt3A_113 = arith.cmpi slt, %get3A_57, %lt3A : vector<16xi32>
      %and3A = arith.andi %ge3A_112, %lt3A_113 : vector<16xi1>
      %sub3A_114 = vector.broadcast %mul3A_2 : i32 to vector<16xi32>
      %sub3A_115 = arith.subi %get3A_57, %sub3A_114 : vector<16xi32>
      %jit3A_116 = arith.constant 5056 : i32
      %broadcast_in_dim3A_117 = vector.broadcast %jit3A_116 : i32 to vector<16xi32>
      %select_n3A_118 = arith.select %and3A, %sub3A_115, %broadcast_in_dim3A_117 : vector<16xi1>, vector<16xi32>
      %swap3A_119 = arith.constant 24 : i32
      %swap3A_120 = arith.index_cast %swap3A_119 : i32 to index
      %swap3A_121 = arith.constant 0 : index
      %swap3A_122 = tpu.vector_load %arg12[%swap3A_120, %swap3A_121] {strides = array<i32>} : memref<25x80xi32, #tpu.memory_space<vmem>>, vector<16xi32>,
      tpu.vector_store %arg12[%swap3A_120, %swap3A_121], %select_n3A_118 {strides = array<i32>} : memref<25x80xi32, #tpu.memory_space<vmem>>, vector<16xi32>,
      tpu.vector_store_idx %arg10[%select_n3A_118], %exp3A_109 {add = true} : memref<5120xf32, #tpu.memory_space<vmem>>[vector<16xi32>], vector<16xf32>,
      %get3A_123 = arith.constant 24 : i32
      %get3A_124 = arith.index_cast %get3A_123 : i32 to index
      %get3A_125 = arith.constant 16 : index
      %get3A_126 = tpu.vector_load %arg11[%get3A_124, %get3A_125] {strides = array<i32>} : memref<25x80xi32, #tpu.memory_space<vmem>>, vector<16xi32>,
      %get3A_127 = arith.constant 24 : i32
      %get3A_128 = arith.index_cast %get3A_127 : i32 to index
      %get3A_129 = arith.constant 16 : index
      %get3A_130 = tpu.vector_load %arg12[%get3A_128, %get3A_129] {strides = array<i32>} : memref<25x80xi32, #tpu.memory_space<vmem>>, vector<16xi32>,
      %gather3A_131 = tpu.vector_load_idx %arg8[%get3A_126] : memref<10000xf32, #tpu.memory_space<vmem>>[vector<16xi32>], vector<16xf32>,
      %gather3A_132 = tpu.vector_load_idx %arg9[%get3A_130] : memref<10000xf32, #tpu.memory_space<vmem>>[vector<16xi32>], vector<16xf32>,
      %add3A_133 = arith.addf %gather3A_131, %gather3A_132 : vector<16xf32>
      %mul3A_134 = arith.constant 0.707106769 : f32
      %mul3A_135 = vector.broadcast %mul3A_134 : f32 to vector<16xf32>
      %mul3A_136 = arith.mulf %add3A_133, %mul3A_135 : vector<16xf32>
      %abs3A_137 = math.absf %mul3A_136 : vector<16xf32>
      %mul3A_138 = arith.constant 0.327591091 : f32
      %mul3A_139 = vector.broadcast %mul3A_138 : f32 to vector<16xf32>
      %mul3A_140 = arith.mulf %mul3A_139, %abs3A_137 : vector<16xf32>
      %add3A_141 = arith.constant 1.000000e+00 : f32
      %add3A_142 = vector.broadcast %add3A_141 : f32 to vector<16xf32>
      %add3A_143 = arith.addf %add3A_142, %mul3A_140 : vector<16xf32>
      %div3A_144 = arith.constant 1.000000e+00 : f32
      %div3A_145 = vector.broadcast %div3A_144 : f32 to vector<16xf32>
      %div3A_146 = arith.divf %div3A_145, %add3A_143 : vector<16xf32>
      %mul3A_147 = arith.constant 1.06140542 : f32
      %mul3A_148 = vector.broadcast %mul3A_147 : f32 to vector<16xf32>
      %mul3A_149 = arith.mulf %div3A_146, %mul3A_148 : vector<16xf32>
      %add3A_150 = arith.constant -1.45315206 : f32
      %add3A_151 = vector.broadcast %add3A_150 : f32 to vector<16xf32>
      %add3A_152 = arith.addf %add3A_151, %mul3A_149 : vector<16xf32>
      %mul3A_153 = arith.mulf %div3A_146, %add3A_152 : vector<16xf32>
      %add3A_154 = arith.constant 1.42141378 : f32
      %add3A_155 = vector.broadcast %add3A_154 : f32 to vector<16xf32>
      %add3A_156 = arith.addf %add3A_155, %mul3A_153 : vector<16xf32>
      %mul3A_157 = arith.mulf %div3A_146, %add3A_156 : vector<16xf32>
      %add3A_158 = arith.constant -0.284496725 : f32
      %add3A_159 = vector.broadcast %add3A_158 : f32 to vector<16xf32>
      %add3A_160 = arith.addf %add3A_159, %mul3A_157 : vector<16xf32>
      %mul3A_161 = arith.mulf %div3A_146, %add3A_160 : vector<16xf32>
      %add3A_162 = arith.constant 0.254829586 : f32
      %add3A_163 = vector.broadcast %add3A_162 : f32 to vector<16xf32>
      %add3A_164 = arith.addf %add3A_163, %mul3A_161 : vector<16xf32>
      %mul3A_165 = arith.mulf %div3A_146, %add3A_164 : vector<16xf32>
      %mul3A_166 = arith.mulf %abs3A_137, %abs3A_137 : vector<16xf32>
      %neg3A_167 = arith.constant 0.000000e+00 : f32
      %neg3A_168 = vector.broadcast %neg3A_167 : f32 to vector<16xf32>
      %neg3A_169 = arith.subf %neg3A_168, %mul3A_166 : vector<16xf32>
      %exp3A_170 = math.exp %neg3A_169 : vector<16xf32>
      %mul3A_171 = arith.mulf %mul3A_165, %exp3A_170 : vector<16xf32>
      %sub3A_172 = arith.constant 1.000000e+00 : f32
      %sub3A_173 = vector.broadcast %sub3A_172 : f32 to vector<16xf32>
      %sub3A_174 = arith.subf %sub3A_173, %mul3A_171 : vector<16xf32>
      %ge3A_175 = arith.constant 0.000000e+00 : f32
      %ge3A_176 = vector.broadcast %ge3A_175 : f32 to vector<16xf32>
      %ge3A_177 = arith.cmpf oge, %mul3A_136, %ge3A_176 : vector<16xf32>
      %neg3A_178 = arith.constant 0.000000e+00 : f32
      %neg3A_179 = vector.broadcast %neg3A_178 : f32 to vector<16xf32>
      %neg3A_180 = arith.subf %neg3A_179, %sub3A_174 : vector<16xf32>
      %select_n3A_181 = arith.select %ge3A_177, %sub3A_174, %neg3A_180 : vector<16xi1>, vector<16xf32>
      %mul3A_182 = arith.constant 5.000000e-01 : f32
      %mul3A_183 = vector.broadcast %mul3A_182 : f32 to vector<16xf32>
      %mul3A_184 = arith.mulf %mul3A_183, %add3A_133 : vector<16xf32>
      %add3A_185 = arith.constant 1.000000e+00 : f32
      %add3A_186 = vector.broadcast %add3A_185 : f32 to vector<16xf32>
      %add3A_187 = arith.addf %add3A_186, %select_n3A_181 : vector<16xf32>
      %mul3A_188 = arith.mulf %mul3A_184, %add3A_187 : vector<16xf32>
      %exp3A_189 = math.exp %mul3A_188 : vector<16xf32>
      %swap3A_190 = arith.constant 16 : index
      %swap3A_191 = tpu.vector_load %arg13[%swap3A_190] {strides = array<i32>} : memref<80xf32, #tpu.memory_space<vmem>>, vector<16xf32>,
      tpu.vector_store %arg13[%swap3A_190], %exp3A_189 {strides = array<i32>} : memref<80xf32, #tpu.memory_space<vmem>>, vector<16xf32>,
      %ge3A_192 = vector.broadcast %mul3A_2 : i32 to vector<16xi32>
      %ge3A_193 = arith.cmpi sge, %get3A_130, %ge3A_192 : vector<16xi32>
      %lt3A_194 = vector.broadcast %select_n3A : i32 to vector<16xi32>
      %lt3A_195 = arith.cmpi slt, %get3A_130, %lt3A_194 : vector<16xi32>
      %and3A_196 = arith.andi %ge3A_193, %lt3A_195 : vector<16xi1>
      %sub3A_197 = vector.broadcast %mul3A_2 : i32 to vector<16xi32>
      %sub3A_198 = arith.subi %get3A_130, %sub3A_197 : vector<16xi32>
      %jit3A_199 = arith.constant 5056 : i32
      %broadcast_in_dim3A_200 = vector.broadcast %jit3A_199 : i32 to vector<16xi32>
      %select_n3A_201 = arith.select %and3A_196, %sub3A_198, %broadcast_in_dim3A_200 : vector<16xi1>, vector<16xi32>
      %swap3A_202 = arith.constant 24 : i32
      %swap3A_203 = arith.index_cast %swap3A_202 : i32 to index
      %swap3A_204 = arith.constant 16 : index
      %swap3A_205 = tpu.vector_load %arg12[%swap3A_203, %swap3A_204] {strides = array<i32>} : memref<25x80xi32, #tpu.memory_space<vmem>>, vector<16xi32>,
      tpu.vector_store %arg12[%swap3A_203, %swap3A_204], %select_n3A_201 {strides = array<i32>} : memref<25x80xi32, #tpu.memory_space<vmem>>, vector<16xi32>,
      tpu.vector_store_idx %arg10[%select_n3A_201], %exp3A_189 {add = true} : memref<5120xf32, #tpu.memory_space<vmem>>[vector<16xi32>], vector<16xf32>,
      %get3A_206 = arith.constant 24 : i32
      %get3A_207 = arith.index_cast %get3A_206 : i32 to index
      %get3A_208 = arith.constant 32 : index
      %get3A_209 = tpu.vector_load %arg11[%get3A_207, %get3A_208] {strides = array<i32>} : memref<25x80xi32, #tpu.memory_space<vmem>>, vector<16xi32>,
      %get3A_210 = arith.constant 24 : i32
      %get3A_211 = arith.index_cast %get3A_210 : i32 to index
      %get3A_212 = arith.constant 32 : index
      %get3A_213 = tpu.vector_load %arg12[%get3A_211, %get3A_212] {strides = array<i32>} : memref<25x80xi32, #tpu.memory_space<vmem>>, vector<16xi32>,
      %gather3A_214 = tpu.vector_load_idx %arg8[%get3A_209] : memref<10000xf32, #tpu.memory_space<vmem>>[vector<16xi32>], vector<16xf32>,
      %gather3A_215 = tpu.vector_load_idx %arg9[%get3A_213] : memref<10000xf32, #tpu.memory_space<vmem>>[vector<16xi32>], vector<16xf32>,
      %add3A_216 = arith.addf %gather3A_214, %gather3A_215 : vector<16xf32>
      %mul3A_217 = arith.constant 0.707106769 : f32
      %mul3A_218 = vector.broadcast %mul3A_217 : f32 to vector<16xf32>
      %mul3A_219 = arith.mulf %add3A_216, %mul3A_218 : vector<16xf32>
      %abs3A_220 = math.absf %mul3A_219 : vector<16xf32>
      %mul3A_221 = arith.constant 0.327591091 : f32
      %mul3A_222 = vector.broadcast %mul3A_221 : f32 to vector<16xf32>
      %mul3A_223 = arith.mulf %mul3A_222, %abs3A_220 : vector<16xf32>
      %add3A_224 = arith.constant 1.000000e+00 : f32
      %add3A_225 = vector.broadcast %add3A_224 : f32 to vector<16xf32>
      %add3A_226 = arith.addf %add3A_225, %mul3A_223 : vector<16xf32>
      %div3A_227 = arith.constant 1.000000e+00 : f32
      %div3A_228 = vector.broadcast %div3A_227 : f32 to vector<16xf32>
      %div3A_229 = arith.divf %div3A_228, %add3A_226 : vector<16xf32>
      %mul3A_230 = arith.constant 1.06140542 : f32
      %mul3A_231 = vector.broadcast %mul3A_230 : f32 to vector<16xf32>
      %mul3A_232 = arith.mulf %div3A_229, %mul3A_231 : vector<16xf32>
      %add3A_233 = arith.constant -1.45315206 : f32
      %add3A_234 = vector.broadcast %add3A_233 : f32 to vector<16xf32>
      %add3A_235 = arith.addf %add3A_234, %mul3A_232 : vector<16xf32>
      %mul3A_236 = arith.mulf %div3A_229, %add3A_235 : vector<16xf32>
      %add3A_237 = arith.constant 1.42141378 : f32
      %add3A_238 = vector.broadcast %add3A_237 : f32 to vector<16xf32>
      %add3A_239 = arith.addf %add3A_238, %mul3A_236 : vector<16xf32>
      %mul3A_240 = arith.mulf %div3A_229, %add3A_239 : vector<16xf32>
      %add3A_241 = arith.constant -0.284496725 : f32
      %add3A_242 = vector.broadcast %add3A_241 : f32 to vector<16xf32>
      %add3A_243 = arith.addf %add3A_242, %mul3A_240 : vector<16xf32>
      %mul3A_244 = arith.mulf %div3A_229, %add3A_243 : vector<16xf32>
      %add3A_245 = arith.constant 0.254829586 : f32
      %add3A_246 = vector.broadcast %add3A_245 : f32 to vector<16xf32>
      %add3A_247 = arith.addf %add3A_246, %mul3A_244 : vector<16xf32>
      %mul3A_248 = arith.mulf %div3A_229, %add3A_247 : vector<16xf32>
      %mul3A_249 = arith.mulf %abs3A_220, %abs3A_220 : vector<16xf32>
      %neg3A_250 = arith.constant 0.000000e+00 : f32
      %neg3A_251 = vector.broadcast %neg3A_250 : f32 to vector<16xf32>
      %neg3A_252 = arith.subf %neg3A_251, %mul3A_249 : vector<16xf32>
      %exp3A_253 = math.exp %neg3A_252 : vector<16xf32>
      %mul3A_254 = arith.mulf %mul3A_248, %exp3A_253 : vector<16xf32>
      %sub3A_255 = arith.constant 1.000000e+00 : f32
      %sub3A_256 = vector.broadcast %sub3A_255 : f32 to vector<16xf32>
      %sub3A_257 = arith.subf %sub3A_256, %mul3A_254 : vector<16xf32>
      %ge3A_258 = arith.constant 0.000000e+00 : f32
      %ge3A_259 = vector.broadcast %ge3A_258 : f32 to vector<16xf32>
      %ge3A_260 = arith.cmpf oge, %mul3A_219, %ge3A_259 : vector<16xf32>
      %neg3A_261 = arith.constant 0.000000e+00 : f32
      %neg3A_262 = vector.broadcast %neg3A_261 : f32 to vector<16xf32>
      %neg3A_263 = arith.subf %neg3A_262, %sub3A_257 : vector<16xf32>
      %select_n3A_264 = arith.select %ge3A_260, %sub3A_257, %neg3A_263 : vector<16xi1>, vector<16xf32>
      %mul3A_265 = arith.constant 5.000000e-01 : f32
      %mul3A_266 = vector.broadcast %mul3A_265 : f32 to vector<16xf32>
      %mul3A_267 = arith.mulf %mul3A_266, %add3A_216 : vector<16xf32>
      %add3A_268 = arith.constant 1.000000e+00 : f32
      %add3A_269 = vector.broadcast %add3A_268 : f32 to vector<16xf32>
      %add3A_270 = arith.addf %add3A_269, %select_n3A_264 : vector<16xf32>
      %mul3A_271 = arith.mulf %mul3A_267, %add3A_270 : vector<16xf32>
      %exp3A_272 = math.exp %mul3A_271 : vector<16xf32>
      %swap3A_273 = arith.constant 32 : index
      %swap3A_274 = tpu.vector_load %arg13[%swap3A_273] {strides = array<i32>} : memref<80xf32, #tpu.memory_space<vmem>>, vector<16xf32>,
      tpu.vector_store %arg13[%swap3A_273], %exp3A_272 {strides = array<i32>} : memref<80xf32, #tpu.memory_space<vmem>>, vector<16xf32>,
      %ge3A_275 = vector.broadcast %mul3A_2 : i32 to vector<16xi32>
      %ge3A_276 = arith.cmpi sge, %get3A_213, %ge3A_275 : vector<16xi32>
      %lt3A_277 = vector.broadcast %select_n3A : i32 to vector<16xi32>
      %lt3A_278 = arith.cmpi slt, %get3A_213, %lt3A_277 : vector<16xi32>
      %and3A_279 = arith.andi %ge3A_276, %lt3A_278 : vector<16xi1>
      %sub3A_280 = vector.broadcast %mul3A_2 : i32 to vector<16xi32>
      %sub3A_281 = arith.subi %get3A_213, %sub3A_280 : vector<16xi32>
      %jit3A_282 = arith.constant 5056 : i32
      %broadcast_in_dim3A_283 = vector.broadcast %jit3A_282 : i32 to vector<16xi32>
      %select_n3A_284 = arith.select %and3A_279, %sub3A_281, %broadcast_in_dim3A_283 : vector<16xi1>, vector<16xi32>
      %swap3A_285 = arith.constant 24 : i32
      %swap3A_286 = arith.index_cast %swap3A_285 : i32 to index
      %swap3A_287 = arith.constant 32 : index
      %swap3A_288 = tpu.vector_load %arg12[%swap3A_286, %swap3A_287] {strides = array<i32>} : memref<25x80xi32, #tpu.memory_space<vmem>>, vector<16xi32>,
      tpu.vector_store %arg12[%swap3A_286, %swap3A_287], %select_n3A_284 {strides = array<i32>} : memref<25x80xi32, #tpu.memory_space<vmem>>, vector<16xi32>,
      tpu.vector_store_idx %arg10[%select_n3A_284], %exp3A_272 {add = true} : memref<5120xf32, #tpu.memory_space<vmem>>[vector<16xi32>], vector<16xf32>,
      %get3A_289 = arith.constant 24 : i32
      %get3A_290 = arith.index_cast %get3A_289 : i32 to index
      %get3A_291 = arith.constant 48 : index
      %get3A_292 = tpu.vector_load %arg11[%get3A_290, %get3A_291] {strides = array<i32>} : memref<25x80xi32, #tpu.memory_space<vmem>>, vector<16xi32>,
      %get3A_293 = arith.constant 24 : i32
      %get3A_294 = arith.index_cast %get3A_293 : i32 to index
      %get3A_295 = arith.constant 48 : index
      %get3A_296 = tpu.vector_load %arg12[%get3A_294, %get3A_295] {strides = array<i32>} : memref<25x80xi32, #tpu.memory_space<vmem>>, vector<16xi32>,
      %gather3A_297 = tpu.vector_load_idx %arg8[%get3A_292] : memref<10000xf32, #tpu.memory_space<vmem>>[vector<16xi32>], vector<16xf32>,
      %gather3A_298 = tpu.vector_load_idx %arg9[%get3A_296] : memref<10000xf32, #tpu.memory_space<vmem>>[vector<16xi32>], vector<16xf32>,
      %add3A_299 = arith.addf %gather3A_297, %gather3A_298 : vector<16xf32>
      %mul3A_300 = arith.constant 0.707106769 : f32
      %mul3A_301 = vector.broadcast %mul3A_300 : f32 to vector<16xf32>
      %mul3A_302 = arith.mulf %add3A_299, %mul3A_301 : vector<16xf32>
      %abs3A_303 = math.absf %mul3A_302 : vector<16xf32>
      %mul3A_304 = arith.constant 0.327591091 : f32
      %mul3A_305 = vector.broadcast %mul3A_304 : f32 to vector<16xf32>
      %mul3A_306 = arith.mulf %mul3A_305, %abs3A_303 : vector<16xf32>
      %add3A_307 = arith.constant 1.000000e+00 : f32
      %add3A_308 = vector.broadcast %add3A_307 : f32 to vector<16xf32>
      %add3A_309 = arith.addf %add3A_308, %mul3A_306 : vector<16xf32>
      %div3A_310 = arith.constant 1.000000e+00 : f32
      %div3A_311 = vector.broadcast %div3A_310 : f32 to vector<16xf32>
      %div3A_312 = arith.divf %div3A_311, %add3A_309 : vector<16xf32>
      %mul3A_313 = arith.constant 1.06140542 : f32
      %mul3A_314 = vector.broadcast %mul3A_313 : f32 to vector<16xf32>
      %mul3A_315 = arith.mulf %div3A_312, %mul3A_314 : vector<16xf32>
      %add3A_316 = arith.constant -1.45315206 : f32
      %add3A_317 = vector.broadcast %add3A_316 : f32 to vector<16xf32>
      %add3A_318 = arith.addf %add3A_317, %mul3A_315 : vector<16xf32>
      %mul3A_319 = arith.mulf %div3A_312, %add3A_318 : vector<16xf32>
      %add3A_320 = arith.constant 1.42141378 : f32
      %add3A_321 = vector.broadcast %add3A_320 : f32 to vector<16xf32>
      %add3A_322 = arith.addf %add3A_321, %mul3A_319 : vector<16xf32>
      %mul3A_323 = arith.mulf %div3A_312, %add3A_322 : vector<16xf32>
      %add3A_324 = arith.constant -0.284496725 : f32
      %add3A_325 = vector.broadcast %add3A_324 : f32 to vector<16xf32>
      %add3A_326 = arith.addf %add3A_325, %mul3A_323 : vector<16xf32>
      %mul3A_327 = arith.mulf %div3A_312, %add3A_326 : vector<16xf32>
      %add3A_328 = arith.constant 0.254829586 : f32
      %add3A_329 = vector.broadcast %add3A_328 : f32 to vector<16xf32>
      %add3A_330 = arith.addf %add3A_329, %mul3A_327 : vector<16xf32>
      %mul3A_331 = arith.mulf %div3A_312, %add3A_330 : vector<16xf32>
      %mul3A_332 = arith.mulf %abs3A_303, %abs3A_303 : vector<16xf32>
      %neg3A_333 = arith.constant 0.000000e+00 : f32
      %neg3A_334 = vector.broadcast %neg3A_333 : f32 to vector<16xf32>
      %neg3A_335 = arith.subf %neg3A_334, %mul3A_332 : vector<16xf32>
      %exp3A_336 = math.exp %neg3A_335 : vector<16xf32>
      %mul3A_337 = arith.mulf %mul3A_331, %exp3A_336 : vector<16xf32>
      %sub3A_338 = arith.constant 1.000000e+00 : f32
      %sub3A_339 = vector.broadcast %sub3A_338 : f32 to vector<16xf32>
      %sub3A_340 = arith.subf %sub3A_339, %mul3A_337 : vector<16xf32>
      %ge3A_341 = arith.constant 0.000000e+00 : f32
      %ge3A_342 = vector.broadcast %ge3A_341 : f32 to vector<16xf32>
      %ge3A_343 = arith.cmpf oge, %mul3A_302, %ge3A_342 : vector<16xf32>
      %neg3A_344 = arith.constant 0.000000e+00 : f32
      %neg3A_345 = vector.broadcast %neg3A_344 : f32 to vector<16xf32>
      %neg3A_346 = arith.subf %neg3A_345, %sub3A_340 : vector<16xf32>
      %select_n3A_347 = arith.select %ge3A_343, %sub3A_340, %neg3A_346 : vector<16xi1>, vector<16xf32>
      %mul3A_348 = arith.constant 5.000000e-01 : f32
      %mul3A_349 = vector.broadcast %mul3A_348 : f32 to vector<16xf32>
      %mul3A_350 = arith.mulf %mul3A_349, %add3A_299 : vector<16xf32>
      %add3A_351 = arith.constant 1.000000e+00 : f32
      %add3A_352 = vector.broadcast %add3A_351 : f32 to vector<16xf32>
      %add3A_353 = arith.addf %add3A_352, %select_n3A_347 : vector<16xf32>
      %mul3A_354 = arith.mulf %mul3A_350, %add3A_353 : vector<16xf32>
      %exp3A_355 = math.exp %mul3A_354 : vector<16xf32>
      %swap3A_356 = arith.constant 48 : index
      %swap3A_357 = tpu.vector_load %arg13[%swap3A_356] {strides = array<i32>} : memref<80xf32, #tpu.memory_space<vmem>>, vector<16xf32>,
      tpu.vector_store %arg13[%swap3A_356], %exp3A_355 {strides = array<i32>} : memref<80xf32, #tpu.memory_space<vmem>>, vector<16xf32>,
      %ge3A_358 = vector.broadcast %mul3A_2 : i32 to vector<16xi32>
      %ge3A_359 = arith.cmpi sge, %get3A_296, %ge3A_358 : vector<16xi32>
      %lt3A_360 = vector.broadcast %select_n3A : i32 to vector<16xi32>
      %lt3A_361 = arith.cmpi slt, %get3A_296, %lt3A_360 : vector<16xi32>
      %and3A_362 = arith.andi %ge3A_359, %lt3A_361 : vector<16xi1>
      %sub3A_363 = vector.broadcast %mul3A_2 : i32 to vector<16xi32>
      %sub3A_364 = arith.subi %get3A_296, %sub3A_363 : vector<16xi32>
      %jit3A_365 = arith.constant 5056 : i32
      %broadcast_in_dim3A_366 = vector.broadcast %jit3A_365 : i32 to vector<16xi32>
      %select_n3A_367 = arith.select %and3A_362, %sub3A_364, %broadcast_in_dim3A_366 : vector<16xi1>, vector<16xi32>
      %swap3A_368 = arith.constant 24 : i32
      %swap3A_369 = arith.index_cast %swap3A_368 : i32 to index
      %swap3A_370 = arith.constant 48 : index
      %swap3A_371 = tpu.vector_load %arg12[%swap3A_369, %swap3A_370] {strides = array<i32>} : memref<25x80xi32, #tpu.memory_space<vmem>>, vector<16xi32>,
      tpu.vector_store %arg12[%swap3A_369, %swap3A_370], %select_n3A_367 {strides = array<i32>} : memref<25x80xi32, #tpu.memory_space<vmem>>, vector<16xi32>,
      tpu.vector_store_idx %arg10[%select_n3A_367], %exp3A_355 {add = true} : memref<5120xf32, #tpu.memory_space<vmem>>[vector<16xi32>], vector<16xf32>,
      %get3A_372 = arith.constant 24 : i32
      %get3A_373 = arith.index_cast %get3A_372 : i32 to index
      %get3A_374 = arith.constant 64 : index
      %get3A_375 = tpu.vector_load %arg11[%get3A_373, %get3A_374] {strides = array<i32>} : memref<25x80xi32, #tpu.memory_space<vmem>>, vector<16xi32>,
      %get3A_376 = arith.constant 24 : i32
      %get3A_377 = arith.index_cast %get3A_376 : i32 to index
      %get3A_378 = arith.constant 64 : index
      %get3A_379 = tpu.vector_load %arg12[%get3A_377, %get3A_378] {strides = array<i32>} : memref<25x80xi32, #tpu.memory_space<vmem>>, vector<16xi32>,
      %gather3A_380 = tpu.vector_load_idx %arg8[%get3A_375] : memref<10000xf32, #tpu.memory_space<vmem>>[vector<16xi32>], vector<16xf32>,
      %gather3A_381 = tpu.vector_load_idx %arg9[%get3A_379] : memref<10000xf32, #tpu.memory_space<vmem>>[vector<16xi32>], vector<16xf32>,
      %add3A_382 = arith.addf %gather3A_380, %gather3A_381 : vector<16xf32>
      %mul3A_383 = arith.constant 0.707106769 : f32
      %mul3A_384 = vector.broadcast %mul3A_383 : f32 to vector<16xf32>
      %mul3A_385 = arith.mulf %add3A_382, %mul3A_384 : vector<16xf32>
      %abs3A_386 = math.absf %mul3A_385 : vector<16xf32>
      %mul3A_387 = arith.constant 0.327591091 : f32
      %mul3A_388 = vector.broadcast %mul3A_387 : f32 to vector<16xf32>
      %mul3A_389 = arith.mulf %mul3A_388, %abs3A_386 : vector<16xf32>
      %add3A_390 = arith.constant 1.000000e+00 : f32
      %add3A_391 = vector.broadcast %add3A_390 : f32 to vector<16xf32>
      %add3A_392 = arith.addf %add3A_391, %mul3A_389 : vector<16xf32>
      %div3A_393 = arith.constant 1.000000e+00 : f32
      %div3A_394 = vector.broadcast %div3A_393 : f32 to vector<16xf32>
      %div3A_395 = arith.divf %div3A_394, %add3A_392 : vector<16xf32>
      %mul3A_396 = arith.constant 1.06140542 : f32
      %mul3A_397 = vector.broadcast %mul3A_396 : f32 to vector<16xf32>
      %mul3A_398 = arith.mulf %div3A_395, %mul3A_397 : vector<16xf32>
      %add3A_399 = arith.constant -1.45315206 : f32
      %add3A_400 = vector.broadcast %add3A_399 : f32 to vector<16xf32>
      %add3A_401 = arith.addf %add3A_400, %mul3A_398 : vector<16xf32>
      %mul3A_402 = arith.mulf %div3A_395, %add3A_401 : vector<16xf32>
      %add3A_403 = arith.constant 1.42141378 : f32
      %add3A_404 = vector.broadcast %add3A_403 : f32 to vector<16xf32>
      %add3A_405 = arith.addf %add3A_404, %mul3A_402 : vector<16xf32>
      %mul3A_406 = arith.mulf %div3A_395, %add3A_405 : vector<16xf32>
      %add3A_407 = arith.constant -0.284496725 : f32
      %add3A_408 = vector.broadcast %add3A_407 : f32 to vector<16xf32>
      %add3A_409 = arith.addf %add3A_408, %mul3A_406 : vector<16xf32>
      %mul3A_410 = arith.mulf %div3A_395, %add3A_409 : vector<16xf32>
      %add3A_411 = arith.constant 0.254829586 : f32
      %add3A_412 = vector.broadcast %add3A_411 : f32 to vector<16xf32>
      %add3A_413 = arith.addf %add3A_412, %mul3A_410 : vector<16xf32>
      %mul3A_414 = arith.mulf %div3A_395, %add3A_413 : vector<16xf32>
      %mul3A_415 = arith.mulf %abs3A_386, %abs3A_386 : vector<16xf32>
      %neg3A_416 = arith.constant 0.000000e+00 : f32
      %neg3A_417 = vector.broadcast %neg3A_416 : f32 to vector<16xf32>
      %neg3A_418 = arith.subf %neg3A_417, %mul3A_415 : vector<16xf32>
      %exp3A_419 = math.exp %neg3A_418 : vector<16xf32>
      %mul3A_420 = arith.mulf %mul3A_414, %exp3A_419 : vector<16xf32>
      %sub3A_421 = arith.constant 1.000000e+00 : f32
      %sub3A_422 = vector.broadcast %sub3A_421 : f32 to vector<16xf32>
      %sub3A_423 = arith.subf %sub3A_422, %mul3A_420 : vector<16xf32>
      %ge3A_424 = arith.constant 0.000000e+00 : f32
      %ge3A_425 = vector.broadcast %ge3A_424 : f32 to vector<16xf32>
      %ge3A_426 = arith.cmpf oge, %mul3A_385, %ge3A_425 : vector<16xf32>
      %neg3A_427 = arith.constant 0.000000e+00 : f32
      %neg3A_428 = vector.broadcast %neg3A_427 : f32 to vector<16xf32>
      %neg3A_429 = arith.subf %neg3A_428, %sub3A_423 : vector<16xf32>
      %select_n3A_430 = arith.select %ge3A_426, %sub3A_423, %neg3A_429 : vector<16xi1>, vector<16xf32>
      %mul3A_431 = arith.constant 5.000000e-01 : f32
      %mul3A_432 = vector.broadcast %mul3A_431 : f32 to vector<16xf32>
      %mul3A_433 = arith.mulf %mul3A_432, %add3A_382 : vector<16xf32>
      %add3A_434 = arith.constant 1.000000e+00 : f32
      %add3A_435 = vector.broadcast %add3A_434 : f32 to vector<16xf32>
      %add3A_436 = arith.addf %add3A_435, %select_n3A_430 : vector<16xf32>
      %mul3A_437 = arith.mulf %mul3A_433, %add3A_436 : vector<16xf32>
      %exp3A_438 = math.exp %mul3A_437 : vector<16xf32>
      %swap3A_439 = arith.constant 64 : index
      %swap3A_440 = tpu.vector_load %arg13[%swap3A_439] {strides = array<i32>} : memref<80xf32, #tpu.memory_space<vmem>>, vector<16xf32>,
      tpu.vector_store %arg13[%swap3A_439], %exp3A_438 {strides = array<i32>} : memref<80xf32, #tpu.memory_space<vmem>>, vector<16xf32>,
      %ge3A_441 = vector.broadcast %mul3A_2 : i32 to vector<16xi32>
      %ge3A_442 = arith.cmpi sge, %get3A_379, %ge3A_441 : vector<16xi32>
      %lt3A_443 = vector.broadcast %select_n3A : i32 to vector<16xi32>
      %lt3A_444 = arith.cmpi slt, %get3A_379, %lt3A_443 : vector<16xi32>
      %and3A_445 = arith.andi %ge3A_442, %lt3A_444 : vector<16xi1>
      %sub3A_446 = vector.broadcast %mul3A_2 : i32 to vector<16xi32>
      %sub3A_447 = arith.subi %get3A_379, %sub3A_446 : vector<16xi32>
      %jit3A_448 = arith.constant 5056 : i32
      %broadcast_in_dim3A_449 = vector.broadcast %jit3A_448 : i32 to vector<16xi32>
      %select_n3A_450 = arith.select %and3A_445, %sub3A_447, %broadcast_in_dim3A_449 : vector<16xi1>, vector<16xi32>
      %swap3A_451 = arith.constant 24 : i32
      %swap3A_452 = arith.index_cast %swap3A_451 : i32 to index
      %swap3A_453 = arith.constant 64 : index
      %swap3A_454 = tpu.vector_load %arg12[%swap3A_452, %swap3A_453] {strides = array<i32>} : memref<25x80xi32, #tpu.memory_space<vmem>>, vector<16xi32>,
      tpu.vector_store %arg12[%swap3A_452, %swap3A_453], %select_n3A_450 {strides = array<i32>} : memref<25x80xi32, #tpu.memory_space<vmem>>, vector<16xi32>,
      tpu.vector_store_idx %arg10[%select_n3A_450], %exp3A_438 {add = true} : memref<5120xf32, #tpu.memory_space<vmem>>[vector<16xi32>], vector<16xf32>,
      %dma_wait3A = arith.constant 24 : i32
      %dma_wait3A_455 = arith.constant 0 : i32
      %dma_wait3A_456 = tpu.memref_slice %arg11[%dma_wait3A, %dma_wait3A_455] : memref<25x80xi32, #tpu.memory_space<vmem>> -> memref<1x80xi32, #tpu.memory_space<vmem>>
      %dma_wait3A_457 = tpu.memref_squeeze %dma_wait3A_456 : memref<1x80xi32, #tpu.memory_space<vmem>> -> memref<80xi32, #tpu.memory_space<vmem>>
      %dma_wait3A_458 = arith.constant 0 : i32
      %dma_wait3A_459 = arith.constant 0 : i32
      %dma_wait3A_460 = tpu.memref_slice %arg5[%dma_wait3A_458, %dma_wait3A_459] : memref<10000x128xf32, #tpu.memory_space<hbm>> -> memref<10000x128xf32, #tpu.memory_space<hbm>>
      tpu.wait_indirect_dma semaphore(%arg17 : memref<!tpu.dma_semaphore, #tpu.memory_space<semaphore_mem>>) src(%dma_wait3A_460 : memref<10000x128xf32, #tpu.memory_space<hbm>>) dst(%arg14 : memref<80x128xf32, #tpu.memory_space<vmem>>)
      %parallel_loop3A = arith.constant 0 : i32
      %parallel_loop3A_461 = arith.constant 80 : i32
      %parallel_loop3A_462 = arith.constant 1 : i32
      scf.for %parallel_loop3A_464 = %parallel_loop3A to %parallel_loop3A_461 step %parallel_loop3A_462  : i32 {
        %parallel_loop3A_465 = vector.broadcast %parallel_loop3A_464 : i32 to vector<16xi32>
        %parallel_loop3A_466 = tpu.vector_load_idx %arg13[%parallel_loop3A_465] : memref<80xf32, #tpu.memory_space<vmem>>[vector<16xi32>], vector<16xf32>,
        %parallel_loop3A_467 = arith.index_cast %parallel_loop3A_464 : i32 to index
        %parallel_loop3A_468 = arith.constant 0 : index
        %parallel_loop3A_469 = tpu.vector_load %arg14[%parallel_loop3A_467, %parallel_loop3A_468] {strides = array<i32>} : memref<80x128xf32, #tpu.memory_space<vmem>>, vector<16xf32>,
        %parallel_loop3A_470 = arith.mulf %parallel_loop3A_469, %parallel_loop3A_466 : vector<16xf32>
        %parallel_loop3A_471 = arith.index_cast %parallel_loop3A_464 : i32 to index
        %parallel_loop3A_472 = arith.constant 0 : index
        %parallel_loop3A_473 = tpu.vector_load %arg14[%parallel_loop3A_471, %parallel_loop3A_472] {strides = array<i32>} : memref<80x128xf32, #tpu.memory_space<vmem>>, vector<16xf32>,
        tpu.vector_store %arg14[%parallel_loop3A_471, %parallel_loop3A_472], %parallel_loop3A_470 {strides = array<i32>} : memref<80x128xf32, #tpu.memory_space<vmem>>, vector<16xf32>,
        %parallel_loop3A_474 = arith.index_cast %parallel_loop3A_464 : i32 to index
        %parallel_loop3A_475 = arith.constant 16 : index
        %parallel_loop3A_476 = tpu.vector_load %arg14[%parallel_loop3A_474, %parallel_loop3A_475] {strides = array<i32>} : memref<80x128xf32, #tpu.memory_space<vmem>>, vector<16xf32>,
        %parallel_loop3A_477 = arith.mulf %parallel_loop3A_476, %parallel_loop3A_466 : vector<16xf32>
        %parallel_loop3A_478 = arith.index_cast %parallel_loop3A_464 : i32 to index
        %parallel_loop3A_479 = arith.constant 16 : index
        %parallel_loop3A_480 = tpu.vector_load %arg14[%parallel_loop3A_478, %parallel_loop3A_479] {strides = array<i32>} : memref<80x128xf32, #tpu.memory_space<vmem>>, vector<16xf32>,
        tpu.vector_store %arg14[%parallel_loop3A_478, %parallel_loop3A_479], %parallel_loop3A_477 {strides = array<i32>} : memref<80x128xf32, #tpu.memory_space<vmem>>, vector<16xf32>,
        %parallel_loop3A_481 = arith.index_cast %parallel_loop3A_464 : i32 to index
        %parallel_loop3A_482 = arith.constant 32 : index
        %parallel_loop3A_483 = tpu.vector_load %arg14[%parallel_loop3A_481, %parallel_loop3A_482] {strides = array<i32>} : memref<80x128xf32, #tpu.memory_space<vmem>>, vector<16xf32>,
        %parallel_loop3A_484 = arith.mulf %parallel_loop3A_483, %parallel_loop3A_466 : vector<16xf32>
        %parallel_loop3A_485 = arith.index_cast %parallel_loop3A_464 : i32 to index
        %parallel_loop3A_486 = arith.constant 32 : index
        %parallel_loop3A_487 = tpu.vector_load %arg14[%parallel_loop3A_485, %parallel_loop3A_486] {strides = array<i32>} : memref<80x128xf32, #tpu.memory_space<vmem>>, vector<16xf32>,
        tpu.vector_store %arg14[%parallel_loop3A_485, %parallel_loop3A_486], %parallel_loop3A_484 {strides = array<i32>} : memref<80x128xf32, #tpu.memory_space<vmem>>, vector<16xf32>,
        %parallel_loop3A_488 = arith.index_cast %parallel_loop3A_464 : i32 to index
        %parallel_loop3A_489 = arith.constant 48 : index
        %parallel_loop3A_490 = tpu.vector_load %arg14[%parallel_loop3A_488, %parallel_loop3A_489] {strides = array<i32>} : memref<80x128xf32, #tpu.memory_space<vmem>>, vector<16xf32>,
        %parallel_loop3A_491 = arith.mulf %parallel_loop3A_490, %parallel_loop3A_466 : vector<16xf32>
        %parallel_loop3A_492 = arith.index_cast %parallel_loop3A_464 : i32 to index
        %parallel_loop3A_493 = arith.constant 48 : index
        %parallel_loop3A_494 = tpu.vector_load %arg14[%parallel_loop3A_492, %parallel_loop3A_493] {strides = array<i32>} : memref<80x128xf32, #tpu.memory_space<vmem>>, vector<16xf32>,
        tpu.vector_store %arg14[%parallel_loop3A_492, %parallel_loop3A_493], %parallel_loop3A_491 {strides = array<i32>} : memref<80x128xf32, #tpu.memory_space<vmem>>, vector<16xf32>,
        %parallel_loop3A_495 = arith.index_cast %parallel_loop3A_464 : i32 to index
        %parallel_loop3A_496 = arith.constant 64 : index
        %parallel_loop3A_497 = tpu.vector_load %arg14[%parallel_loop3A_495, %parallel_loop3A_496] {strides = array<i32>} : memref<80x128xf32, #tpu.memory_space<vmem>>, vector<16xf32>,
        %parallel_loop3A_498 = arith.mulf %parallel_loop3A_497, %parallel_loop3A_466 : vector<16xf32>
        %parallel_loop3A_499 = arith.index_cast %parallel_loop3A_464 : i32 to index
        %parallel_loop3A_500 = arith.constant 64 : index
        %parallel_loop3A_501 = tpu.vector_load %arg14[%parallel_loop3A_499, %parallel_loop3A_500] {strides = array<i32>} : memref<80x128xf32, #tpu.memory_space<vmem>>, vector<16xf32>,
        tpu.vector_store %arg14[%parallel_loop3A_499, %parallel_loop3A_500], %parallel_loop3A_498 {strides = array<i32>} : memref<80x128xf32, #tpu.memory_space<vmem>>, vector<16xf32>,
        %parallel_loop3A_502 = arith.index_cast %parallel_loop3A_464 : i32 to index
        %parallel_loop3A_503 = arith.constant 80 : index
        %parallel_loop3A_504 = tpu.vector_load %arg14[%parallel_loop3A_502, %parallel_loop3A_503] {strides = array<i32>} : memref<80x128xf32, #tpu.memory_space<vmem>>, vector<16xf32>,
        %parallel_loop3A_505 = arith.mulf %parallel_loop3A_504, %parallel_loop3A_466 : vector<16xf32>
        %parallel_loop3A_506 = arith.index_cast %parallel_loop3A_464 : i32 to index
        %parallel_loop3A_507 = arith.constant 80 : index
        %parallel_loop3A_508 = tpu.vector_load %arg14[%parallel_loop3A_506, %parallel_loop3A_507] {strides = array<i32>} : memref<80x128xf32, #tpu.memory_space<vmem>>, vector<16xf32>,
        tpu.vector_store %arg14[%parallel_loop3A_506, %parallel_loop3A_507], %parallel_loop3A_505 {strides = array<i32>} : memref<80x128xf32, #tpu.memory_space<vmem>>, vector<16xf32>,
        %parallel_loop3A_509 = arith.index_cast %parallel_loop3A_464 : i32 to index
        %parallel_loop3A_510 = arith.constant 96 : index
        %parallel_loop3A_511 = tpu.vector_load %arg14[%parallel_loop3A_509, %parallel_loop3A_510] {strides = array<i32>} : memref<80x128xf32, #tpu.memory_space<vmem>>, vector<16xf32>,
        %parallel_loop3A_512 = arith.mulf %parallel_loop3A_511, %parallel_loop3A_466 : vector<16xf32>
        %parallel_loop3A_513 = arith.index_cast %parallel_loop3A_464 : i32 to index
        %parallel_loop3A_514 = arith.constant 96 : index
        %parallel_loop3A_515 = tpu.vector_load %arg14[%parallel_loop3A_513, %parallel_loop3A_514] {strides = array<i32>} : memref<80x128xf32, #tpu.memory_space<vmem>>, vector<16xf32>,
        tpu.vector_store %arg14[%parallel_loop3A_513, %parallel_loop3A_514], %parallel_loop3A_512 {strides = array<i32>} : memref<80x128xf32, #tpu.memory_space<vmem>>, vector<16xf32>,
        %parallel_loop3A_516 = arith.index_cast %parallel_loop3A_464 : i32 to index
        %parallel_loop3A_517 = arith.constant 112 : index
        %parallel_loop3A_518 = tpu.vector_load %arg14[%parallel_loop3A_516, %parallel_loop3A_517] {strides = array<i32>} : memref<80x128xf32, #tpu.memory_space<vmem>>, vector<16xf32>,
        %parallel_loop3A_519 = arith.mulf %parallel_loop3A_518, %parallel_loop3A_466 : vector<16xf32>
        %parallel_loop3A_520 = arith.index_cast %parallel_loop3A_464 : i32 to index
        %parallel_loop3A_521 = arith.constant 112 : index
        %parallel_loop3A_522 = tpu.vector_load %arg14[%parallel_loop3A_520, %parallel_loop3A_521] {strides = array<i32>} : memref<80x128xf32, #tpu.memory_space<vmem>>, vector<16xf32>,
        tpu.vector_store %arg14[%parallel_loop3A_520, %parallel_loop3A_521], %parallel_loop3A_519 {strides = array<i32>} : memref<80x128xf32, #tpu.memory_space<vmem>>, vector<16xf32>,
      } {sc.loop_unroll_factor = 2 : i64, sc.parallel_access}
      %run_scoped3A_463 = arith.constant 24 : i32
      "tpu.region"() ({
        %run_scoped3A_464 = tpu.sem_alloc : memref<!tpu.dma_semaphore, #tpu.memory_space<semaphore_mem>>
        %dma_start3A_465 = arith.constant 0 : i32
        %dma_start3A_466 = tpu.memref_slice %arg12[%run_scoped3A_463, %dma_start3A_465] : memref<25x80xi32, #tpu.memory_space<vmem>> -> memref<1x80xi32, #tpu.memory_space<vmem>>
        %dma_start3A_467 = tpu.memref_squeeze %dma_start3A_466 : memref<1x80xi32, #tpu.memory_space<vmem>> -> memref<80xi32, #tpu.memory_space<vmem>>
        %dma_start3A_468 = arith.constant 0 : i32
        %dma_start3A_469 = arith.constant 0 : i32
        %dma_start3A_470 = tpu.memref_slice %arg16[%dma_start3A_468, %dma_start3A_469] : memref<5120x128xf32, #tpu.memory_space<vmem_shared>> -> memref<5120x128xf32, #tpu.memory_space<vmem_shared>>
        tpu.enqueue_indirect_dma source(%arg14 : memref<80x128xf32, #tpu.memory_space<vmem>>) target(%dma_start3A_470 : memref<5120x128xf32, #tpu.memory_space<vmem_shared>>) offsets(%dma_start3A_467 : memref<80xi32, #tpu.memory_space<vmem>>) semaphore(%run_scoped3A_464 : memref<!tpu.dma_semaphore, #tpu.memory_space<semaphore_mem>>) {add = true}
        %dma_wait3A_471 = arith.constant 0 : i32
        %dma_wait3A_472 = tpu.memref_slice %arg12[%run_scoped3A_463, %dma_wait3A_471] : memref<25x80xi32, #tpu.memory_space<vmem>> -> memref<1x80xi32, #tpu.memory_space<vmem>>
        %dma_wait3A_473 = tpu.memref_squeeze %dma_wait3A_472 : memref<1x80xi32, #tpu.memory_space<vmem>> -> memref<80xi32, #tpu.memory_space<vmem>>
        %dma_wait3A_474 = arith.constant 0 : i32
        %dma_wait3A_475 = arith.constant 0 : i32
        %dma_wait3A_476 = tpu.memref_slice %arg16[%dma_wait3A_474, %dma_wait3A_475] : memref<5120x128xf32, #tpu.memory_space<vmem_shared>> -> memref<5120x128xf32, #tpu.memory_space<vmem_shared>>
        tpu.wait_indirect_dma semaphore(%run_scoped3A_464 : memref<!tpu.dma_semaphore, #tpu.memory_space<semaphore_mem>>) src(%arg14 : memref<80x128xf32, #tpu.memory_space<vmem>>) dst(%dma_wait3A_476 : memref<5120x128xf32, #tpu.memory_space<vmem_shared>>)
        tpu.yield
      }) : () -> ()
    }
    %scan3A_30 = arith.constant 10 : i32
    %barrier3A_31 = arith.constant 0 : index
    tpu.barrier barrier_id(%barrier3A_31)
    "tpu.region"() ({
      %run_scoped3A_32 = tpu.sem_alloc : memref<!tpu.dma_semaphore, #tpu.memory_space<semaphore_mem>>
      %dma_start3A = arith.constant 0 : i32
      %dma_start3A_33 = tpu.memref_slice %arg6[%arg0, %mul3A_0, %dma_start3A] : memref<2x5120x128xf32, #tpu.memory_space<hbm>> -> memref<1x320x128xf32, #tpu.memory_space<hbm>>
      %dma_start3A_34 = tpu.memref_squeeze %dma_start3A_33 : memref<1x320x128xf32, #tpu.memory_space<hbm>> -> memref<320x128xf32, #tpu.memory_space<hbm>>
      %dma_start3A_35 = arith.constant 0 : i32
      %dma_start3A_36 = tpu.memref_slice %arg16[%mul3A_0, %dma_start3A_35] : memref<5120x128xf32, #tpu.memory_space<vmem_shared>> -> memref<320x128xf32, #tpu.memory_space<vmem_shared>>
      tpu.enqueue_dma source(%dma_start3A_36 : memref<320x128xf32, #tpu.memory_space<vmem_shared>>) target(%dma_start3A_34 : memref<320x128xf32, #tpu.memory_space<hbm>>) target_semaphore(%run_scoped3A_32 : memref<!tpu.dma_semaphore, #tpu.memory_space<semaphore_mem>>)
      %dma_wait3A = arith.constant 0 : i32
      %dma_wait3A_37 = tpu.memref_slice %arg6[%arg0, %mul3A_0, %dma_wait3A] : memref<2x5120x128xf32, #tpu.memory_space<hbm>> -> memref<1x320x128xf32, #tpu.memory_space<hbm>>
      %dma_wait3A_38 = tpu.memref_squeeze %dma_wait3A_37 : memref<1x320x128xf32, #tpu.memory_space<hbm>> -> memref<320x128xf32, #tpu.memory_space<hbm>>
      %dma_wait3A_39 = arith.constant 0 : i32
      %dma_wait3A_40 = tpu.memref_slice %arg16[%mul3A_0, %dma_wait3A_39] : memref<5120x128xf32, #tpu.memory_space<vmem_shared>> -> memref<320x128xf32, #tpu.memory_space<vmem_shared>>
      tpu.wait_dma2 semaphore(%run_scoped3A_32 : memref<!tpu.dma_semaphore, #tpu.memory_space<semaphore_mem>>) src(%dma_wait3A_40 : memref<320x128xf32, #tpu.memory_space<vmem_shared>>) dst(%dma_wait3A_38 : memref<320x128xf32, #tpu.memory_space<hbm>>)
      tpu.yield
    }) : () -> ()
    "tpu.region"() ({
      %run_scoped3A_32 = tpu.sem_alloc : memref<!tpu.dma_semaphore, #tpu.memory_space<semaphore_mem>>
      %dma_start3A = arith.constant 0 : i32
      %dma_start3A_33 = tpu.memref_slice %arg7[%arg0, %arg1, %dma_start3A] : memref<2x16x5120xf32, #tpu.memory_space<hbm>> -> memref<1x1x5120xf32, #tpu.memory_space<hbm>>
      %dma_start3A_34 = tpu.memref_squeeze %dma_start3A_33 : memref<1x1x5120xf32, #tpu.memory_space<hbm>> -> memref<5120xf32, #tpu.memory_space<hbm>>
      %dma_start3A_35 = arith.constant 0 : i32
      %dma_start3A_36 = tpu.memref_slice %arg7[%arg0, %arg1, %dma_start3A_35] : memref<2x16x5120xf32, #tpu.memory_space<hbm>> -> memref<1x1x5120xf32, #tpu.memory_space<hbm>>
      %dma_start3A_37 = tpu.memref_squeeze %dma_start3A_36 : memref<1x1x5120xf32, #tpu.memory_space<hbm>> -> memref<5120xf32, #tpu.memory_space<hbm>>
      tpu.enqueue_dma source(%arg10 : memref<5120xf32, #tpu.memory_space<vmem>>) target(%dma_start3A_37 : memref<5120xf32, #tpu.memory_space<hbm>>) target_semaphore(%run_scoped3A_32 : memref<!tpu.dma_semaphore, #tpu.memory_space<semaphore_mem>>)
      %dma_wait3A = arith.constant 0 : i32
      %dma_wait3A_38 = tpu.memref_slice %arg7[%arg0, %arg1, %dma_wait3A] : memref<2x16x5120xf32, #tpu.memory_space<hbm>> -> memref<1x1x5120xf32, #tpu.memory_space<hbm>>
      %dma_wait3A_39 = tpu.memref_squeeze %dma_wait3A_38 : memref<1x1x5120xf32, #tpu.memory_space<hbm>> -> memref<5120xf32, #tpu.memory_space<hbm>>
      %dma_wait3A_40 = arith.constant 0 : i32
      %dma_wait3A_41 = tpu.memref_slice %arg7[%arg0, %arg1, %dma_wait3A_40] : memref<2x16x5120xf32, #tpu.memory_space<hbm>> -> memref<1x1x5120xf32, #tpu.memory_space<hbm>>
      %dma_wait3A_42 = tpu.memref_squeeze %dma_wait3A_41 : memref<1x1x5120xf32, #tpu.memory_space<hbm>> -> memref<5120xf32, #tpu.memory_space<hbm>>
      tpu.wait_dma2 semaphore(%run_scoped3A_32 : memref<!tpu.dma_semaphore, #tpu.memory_space<semaphore_mem>>) src(%arg10 : memref<5120xf32, #tpu.memory_space<vmem>>) dst(%dma_wait3A_42 : memref<5120xf32, #tpu.memory_space<hbm>>)
      tpu.yield
    }) : () -> ()
    return
  }
}

module attributes {stable_mosaic.version = 14 : i64} {
  func.func @_dense_body(%arg0: memref<10000x128xf32, #tpu.memory_space<vmem>>, %arg1: memref<128x128xf32, #tpu.memory_space<vmem>>, %arg2: memref<1x128xf32, #tpu.memory_space<vmem>>, %arg3: memref<2x128xf32, #tpu.memory_space<vmem>>, %arg4: memref<10000x128xf32, #tpu.memory_space<vmem>>, %arg5: memref<2x10000xf32, #tpu.memory_space<vmem>>) attributes {dimension_semantics = [], scalar_prefetch = 0 : i64, scratch_operands = 0 : i64, tpu.core_type = #tpu.core_type<tc>} {
    %get3A = arith.constant 0 : index
    %get3A_0 = arith.constant 0 : index
    %get3A_1 = vector.load %arg0[%get3A, %get3A_0] : memref<10000x128xf32, #tpu.memory_space<vmem>>, vector<10000x128xf32>
    %get3A_2 = arith.constant 0 : index
    %get3A_3 = arith.constant 0 : index
    %get3A_4 = vector.load %arg1[%get3A_2, %get3A_3] : memref<128x128xf32, #tpu.memory_space<vmem>>, vector<128x128xf32>
    %dot_general3A = arith.constant dense<0.000000e+00> : vector<10000x128xf32>
    %dot_general3A_5 = tpu.matmul %get3A_1, %get3A_4, %dot_general3A {dimension_numbers = #tpu.dot_dimension_numbers<[1], [0], [0], [1], [0, 0, 1, 1], [], []>, transpose_lhs_hint = false} : vector<10000x128xf32>, vector<128x128xf32>, vector<10000x128xf32> -> vector<10000x128xf32>
    %get3A_6 = arith.constant 0 : index
    %get3A_7 = arith.constant 0 : index
    %get3A_8 = vector.load %arg2[%get3A_6, %get3A_7] : memref<1x128xf32, #tpu.memory_space<vmem>>, vector<1x128xf32>
    %add3A = vector.broadcast %get3A_8 : vector<1x128xf32> to vector<10000x128xf32>
    %add3A_9 = arith.addf %dot_general3A_5, %add3A : vector<10000x128xf32>
    %swap3A = arith.constant 0 : index
    %swap3A_10 = arith.constant 0 : index
    %swap3A_11 = vector.load %arg4[%swap3A, %swap3A_10] : memref<10000x128xf32, #tpu.memory_space<vmem>>, vector<10000x128xf32>
    tpu.vector_store %arg4[%swap3A, %swap3A_10], %add3A_9 {strides = array<i32>} : memref<10000x128xf32, #tpu.memory_space<vmem>>, vector<10000x128xf32>,
    %get3A_12 = arith.constant 0 : index
    %get3A_13 = arith.constant 0 : index
    %get3A_14 = vector.load %arg3[%get3A_12, %get3A_13] : memref<2x128xf32, #tpu.memory_space<vmem>>, vector<2x128xf32>
    %dot_general3A_15 = arith.constant dense<0.000000e+00> : vector<2x10000xf32>
    %dot_general3A_16 = tpu.matmul %get3A_14, %add3A_9, %dot_general3A_15 {dimension_numbers = #tpu.dot_dimension_numbers<[1], [1], [0], [0], [0, 0, 1, 0], [], []>, transpose_lhs_hint = false} : vector<2x128xf32>, vector<10000x128xf32>, vector<2x10000xf32> -> vector<2x10000xf32>
    %swap3A_17 = arith.constant 0 : index
    %swap3A_18 = arith.constant 0 : index
    %swap3A_19 = vector.load %arg5[%swap3A_17, %swap3A_18] : memref<2x10000xf32, #tpu.memory_space<vmem>>, vector<2x10000xf32>
    tpu.vector_store %arg5[%swap3A_17, %swap3A_18], %dot_general3A_16 {strides = array<i32>} : memref<2x10000xf32, #tpu.memory_space<vmem>>, vector<2x10000xf32>,
    return
  }
}

module attributes {stable_mosaic.version = 14 : i64} {
  func.func @_combine_body(%arg0: memref<2x5120x128xf32, #tpu.memory_space<vmem>>, %arg1: memref<2x16x5120xf32, #tpu.memory_space<vmem>>, %arg2: memref<10000x128xf32, #tpu.memory_space<vmem>>) attributes {dimension_semantics = [], scalar_prefetch = 0 : i64, scratch_operands = 0 : i64, tpu.core_type = #tpu.core_type<tc>} {
    %get3A = arith.constant 0 : index
    %get3A_0 = arith.constant 0 : index
    %get3A_1 = arith.constant 0 : index
    %get3A_2 = vector.load %arg0[%get3A, %get3A_0, %get3A_1] : memref<2x5120x128xf32, #tpu.memory_space<vmem>>, vector<1x5000x128xf32>
    %get3A_3 = vector.shape_cast %get3A_2 : vector<1x5000x128xf32> to vector<5000x128xf32>
    %get3A_4 = arith.constant 1 : index
    %get3A_5 = arith.constant 0 : index
    %get3A_6 = arith.constant 0 : index
    %get3A_7 = vector.load %arg0[%get3A_4, %get3A_5, %get3A_6] : memref<2x5120x128xf32, #tpu.memory_space<vmem>>, vector<1x5000x128xf32>
    %get3A_8 = vector.shape_cast %get3A_7 : vector<1x5000x128xf32> to vector<5000x128xf32>
    %concatenate3A = tpu.concatenate %get3A_3, %get3A_8 in 0 : vector<5000x128xf32>, vector<5000x128xf32> -> vector<10000x128xf32>
    %get3A_9 = arith.constant 0 : index
    %get3A_10 = arith.constant 0 : index
    %get3A_11 = arith.constant 0 : index
    %get3A_12 = vector.load %arg1[%get3A_9, %get3A_10, %get3A_11] : memref<2x16x5120xf32, #tpu.memory_space<vmem>>, vector<2x16x5120xf32>
    %reduce_sum3A = arith.constant dense<0.000000e+00> : vector<2x5120xf32>
    %reduce_sum3A_13 = vector.multi_reduction <add>, %get3A_12, %reduce_sum3A [1] : vector<2x16x5120xf32> to vector<2x5120xf32>
    %slice3A = vector.extract_strided_slice %reduce_sum3A_13 {offsets = [0, 0], sizes = [1, 5000], strides = [1, 1]} : vector<2x5120xf32> to vector<1x5000xf32>
    %squeeze3A = vector.shape_cast %slice3A : vector<1x5000xf32> to vector<5000xf32>
    %slice3A_14 = vector.extract_strided_slice %reduce_sum3A_13 {offsets = [1, 0], sizes = [1, 5000], strides = [1, 1]} : vector<2x5120xf32> to vector<1x5000xf32>
    %squeeze3A_15 = vector.shape_cast %slice3A_14 : vector<1x5000xf32> to vector<5000xf32>
    %concatenate3A_16 = tpu.concatenate %squeeze3A, %squeeze3A_15 in 0 : vector<5000xf32>, vector<5000xf32> -> vector<10000xf32>
    %broadcast_in_dim3A = vector.shape_cast %concatenate3A_16 : vector<10000xf32> to vector<10000x1xf32>
    %gt3A = arith.constant 0.000000e+00 : f32
    %gt3A_17 = vector.broadcast %gt3A : f32 to vector<10000x1xf32>
    %gt3A_18 = arith.cmpf ogt, %broadcast_in_dim3A, %gt3A_17 : vector<10000x1xf32>
    %jit3A = arith.constant 1.000000e+00 : f32
    %broadcast_in_dim3A_19 = vector.broadcast %jit3A : f32 to vector<10000x1xf32>
    %select_n3A = arith.select %gt3A_18, %broadcast_in_dim3A, %broadcast_in_dim3A_19 : vector<10000x1xi1>, vector<10000x1xf32>
    %gt3A_20 = arith.constant 0.000000e+00 : f32
    %gt3A_21 = vector.broadcast %gt3A_20 : f32 to vector<10000x1xf32>
    %gt3A_22 = arith.cmpf ogt, %broadcast_in_dim3A, %gt3A_21 : vector<10000x1xf32>
    %div3A = vector.broadcast %select_n3A : vector<10000x1xf32> to vector<10000x128xf32>
    %div3A_23 = arith.divf %concatenate3A, %div3A : vector<10000x128xf32>
    %jit3A_24 = arith.constant 0.000000e+00 : f32
    %broadcast_in_dim3A_25 = vector.shape_cast %gt3A_22 : vector<10000x1xi1> to vector<10000x1xi1>
    %broadcast_in_dim3A_26 = vector.broadcast %broadcast_in_dim3A_25 : vector<10000x1xi1> to vector<10000x128xi1>
    %broadcast_in_dim3A_27 = vector.broadcast %jit3A_24 : f32 to vector<10000x128xf32>
    %select_n3A_28 = arith.select %broadcast_in_dim3A_26, %div3A_23, %broadcast_in_dim3A_27 : vector<10000x128xi1>, vector<10000x128xf32>
    %swap3A = arith.constant 0 : index
    %swap3A_29 = arith.constant 0 : index
    %swap3A_30 = vector.load %arg2[%swap3A, %swap3A_29] : memref<10000x128xf32, #tpu.memory_space<vmem>>, vector<10000x128xf32>
    tpu.vector_store %arg2[%swap3A, %swap3A_29], %select_n3A_28 {strides = array<i32>} : memref<10000x128xf32, #tpu.memory_space<vmem>>, vector<10000x128xf32>,
    return
  }
}

</mosaic_0001>

<sc_bundles>
// kernel: kernel.5.cloned.1.call-start
scs
__scs_entry_jumppad:
0x0: {  	(pc) =	sbr.rel $0x88, $3  }
0x1: {  	(tag) =	ssettag $0x0;
	lr =	simm.s32 $0x1  }
0x2: {  	[smem:$0x3F9C] =	sst lr;
	_ =	strace $0xD0000000  }
0x3: {  	_ = 	snop  }
0x4: {  	_ = 	snop  }
0x5: {  	_ = 	snop  }
0x6: {  	_ = 	snop  }
0x7: {  	_ = 	snop  }
__scs_overlays_trampoline_lowered:
0x8: {  	[smem:$0x3FAB] =	sst s0  }
0x9: {  	[smem:$0x3FAC] =	sst s1  }
0xa: {  	[smem:$0x3FAD] =	sst s2  }
0xb: {  	[smem:$0x3FAE] =	sst s3  }
0xc: {  	[smem:$0x3FAF] =	sst s4  }
0xd: {  	[smem:$0x3FB0] =	sst s5  }
0xe: {  	[smem:$0x3FB1] =	sst s6  }
0xf: {  	[smem:$0x3FB2] =	sst s7  }
0x10: {  	[smem:$0x3FB3] =	sst s8  }
0x11: {  	[smem:$0x3FB4] =	sst s9;
	s0 =	simm.s32 @!p0 $0x0  }
0x12: {  	s1 =	sld [smem:$0x3F9A];
	s0 =	simm.s32 @p0 $0x1  }
0x13: {  	[smem:$0x3FB5] =	sst s0;
	s0 =	simm.s32 @!p1 $0x0  }
0x14: {  	s2 =	sld [smem:$0x3F99];
	s0 =	simm.s32 @p1 $0x1  }
0x15: {  	[smem:$0x3FB6] =	sst s0;
	s0 =	simm.s32 @!p2 $0x0  }
0x16: {  	s3 =	sld [smem:$0x3FDB];
	s0 =	simm.s32 @p2 $0x1  }
0x17: {  	s4 =	simm.s32 $0x1BF5;
	[smem:$0x3FB8] =	sst s0  }
0x18: {  	s0 =	sld [smem:$0x3F9B];
	_ =	swait.ge [sflag:s4], $0x0  }
0x19: {  	s7 =	sld [smem:$0x3F9C]  }
0x1a: {  	s8 =	sadd.s32 $0xFFFFE003, lr  }
0x1b: {  	s9 =	sadd.s32 $0xFFFFFEF7, lr;
	s5 =	simm.s32 $0xFFFFFFFF;
	p2 =	slt.u32 s8, $0xFFFFF086  }
0x1c: {  	p1 =	slt.u32 s9, $0xF7A;
	s5 =	simm.s32 @!p2 $0x0  }
0x1d: {  	s5 =	simm.s32 @p1 $0x1;
	p0 =	seq.s32 s7, s2  }
0x1e: {  	s7 =	smul.u32 @!p0 $0xF7A, s2;
	p2 =	seq.s32 @!p0 s5, $0x0  }
0x1f: {  	s9 =	smul.u32 $0xF7A, s1;
	s8 =	simm.s32 @!p0 $0x1BF5;
	p2 =	por !p2, p0  }
0x20: {  	[sflag:s8] =	ssyncset.s32 @!p0 $0xFFFFF086;
	s6 =	sadd.s32 @!p0 s3, s7;
	s7 =	simm.s32 @!p0 $0x108  }
0x21: {  	s3 =	sadd.s32 s3, s9;
	s6 =	sadd.s32 @!p0 $0x88, s6;
	s7 =	simm.s32 @p2 $0x1082  }
0x22: {  	[simem:s7], [sflag:s8] =	dma.local @!p0 [hbm:s6], $0xF7A  }
0x23: {  	s9 =	sor.u32 $0xD0000000, s2;
	s6 =	simm.s32 $0x108;
	_ =	swait.ge @!p0 [sflag:s8], $0x0  }
0x24: {  	s3 =	sadd.s32 $0x88, s3;
	s6 =	simm.s32 @!p1 $0x1082;
	[sflag:s4] =	ssyncset.s32 $0xFFFFF086  }
0x25: {  	[simem:s6], [sflag:s4] =	dma.local [hbm:s3], $0xF7A  }
0x26: {  	[smem:$0x3F9C] =	sst s1;
	(tag) =	ssettag s2;
	_ =	strace s9  }
0x27: {  	s1 =	sld [smem:$0x3FAC]  }
0x28: {  	s2 =	sld [smem:$0x3FAD]  }
0x29: {  	s4 =	sld [smem:$0x3FAF]  }
0x2a: {  	p0 =	seq.s32 s5, $0x0;
	s5 =	sld [smem:$0x3FB0]  }
0x2b: {  	s6 =	sld [smem:$0x3FB1]  }
0x2c: {  	s7 =	sld [smem:$0x3FB2]  }
0x2d: {  	s3 =	simm.s32 $0x108;
	s8 =	sld [smem:$0x3FB3]  }
0x2e: {  	s3 =	simm.s32 @!p0 $0x1082;
	s9 =	sld [smem:$0x3FB4]  }
0x2f: {  	lr =	sadd.s32 s0, s3;
	s0 =	sld [smem:$0x3FAB]  }
0x30: {  	s3 =	sld [smem:$0x3FAE]  }
0x31: {  	[smem:$0x3FB7] =	sst s10  }
0x32: {  	s10 =	sld [smem:$0x3FB5];
	_ =	sdelay $0x3  }
0x33: {  	p0 =	seq.s32 s10, $0x1;
	s10 =	sld [smem:$0x3FB7];
	_ =	sdelay $0x3  }
0x34: {  	[smem:$0x3FB7] =	sst s10  }
0x35: {  	s10 =	sld [smem:$0x3FB6];
	_ =	sdelay $0x3  }
0x36: {  	p1 =	seq.s32 s10, $0x1;
	s10 =	sld [smem:$0x3FB7];
	_ =	sdelay $0x3  }
0x37: {  	[smem:$0x3FB7] =	sst s10  }
0x38: {  	s10 =	sld [smem:$0x3FB8]  }
0x39: {  	_ = 	snop;
	(pc) =	sbr.ind lr, $3  }
0x3a: {  	_ = 	snop  }
0x3b: {  	_ = 	snop  }
0x3c: {  	p2 =	seq.s32 s10, $0x1;
	s10 =	sld [smem:$0x3FB7]  }
0x3d: {  	_ =	shalt  }
0x3e: {  	_ =	shalt  }
0x3f: {  	_ =	shalt  }
0x40: {  	_ =	shalt  }
0x41: {  	_ =	shalt  }
0x42: {  	_ =	shalt  }
0x43: {  	_ =	shalt  }
0x44: {  	_ =	shalt  }
0x45: {  	_ =	shalt  }
0x46: {  	_ =	shalt  }
0x47: {  	_ =	shalt  }
0x48: {  	_ =	shalt  }
0x49: {  	_ =	shalt  }
0x4a: {  	_ =	shalt  }
0x4b: {  	_ =	shalt  }
0x4c: {  	_ =	shalt  }
0x4d: {  	_ =	shalt  }
0x4e: {  	_ =	shalt  }
0x4f: {  	_ =	shalt  }
0x50: {  	_ =	shalt  }
0x51: {  	_ =	shalt  }
0x52: {  	_ =	shalt  }
0x53: {  	_ =	shalt  }
0x54: {  	_ =	shalt  }
0x55: {  	_ =	shalt  }
0x56: {  	_ =	shalt  }
0x57: {  	_ =	shalt  }
0x58: {  	_ =	shalt  }
0x59: {  	_ =	shalt  }
0x5a: {  	_ =	shalt  }
0x5b: {  	_ =	shalt  }
0x5c: {  	_ =	shalt  }
0x5d: {  	_ =	shalt  }
0x5e: {  	_ =	shalt  }
0x5f: {  	_ =	shalt  }
0x60: {  	_ =	shalt  }
0x61: {  	_ =	shalt  }
0x62: {  	_ =	shalt  }
0x63: {  	_ =	shalt  }
0x64: {  	_ =	shalt  }
0x65: {  	_ =	shalt  }
0x66: {  	_ =	shalt  }
0x67: {  	_ =	shalt  }
0x68: {  	_ =	shalt  }
0x69: {  	_ =	shalt  }
0x6a: {  	_ =	shalt  }
0x6b: {  	_ =	shalt  }
0x6c: {  	_ =	shalt  }
0x6d: {  	_ =	shalt  }
0x6e: {  	_ =	shalt  }
0x6f: {  	_ =	shalt  }
0x70: {  	_ =	shalt  }
0x71: {  	_ =	shalt  }
0x72: {  	_ =	shalt  }
0x73: {  	_ =	shalt  }
0x74: {  	_ =	shalt  }
0x75: {  	_ =	shalt  }
0x76: {  	_ =	shalt  }
0x77: {  	_ =	shalt  }
0x78: {  	_ =	shalt  }
0x79: {  	_ =	shalt  }
0x7a: {  	_ =	shalt  }
0x7b: {  	_ =	shalt  }
0x7c: {  	_ =	shalt  }
0x7d: {  	_ =	shalt  }
0x7e: {  	_ =	shalt  }
0x7f: {  	_ =	shalt  }
0x80: {  	_ =	shalt  }
0x81: {  	_ =	shalt  }
0x82: {  	_ =	shalt  }
0x83: {  	_ =	shalt  }
0x84: {  	_ =	shalt  }
0x85: {  	_ =	shalt  }
0x86: {  	_ =	shalt  }
0x87: {  	_ =	shalt  }
.Lfunc_end0:
.L_simem_size_0:
called_computation_lowered:
.L_overlay_start_0:
0x88: {  	s2 =	sld [smem:$0x3FD9]  }
0x89: {  	s3 =	sld [smem:$0x3FFE];
	_ =	sdelay $0x1  }
0x8a: {  	s1 =	srdreg.scid  }
0x8b: {  	s0 =	sand.u32 $0x1, s1  }
0x8c: {  	s17 =	sshll.u32 s0, $0xA;
	s2 =	sadd.s32 s3, s2  }
0x8d: {  	s2 =	sadd.s32 s2, s17  }
0x8e: {  	[smem:$0x3FC3] =	sst s2  }
0x8f: {  	_ = 	snop  }
0x90: {  	s2 =	sld [smem:$0x3FD0];
	(tm) =	ssettm $0x1  }
0x91: {  	s18 =	sld [smem:$0x3FFB];
	_ =	sdelay $0x3  }
0x92: {  	_ =	strace s18  }
0x93: {  	s3 =	sld [smem:$0x3FFC];
	_ =	sdelay $0x3  }
0x94: {  	_ =	strace s3  }
0x95: {  	s3 =	sld [smem:$0x3FFD];
	_ =	sdelay $0x3  }
0x96: {  	_ =	strace s3  }
0x97: {  	_ =	strace $0x8FFFFFFF  }
0x98: {  	s19 =	sld [smem:$0x3FDB];
	_ =	sdelay $0x1  }
0x99: {  	s4 =	simm.s32 $_scs_section_size  }
0x9a: {  	s5 =	simm.s32 $_size__tile_overlayer_lowered;
	s6 =	simm.s32 $_tile_overlayer_lowered  }
0x9b: {  	s22 =	simm.s32 $0x1BFF;
	s21 =	sshll.u32 s6, $0x1;
	s3 =	sadd.s32 s4, s19  }
0x9c: {  	s7 =	simm.s32 $0x0;
	s20 =	sshll.u32 s5, $0x1;
	s5 =	sadd.s32 s21, s3  }
0x9d: {  	[timem:s7], [sflag:s22] =	dma.local [hbm:s5], s20  }
0x9e: {  	_ =	swait.ge [sflag:s22], s20  }
0x9f: {  	s4 =	ssub.s32 $0x0, s20;
	[sflag:s22] =	ssyncset.done $0x0  }
0xa0: {  	[sflag:s22] =	ssyncadd.s32 s4;
	_ =	sdelay $0x1  }
0xa1: {  	s23 =	simm.s32 $0x1B8B  }
0xa2: {  	_ =	swait.ge [sflag:s23], $0x1  }
0xa3: {  	[sflag:s23] =	ssyncset.done $0x0  }
0xa4: {  	s25 =	simm.s32 $0x1B8E;
	s24 =	sld [smem:$0x3FFE];
	[sflag:s23] =	ssyncadd.s32 $0xFFFFFFFF  }
0xa5: {  	s26 =	simm.s32 $execute0_lowered;
	[smem:$0x3FD2] =	sst s25  }
0xa6: {  	s5 =	sshll.u32 s26, $0x1;
	_ =	strace $0x80000046;
	[dreg:$0x1] =	wrdreg $0xFFFFFFFF  }
0xa7: {  	s28 =	simm.s32 $_size_execute0_lowered;
	s3 =	sadd.s32 s3, s5;
	[dreg:$0x0] =	wrdreg $0x0  }
0xa8: {  	s5 =	sshll.u32 s28, $0x1;
	[dreg:$0x2] =	wrdreg s3  }
0xa9: {  	[dreg:$0x3] =	wrdreg s5  }
0xaa: {  	[dreg:$0x4] =	wrdreg $0xC0  }
0xab: {  	_ =	task [dreg:s7], $0x5FFFF  }
0xac: {  	[dreg:$0x1] =	wrdreg $0xFFFFFFFF  }
0xad: {  	[dreg:$0x0] =	wrdreg $0x60  }
0xae: {  	[dreg:$0x2] =	wrdreg s24  }
0xaf: {  	[dreg:$0x3] =	wrdreg s2  }
0xb0: {  	[dreg:$0x4] =	wrdreg $0xD3800  }
0xb1: {  	[dreg:$0x5] =	wrdreg $0x9  }
0xb2: {  	_ =	task.clear_ibuf [dreg:s7], $0x6FFFF;
	_ =	strace $0x90000046  }
0xb3: {  	s29 =	simm.s32 $0x9;
	_ =	strace $0x80000048  }
0xb4: {  	_ =	swait.ge [sflag:s29], $0x1  }
0xb5: {  	[sflag:s29] =	ssyncadd.s32 $0xFFFFFFFF  }
0xb6: {  	_ =	strace $0x90000048  }
0xb7: {  	_ =	sfence  }
0xb8: {  	s30 =	sld [smem:$0x0];
	_ =	sdelay $0x2  }
0xb9: {  	s31 =	sshll.u32 s1, $0xD;
	s1 =	sshrl.u32 s1, $0x2  }
0xba: {  	s3 =	sand.u32 $0x4000, s31;
	s1 =	sadd.s32 s1, s30  }
0xbb: {  	s0 =	sor.u32 s3, s0;
	s1 =	sshll.u32 s1, $0x11  }
0xbc: {  	s0 =	sor.u32 s1, s0  }
0xbd: {  	s0 =	sadd.s32 $0x8F2B, s0  }
0xbe: {  	[sflag:s0] =	ssyncadd.remote.s32 $0x1  }
0xbf: {  	_ =	sfence.sel $0xFFFF  }
0xc0: {  	[dreg:$0x0] =	wrdreg $0xFFFFFFFF;
	(pc) =	sbr.abs _section_cstart, $3  }
0xc1: {  	[dreg:$0x1] =	wrdreg $0xFFFFFFFF  }
0xc2: {  	_ =	task.clear_ibuf [dreg:s7], $0x2FFFF;
	_ =	strace $0x9FFFFFFF  }
0xc3: {  	(tm) =	ssettm $0x7FFFFFFF  }
tec
execute0_lowered:
.L_overlay_start_1:
0x0: {  	(tag) =	ssettag $0x1  }
0x1: {  	s0 =	rddreg [dreg:$0x0]  }
0x2: {  	s2 =	rddreg [dreg:$0x1]  }
0x3: {  	s1 =	srdreg.scid;
	s12 =	stileid.u32  }
0x4: {  	s3 =	rddreg [dreg:$0x2];
	s6 =	simm.s32 $0x0;
	s5 =	smul.u32 $0xA000, s12  }
0x5: {  	s28 =	simm.s32 $0x1;
	s29 =	simm.s32 $0x8300;
	s21 =	smul.u32 $0x28000, s12  }
0x6: {  	s30 =	simm.s32 $0x7F00;
	s1 =	sand.u32 $0x1, s1;
	s13 =	smul.u32 $0xA, s12  }
0x7: {  	[smem:$0x7FF] =	sst s6;
	s16 =	sshrl.u32 s12, $0x3;
	s4 =	smul.u32 $0xA0000, s1  }
0x8: {  	s17 =	sadd.s32 $0x29800, s0;
	s6 =	sadd.s32 $0x15800, s0;
	s7 =	smul.u32 $0x14000, s1  }
0x9: {  	s9 =	sshll.u32 s12, $0x7;
	_ =	strace $0x80000047;
	s8 =	smul.u32 $0xA000, s16  }
0xa: {  	[dreg:$0x4] =	wrdreg s17;
	s19 =	sand.u32 $0x380, s9;
	s20 =	ssub.s32 $0x2, s1  }
0xb: {  	s11 =	smul.u32 $0x1388, s1;
	p0 =	seq.s32 s1, $0x0;
	s1 =	simm.s32 $0x1388  }
0xc: {  	s17 =	simm.s32 $0x80;
	s10 =	sshrl.u32 s20, $0x1;
	s22 =	sshrl.u32 s21, $0x2  }
0xd: {  	s1 =	simm.s32 @!p0 $0x2710;
	s21 =	simm.s32 $0x8380;
	s4 =	sadd.s32 s5, s4  }
0xe: {  	s18 =	sadd.s32 s7, s8;
	s7 =	sadd.s32 $0x1800, s0;
	s10 =	ssub.s32 s20, s10  }
0xf: {  	s8 =	sadd.s32 s22, s3;
	s20 =	simm.s32 $0x2780;
	s22 =	simm.s32 $0x6300  }
0x10: {  	s4 =	sshrl.u32 s4, $0x3;
	s5 =	sor.u32 s19, s18;
	s23 =	sadd.s32 $0x2800, s8  }
0x11: {  	s24 =	sadd.s32 $0x5000, s8;
	s25 =	sadd.s32 $0x7800, s8;
	[dreg:$0x6] =	wrdreg s23  }
0x12: {  	s16 =	smax.u32 s10, $0x1;
	s19 =	simm.s32 $0x2;
	[dreg:$0x7] =	wrdreg s24  }
0x13: {  	s5 =	sshrl.u32 s5, $0x3;
	s4 =	sadd.s32 s4, s0;
	[dreg:$0x8] =	wrdreg s25  }
0x14: {  	s23 =	simm.s32 $0x7300;
	s5 =	sadd.s32 s5, s0;
	s0 =	sadd.s32 $0x29810, s0  }
0x15: {  	s24 =	simm.s32 $0x50;
	s26 =	sadd.s32 $0x2A200, s4;
	[dreg:$0x5] =	wrdreg s0  }
0x16: {  	s25 =	simm.s32 $0xAB80;
	[dreg:$0x9] =	wrdreg s26;
	s31 =	sadd.s32 $0x52200, s5  }
0x17: {  	v2 =	vimm.f32 $0.0e+00;
	v0 =	vmov s11;
	v1 =	vmov s1;
	s26 =	simm.s32 $0x4F00;
	s0 =	simm.s32 $0x0;
	[dreg:$0xa] =	wrdreg s31  }
.LBB2_1:
0x18: {  	s1 =	simm.s32 $0x0;
	s4 =	rddreg [dreg:$0x4];
	s5 =	simm.s32 $0x100  }
0x19: {  	[tilespmem:s1], [sflag:$0x2] =	stream.strided.gather [hbm4b:s4+s17], $0x2780, s5, s17, $0x38;
	[tilespmem:$0x17380] =	vst v63  }
0x1a: {  	_ =	swait.ge [sflag:s19], $0x2780  }
0x1b: {  	[sflag:s19] =	ssyncset.done $0x0  }
0x1c: {  	s31 =	rddreg [dreg:$0x5];
	[sflag:s19] =	ssyncadd.s32 $0xFFFFD880  }
0x1d: {  	[tilespmem:s20], [sflag:$0x2] =	stream.strided.gather [hbm4b:s31+s17], $0x2780, s5, s17, $0x38;
	[tilespmem:$0x17380] =	vst v63  }
0x1e: {  	_ =	swait.ge [sflag:s19], $0x2780  }
0x1f: {  	[sflag:s19] =	ssyncset.done $0x0  }
0x20: {  	s1 =	simm.s32 $0x0;
	[sflag:s19] =	ssyncadd.s32 $0xFFFFD880  }
.LBB2_2:
0x21: {  	p0 =	sne.s32 s1, $0x4FC0  }
.Ltmp0:
0x22: {  	_ = 	snop;
	(pc) =	sbr.rel @p0 .LBB2_2-.Ltmp0, $3  }
0x23: {  	_ =	sdelay $0x1  }
0x24: {  	s4 =	sshra.s32 s1, $0x2  }
0x25: {  	s1 =	sadd.s32 $0x40, s1;
	[tilespmem:s4+$0x4F00] =	vst v2  }
0x26: {  	s1 =	simm.s32 $0x0;
	s4 =	simm.s32 $0x200  }
.LBB2_4:
0x27: {  	p0 =	sne.s32 s4, $0x9E00;
	[tilespmem:s1+$0x83F0] =	vst v2  }
0x28: {  	[tilespmem:s1+$0x8380] =	vst v2  }
0x29: {  	[tilespmem:s1+$0x8390] =	vst v2  }
.Ltmp1:
0x2a: {  	[tilespmem:s1+$0x83A0] =	vst v2;
	(pc) =	sbr.rel @p0 .LBB2_4-.Ltmp1, $4  }
0x2b: {  	[tilespmem:s1+$0x83B0] =	vst v2  }
0x2c: {  	[tilespmem:s1+$0x83C0] =	vst v2  }
0x2d: {  	[tilespmem:s1+$0x83D0] =	vst v2  }
0x2e: {  	[tilespmem:s1+$0x83E0] =	vst v2;
	s1 =	sshra.s32 s4, $0x2;
	s4 =	sadd.s32 $0x200, s4  }
0x2f: {  	[tilespmem:s1+$0x83F0] =	vst v2  }
0x30: {  	[tilespmem:s1+$0x8380] =	vst v2  }
0x31: {  	[tilespmem:s1+$0x8390] =	vst v2  }
0x32: {  	[tilespmem:s1+$0x83A0] =	vst v2  }
0x33: {  	[tilespmem:s1+$0x83B0] =	vst v2  }
0x34: {  	[tilespmem:s1+$0x83C0] =	vst v2  }
0x35: {  	[tilespmem:s1+$0x83D0] =	vst v2  }
0x36: {  	[tilespmem:s1+$0x83E0] =	vst v2  }
0x37: {  	[spmem:s8] =	stream.linear.scatter [tilespmem:s21], [sflag:$0x2], $0x2800, $0x38;
	[tilespmem:$0x17380] =	vst v63  }
0x38: {  	_ =	swait.ge [sflag:s19], $0x2800  }
0x39: {  	[sflag:s19] =	ssyncset.done $0x0  }
0x3a: {  	s14 =	rddreg [dreg:$0x6];
	[sflag:s19] =	ssyncadd.s32 $0xFFFFD800  }
0x3b: {  	[spmem:s14] =	stream.linear.scatter [tilespmem:s21], [sflag:$0x2], $0x2800, $0x38;
	[tilespmem:$0x17380] =	vst v63  }
0x3c: {  	_ =	swait.ge [sflag:s19], $0x2800  }
0x3d: {  	[sflag:s19] =	ssyncset.done $0x0  }
0x3e: {  	s15 =	rddreg [dreg:$0x7];
	[sflag:s19] =	ssyncadd.s32 $0xFFFFD800  }
0x3f: {  	[spmem:s15] =	stream.linear.scatter [tilespmem:s21], [sflag:$0x2], $0x2800, $0x38;
	[tilespmem:$0x17380] =	vst v63  }
0x40: {  	_ =	swait.ge [sflag:s19], $0x2800  }
0x41: {  	[sflag:s19] =	ssyncset.done $0x0  }
0x42: {  	s18 =	rddreg [dreg:$0x8];
	[sflag:s19] =	ssyncadd.s32 $0xFFFFD800  }
0x43: {  	[spmem:s18] =	stream.linear.scatter [tilespmem:s21], [sflag:$0x2], $0x2800, $0x38;
	[tilespmem:$0x17380] =	vst v63  }
0x44: {  	_ =	swait.ge [sflag:s19], $0x2800  }
0x45: {  	[sflag:s19] =	ssyncset.done $0x0  }
0x46: {  	[sflag:s19] =	ssyncadd.s32 $0xFFFFD800  }
0x47: {  	s4 =	simm.s32 $0x0;
	s31 =	simm.s32 $0x0;
	[bflag:$0x0] =	sbarrier.arrive $0xFFFF  }
.LBB2_6:
0x48: {  	s1 =	sadd.s32 s13, s31  }
0x49: {  	s1 =	sshll.u32 s1, $0x9  }
0x4a: {  	s5 =	sadd.s32 s6, s1  }
0x4b: {  	[tilespmem:s22], [sflag:$0x2] =	stream.linear.gather [hbm4b:s5+s4], $0xC80, $0x38;
	[tilespmem:$0x17380] =	vst v63  }
0x4c: {  	_ =	swait.ge [sflag:s19], $0xC80  }
0x4d: {  	[sflag:s19] =	ssyncset.done $0x0  }
0x4e: {  	s1 =	sadd.s32 s7, s1;
	[sflag:s19] =	ssyncadd.s32 $0xFFFFF380  }
0x4f: {  	[tilespmem:s23], [sflag:$0x2] =	stream.linear.gather [hbm4b:s1+s4], $0xC80, $0x38;
	[tilespmem:$0x17380] =	vst v63  }
0x50: {  	_ =	swait.ge [sflag:s19], $0xC80  }
0x51: {  	[sflag:s19] =	ssyncset.done $0x0  }
0x52: {  	s1 =	simm.s32 $0x0;
	[sflag:s19] =	ssyncadd.s32 $0xFFFFF380  }
0x53: {  	[tilespmem:s21], [sflag:$0x1] =	stream.indirect.gather [hbm4b:s2+s24], $0x80, s22, s24, $0xb8;
	[tilespmem:$0x17380] =	vst v63  }
.LBB2_7:
0x54: {  	s5 =	sshll.u32 s1, $0x8  }
0x55: {  	s9 =	sadd.s32 $0x6380, s5  }
0x56: {  	[tilespmem:s25], [sflag:$0x1] =	stream.indirect.gather [hbm4b:s2+s24], $0x80, s9, s24, $0xb8;
	[tilespmem:$0x17380] =	vst v63  }
0x57: {  	v3 =	vld [tilespmem:s5+$0x6300]  }
0x58: {  	v4 =	vld [tilespmem:s5+$0x7300];
	_ =	sdelay $0x5  }
0x59: {  	s18 =	simm.s32 $0x0  }
0x5a: {  	v3 =	vld.idx.msk [tilespmem:v3+s18+$0x0], $0xffff  }
0x5b: {  	v5 =	vld.idx.msk [tilespmem:v4+s20+$0x0], $0xffff;
	_ =	sdelay $0x4  }
0x5c: {  	v3 =	vadd.f32 v5, v3;
	_ =	sdelay $0x1  }
0x5d: {  	v5 =	vmul.f32 $7.071067690e-01, v3;
	_ =	sdelay $0x1  }
0x5e: {  	v6 =	vand.u32 $0x7FFFFFFF, v5  }
0x5f: {  	v6 =	vmul.f32 $3.275910910e-01, v6;
	_ =	sdelay $0x1  }
0x60: {  	v6 =	vadd.f32 $1.000000000e+00, v6;
	_ =	sdelay $0x1  }
0x61: {  	(erf) = vrcp.f32 v6;
	_ =	sdelay $0x8  }
0x62: {  	v6 =	vpop (erf)  }
0x63: {  	v7 =	vmul.f32 $1.061405420e+00, v6;
	_ =	sdelay $0x1  }
0x64: {  	v7 =	vadd.f32 $-1.453152060e+00, v7  }
0x65: {  	v8 =	vmul.f32 v5, v5  }
0x66: {  	v7 =	vmul.f32 v7, v6  }
0x67: {  	v8 =	vsub.f32 $0.0e+00, v8  }
0x68: {  	v7 =	vadd.f32 $1.421413780e+00, v7  }
0x69: {  	v8 =	vmul.f32 $1.442695020e+00, v8  }
0x6a: {  	v7 =	vmul.f32 v7, v6  }
0x6b: {  	(erf) = vpow2.f32 v8  }
0x6c: {  	v7 =	vadd.f32 $-2.844967250e-01, v7;
	_ =	sdelay $0x1  }
0x6d: {  	v7 =	vmul.f32 v7, v6;
	_ =	sdelay $0x1  }
0x6e: {  	v7 =	vadd.f32 $2.548295860e-01, v7;
	_ =	sdelay $0x2  }
0x6f: {  	v6 =	vmul.f32 v7, v6  }
0x70: {  	v7 =	vpop (erf)  }
0x71: {  	v6 =	vmul.f32 v6, v7;
	_ =	sdelay $0x1  }
0x72: {  	v6 =	vsub.f32 $1.000000000e+00, v6;
	_ =	sdelay $0x1  }
0x73: {  	v7 =	vsub.f32 $0.0e+00, v6  }
0x74: {  	vm0 =	vge.f32 v5, $0.0e+00  }
0x75: {  	v5 =	vsel vm0, v6, v7  }
0x76: {  	v3 =	vmul.f32 $5.000000000e-01, v3;
	v5 =	vadd.f32 $1.000000000e+00, v5;
	_ =	sdelay $0x1  }
0x77: {  	v3 =	vmul.f32 v5, v3;
	_ =	sdelay $0x1  }
0x78: {  	v3 =	vmul.f32 $1.442695020e+00, v3;
	_ =	sdelay $0x1  }
0x79: {  	(erf) = vpow2.f32 v3;
	_ =	sdelay $0x4  }
0x7a: {  	vm15 =	vge.s32 v4, v0;
	vm1 =	vlt.s32 v4, v1  }
0x7b: {  	vm0 =	vmand vm15, vm1;
	v3 =	vsub.s32 v4, v0  }
0x7c: {  	v3 =	vnsel vm0, $0x13C0, v3;
	_ =	sdelay $0x1  }
0x7d: {  	v4 =	vpop (erf)  }
0x7e: {  	[tilespmem:$0x8300] =	vst v4  }
0x7f: {  	[tilespmem:s5+$0x7300] =	vst v3  }
0x80: {  	[tilespmem:v3+s26+$0x0] =	vst.idx.add.f32.msk $0xffff, v4  }
0x81: {  	v3 =	vld [tilespmem:s5+$0x6310]  }
0x82: {  	v4 =	vld [tilespmem:s5+$0x7310];
	_ =	sdelay $0x6  }
0x83: {  	v3 =	vld.idx.msk [tilespmem:v3+s18+$0x0], $0xffff  }
0x84: {  	v5 =	vld.idx.msk [tilespmem:v4+s20+$0x0], $0xffff;
	_ =	sdelay $0x4  }
0x85: {  	v3 =	vadd.f32 v5, v3;
	_ =	sdelay $0x1  }
0x86: {  	v5 =	vmul.f32 $7.071067690e-01, v3;
	_ =	sdelay $0x1  }
0x87: {  	v6 =	vand.u32 $0x7FFFFFFF, v5  }
0x88: {  	v6 =	vmul.f32 $3.275910910e-01, v6;
	_ =	sdelay $0x1  }
0x89: {  	v6 =	vadd.f32 $1.000000000e+00, v6;
	_ =	sdelay $0x1  }
0x8a: {  	(erf) = vrcp.f32 v6;
	_ =	sdelay $0x8  }
0x8b: {  	v6 =	vpop (erf)  }
0x8c: {  	v7 =	vmul.f32 $1.061405420e+00, v6;
	_ =	sdelay $0x1  }
0x8d: {  	v7 =	vadd.f32 $-1.453152060e+00, v7  }
0x8e: {  	v8 =	vmul.f32 v5, v5  }
0x8f: {  	v7 =	vmul.f32 v7, v6  }
0x90: {  	v8 =	vsub.f32 $0.0e+00, v8  }
0x91: {  	v7 =	vadd.f32 $1.421413780e+00, v7  }
0x92: {  	v8 =	vmul.f32 $1.442695020e+00, v8  }
0x93: {  	v7 =	vmul.f32 v7, v6  }
0x94: {  	(erf) = vpow2.f32 v8  }
0x95: {  	v7 =	vadd.f32 $-2.844967250e-01, v7;
	_ =	sdelay $0x1  }
0x96: {  	v7 =	vmul.f32 v7, v6;
	_ =	sdelay $0x1  }
0x97: {  	v7 =	vadd.f32 $2.548295860e-01, v7;
	_ =	sdelay $0x2  }
0x98: {  	v6 =	vmul.f32 v7, v6  }
0x99: {  	v7 =	vpop (erf)  }
0x9a: {  	v6 =	vmul.f32 v6, v7;
	_ =	sdelay $0x1  }
0x9b: {  	v6 =	vsub.f32 $1.000000000e+00, v6;
	_ =	sdelay $0x1  }
0x9c: {  	v7 =	vsub.f32 $0.0e+00, v6  }
0x9d: {  	vm4 =	vge.f32 v5, $0.0e+00  }
0x9e: {  	v5 =	vsel vm4, v6, v7  }
0x9f: {  	v3 =	vmul.f32 $5.000000000e-01, v3;
	v5 =	vadd.f32 $1.000000000e+00, v5;
	_ =	sdelay $0x1  }
0xa0: {  	v3 =	vmul.f32 v5, v3;
	_ =	sdelay $0x1  }
0xa1: {  	v3 =	vmul.f32 $1.442695020e+00, v3;
	_ =	sdelay $0x1  }
0xa2: {  	(erf) = vpow2.f32 v3;
	_ =	sdelay $0x4  }
0xa3: {  	vm5 =	vge.s32 v4, v0;
	vm6 =	vlt.s32 v4, v1  }
0xa4: {  	vm0 =	vmand vm5, vm6;
	v3 =	vsub.s32 v4, v0  }
0xa5: {  	v3 =	vnsel vm0, $0x13C0, v3;
	_ =	sdelay $0x1  }
0xa6: {  	v4 =	vpop (erf)  }
0xa7: {  	[tilespmem:$0x8310] =	vst v4  }
0xa8: {  	[tilespmem:s5+$0x7310] =	vst v3  }
0xa9: {  	[tilespmem:v3+s26+$0x0] =	vst.idx.add.f32.msk $0xffff, v4  }
0xaa: {  	v3 =	vld [tilespmem:s5+$0x6320]  }
0xab: {  	v4 =	vld [tilespmem:s5+$0x7320];
	_ =	sdelay $0x6  }
0xac: {  	v3 =	vld.idx.msk [tilespmem:v3+s18+$0x0], $0xffff  }
0xad: {  	v5 =	vld.idx.msk [tilespmem:v4+s20+$0x0], $0xffff;
	_ =	sdelay $0x4  }
0xae: {  	v3 =	vadd.f32 v5, v3;
	_ =	sdelay $0x1  }
0xaf: {  	v5 =	vmul.f32 $7.071067690e-01, v3;
	_ =	sdelay $0x1  }
0xb0: {  	v6 =	vand.u32 $0x7FFFFFFF, v5  }
0xb1: {  	v6 =	vmul.f32 $3.275910910e-01, v6;
	_ =	sdelay $0x1  }
0xb2: {  	v6 =	vadd.f32 $1.000000000e+00, v6;
	_ =	sdelay $0x1  }
0xb3: {  	(erf) = vrcp.f32 v6;
	_ =	sdelay $0x8  }
0xb4: {  	v6 =	vpop (erf)  }
0xb5: {  	v7 =	vmul.f32 $1.061405420e+00, v6;
	_ =	sdelay $0x1  }
0xb6: {  	v7 =	vadd.f32 $-1.453152060e+00, v7  }
0xb7: {  	v8 =	vmul.f32 v5, v5  }
0xb8: {  	v7 =	vmul.f32 v7, v6  }
0xb9: {  	v8 =	vsub.f32 $0.0e+00, v8  }
0xba: {  	v7 =	vadd.f32 $1.421413780e+00, v7  }
0xbb: {  	v8 =	vmul.f32 $1.442695020e+00, v8  }
0xbc: {  	v7 =	vmul.f32 v7, v6  }
0xbd: {  	(erf) = vpow2.f32 v8  }
0xbe: {  	v7 =	vadd.f32 $-2.844967250e-01, v7;
	_ =	sdelay $0x1  }
0xbf: {  	v7 =	vmul.f32 v7, v6;
	_ =	sdelay $0x1  }
0xc0: {  	v7 =	vadd.f32 $2.548295860e-01, v7;
	_ =	sdelay $0x2  }
0xc1: {  	v6 =	vmul.f32 v7, v6  }
0xc2: {  	v7 =	vpop (erf)  }
0xc3: {  	v6 =	vmul.f32 v6, v7;
	_ =	sdelay $0x1  }
0xc4: {  	v6 =	vsub.f32 $1.000000000e+00, v6;
	_ =	sdelay $0x1  }
0xc5: {  	v7 =	vsub.f32 $0.0e+00, v6  }
0xc6: {  	vm7 =	vge.f32 v5, $0.0e+00  }
0xc7: {  	v5 =	vsel vm7, v6, v7  }
0xc8: {  	v3 =	vmul.f32 $5.000000000e-01, v3;
	v5 =	vadd.f32 $1.000000000e+00, v5;
	_ =	sdelay $0x1  }
0xc9: {  	v3 =	vmul.f32 v5, v3;
	_ =	sdelay $0x1  }
0xca: {  	v3 =	vmul.f32 $1.442695020e+00, v3;
	_ =	sdelay $0x1  }
0xcb: {  	(erf) = vpow2.f32 v3;
	_ =	sdelay $0x4  }
0xcc: {  	vm8 =	vge.s32 v4, v0;
	vm9 =	vlt.s32 v4, v1  }
0xcd: {  	vm0 =	vmand vm8, vm9;
	v3 =	vsub.s32 v4, v0  }
0xce: {  	v3 =	vnsel vm0, $0x13C0, v3;
	_ =	sdelay $0x1  }
0xcf: {  	v4 =	vpop (erf)  }
0xd0: {  	[tilespmem:$0x8320] =	vst v4  }
0xd1: {  	[tilespmem:s5+$0x7320] =	vst v3  }
0xd2: {  	[tilespmem:v3+s26+$0x0] =	vst.idx.add.f32.msk $0xffff, v4  }
0xd3: {  	v3 =	vld [tilespmem:s5+$0x6330]  }
0xd4: {  	v4 =	vld [tilespmem:s5+$0x7330];
	_ =	sdelay $0x6  }
0xd5: {  	v3 =	vld.idx.msk [tilespmem:v3+s18+$0x0], $0xffff  }
0xd6: {  	v5 =	vld.idx.msk [tilespmem:v4+s20+$0x0], $0xffff;
	_ =	sdelay $0x4  }
0xd7: {  	v3 =	vadd.f32 v5, v3;
	_ =	sdelay $0x1  }
0xd8: {  	v5 =	vmul.f32 $7.071067690e-01, v3;
	_ =	sdelay $0x1  }
0xd9: {  	v6 =	vand.u32 $0x7FFFFFFF, v5  }
0xda: {  	v6 =	vmul.f32 $3.275910910e-01, v6;
	_ =	sdelay $0x1  }
0xdb: {  	v6 =	vadd.f32 $1.000000000e+00, v6;
	_ =	sdelay $0x1  }
0xdc: {  	(erf) = vrcp.f32 v6;
	_ =	sdelay $0x8  }
0xdd: {  	v6 =	vpop (erf)  }
0xde: {  	v7 =	vmul.f32 $1.061405420e+00, v6;
	_ =	sdelay $0x1  }
0xdf: {  	v7 =	vadd.f32 $-1.453152060e+00, v7  }
0xe0: {  	v8 =	vmul.f32 v5, v5  }
0xe1: {  	v7 =	vmul.f32 v7, v6  }
0xe2: {  	v8 =	vsub.f32 $0.0e+00, v8  }
0xe3: {  	v7 =	vadd.f32 $1.421413780e+00, v7  }
0xe4: {  	v8 =	vmul.f32 $1.442695020e+00, v8  }
0xe5: {  	v7 =	vmul.f32 v7, v6  }
0xe6: {  	(erf) = vpow2.f32 v8  }
0xe7: {  	v7 =	vadd.f32 $-2.844967250e-01, v7;
	_ =	sdelay $0x1  }
0xe8: {  	v7 =	vmul.f32 v7, v6;
	_ =	sdelay $0x1  }
0xe9: {  	v7 =	vadd.f32 $2.548295860e-01, v7;
	_ =	sdelay $0x2  }
0xea: {  	v6 =	vmul.f32 v7, v6  }
0xeb: {  	v7 =	vpop (erf)  }
0xec: {  	v6 =	vmul.f32 v6, v7;
	_ =	sdelay $0x1  }
0xed: {  	v6 =	vsub.f32 $1.000000000e+00, v6;
	_ =	sdelay $0x1  }
0xee: {  	v7 =	vsub.f32 $0.0e+00, v6  }
0xef: {  	vm10 =	vge.f32 v5, $0.0e+00  }
0xf0: {  	v5 =	vsel vm10, v6, v7  }
0xf1: {  	v3 =	vmul.f32 $5.000000000e-01, v3;
	v5 =	vadd.f32 $1.000000000e+00, v5;
	_ =	sdelay $0x1  }
0xf2: {  	v3 =	vmul.f32 v5, v3;
	_ =	sdelay $0x1  }
0xf3: {  	v3 =	vmul.f32 $1.442695020e+00, v3;
	_ =	sdelay $0x1  }
0xf4: {  	(erf) = vpow2.f32 v3;
	_ =	sdelay $0x4  }
0xf5: {  	vm11 =	vge.s32 v4, v0;
	vm12 =	vlt.s32 v4, v1  }
0xf6: {  	vm0 =	vmand vm11, vm12;
	v3 =	vsub.s32 v4, v0  }
0xf7: {  	v3 =	vnsel vm0, $0x13C0, v3;
	_ =	sdelay $0x1  }
0xf8: {  	v4 =	vpop (erf)  }
0xf9: {  	[tilespmem:$0x8330] =	vst v4  }
0xfa: {  	[tilespmem:s5+$0x7330] =	vst v3  }
0xfb: {  	[tilespmem:v3+s26+$0x0] =	vst.idx.add.f32.msk $0xffff, v4  }
0xfc: {  	v3 =	vld [tilespmem:s5+$0x6340]  }
0xfd: {  	v4 =	vld [tilespmem:s5+$0x7340];
	_ =	sdelay $0x6  }
0xfe: {  	v3 =	vld.idx.msk [tilespmem:v3+s18+$0x0], $0xffff  }
0xff: {  	v5 =	vld.idx.msk [tilespmem:v4+s20+$0x0], $0xffff;
	_ =	sdelay $0x4  }
0x100: {  	v3 =	vadd.f32 v5, v3;
	_ =	sdelay $0x1  }
0x101: {  	v5 =	vmul.f32 $7.071067690e-01, v3;
	_ =	sdelay $0x1  }
0x102: {  	v6 =	vand.u32 $0x7FFFFFFF, v5  }
0x103: {  	v6 =	vmul.f32 $3.275910910e-01, v6;
	_ =	sdelay $0x1  }
0x104: {  	v6 =	vadd.f32 $1.000000000e+00, v6;
	_ =	sdelay $0x1  }
0x105: {  	(erf) = vrcp.f32 v6;
	_ =	sdelay $0x8  }
0x106: {  	v6 =	vpop (erf)  }
0x107: {  	v7 =	vmul.f32 $1.061405420e+00, v6;
	_ =	sdelay $0x1  }
0x108: {  	v7 =	vadd.f32 $-1.453152060e+00, v7  }
0x109: {  	v8 =	vmul.f32 v5, v5  }
0x10a: {  	v7 =	vmul.f32 v7, v6  }
0x10b: {  	v8 =	vsub.f32 $0.0e+00, v8  }
0x10c: {  	v7 =	vadd.f32 $1.421413780e+00, v7  }
0x10d: {  	v8 =	vmul.f32 $1.442695020e+00, v8  }
0x10e: {  	v7 =	vmul.f32 v7, v6  }
0x10f: {  	(erf) = vpow2.f32 v8  }
0x110: {  	v7 =	vadd.f32 $-2.844967250e-01, v7;
	_ =	sdelay $0x1  }
0x111: {  	v7 =	vmul.f32 v7, v6;
	_ =	sdelay $0x1  }
0x112: {  	v7 =	vadd.f32 $2.548295860e-01, v7;
	_ =	sdelay $0x2  }
0x113: {  	v6 =	vmul.f32 v7, v6  }
0x114: {  	v7 =	vpop (erf)  }
0x115: {  	v6 =	vmul.f32 v6, v7;
	_ =	sdelay $0x1  }
0x116: {  	v6 =	vsub.f32 $1.000000000e+00, v6;
	_ =	sdelay $0x1  }
0x117: {  	v7 =	vsub.f32 $0.0e+00, v6  }
0x118: {  	vm13 =	vge.f32 v5, $0.0e+00  }
0x119: {  	v5 =	vsel vm13, v6, v7  }
0x11a: {  	v3 =	vmul.f32 $5.000000000e-01, v3;
	v5 =	vadd.f32 $1.000000000e+00, v5;
	_ =	sdelay $0x1  }
0x11b: {  	v3 =	vmul.f32 v5, v3;
	_ =	sdelay $0x1  }
0x11c: {  	v3 =	vmul.f32 $1.442695020e+00, v3;
	_ =	sdelay $0x1  }
0x11d: {  	(erf) = vpow2.f32 v3;
	_ =	sdelay $0x4  }
0x11e: {  	vm14 =	vge.s32 v4, v0;
	vm15 =	vlt.s32 v4, v1  }
0x11f: {  	vm0 =	vmand vm14, vm15;
	v3 =	vsub.s32 v4, v0  }
0x120: {  	v3 =	vnsel vm0, $0x13C0, v3  }
0x121: {  	v4 =	vmov s18  }
0x122: {  	v4 =	vand.u32 $0xFFFFFFFE, v4;
	v5 =	vpop (erf)  }
0x123: {  	v4 =	vbroadcast v4, $0x0;
	[tilespmem:$0x8340] =	vst v5  }
0x124: {  	[tilespmem:s5+$0x7340] =	vst v3  }
0x125: {  	[tilespmem:v3+s26+$0x0] =	vst.idx.add.f32.msk $0xffff, v5  }
0x126: {  	_ =	swait.ge [sflag:s28], $0x2800  }
0x127: {  	[sflag:s28] =	ssyncset.done $0x0  }
0x128: {  	[sflag:s28] =	ssyncadd.s32 $0xFFFFD800  }
0x129: {  	s10 =	simm.s32 $0x8400;
	v4 =	vld.idx.msk [tilespmem:v4+s29+$0x0], $0xffff  }
0x12a: {  	v3 =	vld [tilespmem:s10+$0xFFFFFFF0]  }
0x12b: {  	v5 =	vld [tilespmem:s10+$0xFFFFFF80]  }
0x12c: {  	s18 =	simm.s32 $0x1;
	v8 =	vld [tilespmem:s10+$0xFFFFFF90]  }
0x12d: {  	v9 =	vmov s18;
	v10 =	vld [tilespmem:s10+$0xFFFFFFA0]  }
0x12e: {  	v13 =	vld [tilespmem:s10+$0xFFFFFFB0]  }
0x12f: {  	v7 =	vld [tilespmem:s10+$0xFFFFFFC0]  }
0x130: {  	v6 =	vld [tilespmem:s10+$0xFFFFFFD0];
	v11 =	vmul.f32 v3, v4  }
0x131: {  	v12 =	vmul.f32 v5, v4;
	v5 =	vld [tilespmem:s10+$0xFFFFFFE0]  }
0x132: {  	v3 =	vld.idx.msk [tilespmem:v9+s29+$0x0], $0xffff;
	v8 =	vmul.f32 v8, v4;
	[tilespmem:s10+$0xFFFFFFF0] =	vst v11  }
0x133: {  	s12 =	simm.s32 $0x2;
	s14 =	simm.s32 $0x4;
	v9 =	vld [tilespmem:s10+$0x0];
	[tilespmem:s10+$0xFFFFFF80] =	vst v12;
	v11 =	vmul.f32 v10, v4  }
0x134: {  	s11 =	simm.s32 $0x8400;
	s9 =	sadd.s32 $0x7300, s5;
	s18 =	sor.u32 $0x80, s5;
	v12 =	vmov s12;
	[tilespmem:s10+$0xFFFFFF90] =	vst v8;
	v10 =	vmul.f32 v13, v4;
	v8 =	vld [tilespmem:s10+$0x10]  }
.LBB2_8:
0x135: {  	p0 =	slt.u32 s14, $0x4E;
	v12 =	vand.u32 $0xFFFFFFFE, v12;
	s15 =	sadd.s32 $0x1, s12;
	[tilespmem:s10+$0xFFFFFFA0] =	vst v11;
	v7 =	vmul.f32 v7, v4;
	v11 =	vld [tilespmem:s10+$0x20];
	s12 =	smov.u32 s14  }
0x136: {  	v12 =	vbroadcast v12, $0x0;
	v13 =	vmov s15;
	[tilespmem:s10+$0xFFFFFFB0] =	vst v10;
	v6 =	vmul.f32 v6, v4;
	v10 =	vld [tilespmem:s10+$0x30]  }
0x137: {  	[tilespmem:s10+$0xFFFFFFC0] =	vst v7;
	v4 =	vmul.f32 v5, v4;
	v5 =	vld [tilespmem:s10+$0x40]  }
0x138: {  	[tilespmem:s10+$0xFFFFFFD0] =	vst v6;
	v6 =	vmul.f32 v9, v3;
	v7 =	vld [tilespmem:s10+$0x50]  }
0x139: {  	[tilespmem:s10+$0xFFFFFFE0] =	vst v4;
	v4 =	vmul.f32 v8, v3;
	v8 =	vld [tilespmem:s10+$0x60]  }
0x13a: {  	[tilespmem:s10+$0x0] =	vst v6;
	v6 =	vmul.f32 v11, v3;
	v9 =	vld [tilespmem:s10+$0x70]  }
0x13b: {  	v11 =	vld.idx.msk [tilespmem:v13+s29+$0x0], $0xffff;
	[tilespmem:s10+$0x10] =	vst v4;
	v10 =	vmul.f32 v10, v3  }
0x13c: {  	s10 =	sadd.s32 $0x100, s10;
	v4 =	vld.idx.msk [tilespmem:v12+s29+$0x0], $0xffff;
	[tilespmem:s11+$0x20] =	vst v6;
	v5 =	vmul.f32 v5, v3  }
0x13d: {  	v6 =	vld [tilespmem:s10+$0xFFFFFFF0];
	[tilespmem:s11+$0x30] =	vst v10;
	v7 =	vmul.f32 v7, v3  }
0x13e: {  	v10 =	vld [tilespmem:s10+$0xFFFFFF80];
	[tilespmem:s11+$0x40] =	vst v5;
	v5 =	vmul.f32 v8, v3  }
0x13f: {  	v8 =	vld [tilespmem:s10+$0xFFFFFF90];
	[tilespmem:s11+$0x50] =	vst v7;
	v7 =	vmul.f32 v9, v3  }
0x140: {  	v9 =	vld [tilespmem:s10+$0xFFFFFFA0];
	[tilespmem:s11+$0x60] =	vst v5  }
0x141: {  	v3 =	vmov v11;
	v13 =	vld [tilespmem:s10+$0xFFFFFFB0];
	[tilespmem:s11+$0x70] =	vst v7;
	s11 =	smov.u32 s10  }
.Ltmp2:
0x142: {  	v7 =	vld [tilespmem:s10+$0xFFFFFFC0];
	v11 =	vmul.f32 v6, v4;
	(pc) =	sbr.rel @p0 .LBB2_8-.Ltmp2, $4  }
0x143: {  	v10 =	vmul.f32 v10, v4;
	v6 =	vld [tilespmem:s10+$0xFFFFFFD0]  }
0x144: {  	v8 =	vmul.f32 v8, v4;
	v5 =	vld [tilespmem:s10+$0xFFFFFFE0];
	[tilespmem:s10+$0xFFFFFFF0] =	vst v11  }
0x145: {  	[tilespmem:s10+$0xFFFFFF80] =	vst v10;
	v11 =	vmul.f32 v9, v4;
	v9 =	vld [tilespmem:s10+$0x0]  }
0x146: {  	s14 =	sadd.s32 $0x2, s14;
	v12 =	vmov s12;
	[tilespmem:s10+$0xFFFFFF90] =	vst v8;
	v10 =	vmul.f32 v13, v4;
	v8 =	vld [tilespmem:s10+$0x10]  }
0x147: {  	v13 =	vld [tilespmem:s10+$0x20]  }
0x148: {  	v12 =	vand.u32 $0xFFFFFFFE, v12;
	s12 =	sadd.s32 $0x1, s12;
	v14 =	vld [tilespmem:s10+$0x30]  }
0x149: {  	v16 =	vld [tilespmem:s10+$0x40];
	[tilespmem:s10+$0xFFFFFFA0] =	vst v11;
	v7 =	vmul.f32 v7, v4;
	v12 =	vbroadcast v12, $0x0;
	v15 =	vmov s12  }
0x14a: {  	v11 =	vld [tilespmem:s10+$0x50];
	[tilespmem:s10+$0xFFFFFFB0] =	vst v10;
	v6 =	vmul.f32 v6, v4  }
0x14b: {  	v10 =	vld [tilespmem:s10+$0x60];
	[tilespmem:s10+$0xFFFFFFC0] =	vst v7;
	v9 =	vmul.f32 v9, v3  }
0x14c: {  	s15 =	sadd.s32 $0x100, s10;
	v4 =	vmul.f32 v5, v4;
	v5 =	vld [tilespmem:s10+$0x70];
	[tilespmem:s10+$0xFFFFFFD0] =	vst v6  }
0x14d: {  	v6 =	vmul.f32 v8, v3;
	[tilespmem:s10+$0x0] =	vst v9;
	v9 =	vld [tilespmem:s15+$0xFFFFFFF0]  }
0x14e: {  	[tilespmem:s10+$0xFFFFFFE0] =	vst v4;
	v4 =	vmul.f32 v13, v3;
	v7 =	vld.idx.msk [tilespmem:v15+s29+$0x0], $0xffff  }
0x14f: {  	[tilespmem:s10+$0x10] =	vst v6;
	v6 =	vmul.f32 v14, v3;
	v8 =	vld.idx.msk [tilespmem:v12+s29+$0x0], $0xffff  }
0x150: {  	[tilespmem:s11+$0x20] =	vst v4;
	v4 =	vmul.f32 v16, v3;
	v12 =	vld [tilespmem:s15+$0xFFFFFF80]  }
0x151: {  	[tilespmem:s11+$0x30] =	vst v6;
	v6 =	vmul.f32 v11, v3;
	v11 =	vld [tilespmem:s15+$0xFFFFFF90]  }
0x152: {  	[tilespmem:s11+$0x40] =	vst v4;
	v4 =	vmul.f32 v10, v3;
	v10 =	vld [tilespmem:s15+$0xFFFFFFA0]  }
0x153: {  	v3 =	vmul.f32 v5, v3;
	v5 =	vld [tilespmem:s15+$0xFFFFFFB0];
	[tilespmem:s11+$0x50] =	vst v6  }
0x154: {  	[tilespmem:s11+$0x60] =	vst v4;
	v4 =	vld [tilespmem:s15+$0xFFFFFFC0];
	v6 =	vmul.f32 v9, v8  }
0x155: {  	[tilespmem:s11+$0x70] =	vst v3;
	v3 =	vmul.f32 v12, v8;
	v9 =	vld [tilespmem:s15+$0xFFFFFFD0]  }
0x156: {  	v12 =	vld [tilespmem:s15+$0xFFFFFFE0];
	v11 =	vmul.f32 v11, v8;
	[tilespmem:s15+$0xFFFFFFF0] =	vst v6  }
0x157: {  	[tilespmem:s15+$0xFFFFFF80] =	vst v3;
	v3 =	vmul.f32 v10, v8;
	v6 =	vld [tilespmem:s15+$0x0]  }
0x158: {  	v5 =	vmul.f32 v5, v8;
	v10 =	vld [tilespmem:s15+$0x10];
	[tilespmem:s15+$0xFFFFFF90] =	vst v11  }
0x159: {  	[tilespmem:s15+$0xFFFFFFA0] =	vst v3;
	v3 =	vmul.f32 v4, v8;
	v4 =	vld [tilespmem:s15+$0x20]  }
0x15a: {  	[tilespmem:s15+$0xFFFFFFB0] =	vst v5;
	v5 =	vmul.f32 v9, v8;
	v9 =	vld [tilespmem:s15+$0x30]  }
0x15b: {  	[tilespmem:s15+$0xFFFFFFC0] =	vst v3;
	v3 =	vmul.f32 v12, v8;
	v8 =	vld [tilespmem:s15+$0x40]  }
0x15c: {  	[tilespmem:s15+$0xFFFFFFD0] =	vst v5;
	v5 =	vmul.f32 v6, v7;
	v6 =	vld [tilespmem:s15+$0x50]  }
0x15d: {  	[tilespmem:s15+$0xFFFFFFE0] =	vst v3;
	v3 =	vmul.f32 v10, v7;
	v10 =	vld [tilespmem:s15+$0x60]  }
0x15e: {  	[tilespmem:s15+$0x0] =	vst v5;
	v4 =	vmul.f32 v4, v7;
	v5 =	vld [tilespmem:s15+$0x70]  }
0x15f: {  	[tilespmem:s15+$0x10] =	vst v3;
	v3 =	vmul.f32 v9, v7  }
0x160: {  	[tilespmem:s15+$0x20] =	vst v4;
	v4 =	vmul.f32 v8, v7  }
0x161: {  	[tilespmem:s15+$0x30] =	vst v3;
	v3 =	vmul.f32 v6, v7  }
0x162: {  	[tilespmem:s15+$0x40] =	vst v4;
	v4 =	vmul.f32 v10, v7  }
0x163: {  	[tilespmem:s15+$0x50] =	vst v3;
	v3 =	vmul.f32 v5, v7  }
0x164: {  	[tilespmem:s15+$0x60] =	vst v4  }
0x165: {  	[tilespmem:s15+$0x70] =	vst v3  }
0x166: {  	[spmem:s3] =	stream.indirect.scatter.add.f32 [tilespmem:s21], [sflag:$0x2], $0x80, s9, s24, $0xb8;
	[tilespmem:$0x17380] =	vst v63  }
0x167: {  	_ =	swait.ge [sflag:s19], $0x2800  }
0x168: {  	s12 =	sand.u32 $0x3FFFFF00, s5;
	[sflag:s19] =	ssyncset.done $0x0  }
0x169: {  	s9 =	sadd.s32 $0x6400, s12;
	[sflag:s19] =	ssyncadd.s32 $0xFFFFD800  }
0x16a: {  	[tilespmem:s21], [sflag:$0x1] =	stream.indirect.gather [hbm4b:s2+s24], $0x80, s9, s24, $0xb8;
	[tilespmem:$0x17380] =	vst v63  }
0x16b: {  	v3 =	vld [tilespmem:s18+$0x6300]  }
0x16c: {  	v4 =	vld [tilespmem:s18+$0x7300];
	_ =	sdelay $0x5  }
0x16d: {  	s14 =	simm.s32 $0x0  }
0x16e: {  	v3 =	vld.idx.msk [tilespmem:v3+s14+$0x0], $0xffff  }
0x16f: {  	v5 =	vld.idx.msk [tilespmem:v4+s20+$0x0], $0xffff;
	_ =	sdelay $0x4  }
0x170: {  	v3 =	vadd.f32 v5, v3;
	_ =	sdelay $0x1  }
0x171: {  	v5 =	vmul.f32 $7.071067690e-01, v3;
	_ =	sdelay $0x1  }
0x172: {  	v6 =	vand.u32 $0x7FFFFFFF, v5  }
0x173: {  	v6 =	vmul.f32 $3.275910910e-01, v6;
	_ =	sdelay $0x1  }
0x174: {  	v6 =	vadd.f32 $1.000000000e+00, v6;
	_ =	sdelay $0x1  }
0x175: {  	(erf) = vrcp.f32 v6;
	_ =	sdelay $0x8  }
0x176: {  	v6 =	vpop (erf)  }
0x177: {  	v7 =	vmul.f32 $1.061405420e+00, v6;
	_ =	sdelay $0x1  }
0x178: {  	v7 =	vadd.f32 $-1.453152060e+00, v7  }
0x179: {  	v8 =	vmul.f32 v5, v5  }
0x17a: {  	v7 =	vmul.f32 v7, v6  }
0x17b: {  	v8 =	vsub.f32 $0.0e+00, v8  }
0x17c: {  	v7 =	vadd.f32 $1.421413780e+00, v7  }
0x17d: {  	v8 =	vmul.f32 $1.442695020e+00, v8  }
0x17e: {  	v7 =	vmul.f32 v7, v6  }
0x17f: {  	(erf) = vpow2.f32 v8  }
0x180: {  	v7 =	vadd.f32 $-2.844967250e-01, v7;
	_ =	sdelay $0x1  }
0x181: {  	v7 =	vmul.f32 v7, v6;
	_ =	sdelay $0x1  }
0x182: {  	v7 =	vadd.f32 $2.548295860e-01, v7;
	_ =	sdelay $0x2  }
0x183: {  	v6 =	vmul.f32 v7, v6  }
0x184: {  	v7 =	vpop (erf)  }
0x185: {  	v6 =	vmul.f32 v6, v7;
	_ =	sdelay $0x1  }
0x186: {  	v6 =	vsub.f32 $1.000000000e+00, v6;
	_ =	sdelay $0x1  }
0x187: {  	v7 =	vsub.f32 $0.0e+00, v6  }
0x188: {  	vm0 =	vge.f32 v5, $0.0e+00  }
0x189: {  	v5 =	vsel vm0, v6, v7  }
0x18a: {  	v3 =	vmul.f32 $5.000000000e-01, v3;
	v5 =	vadd.f32 $1.000000000e+00, v5;
	_ =	sdelay $0x1  }
0x18b: {  	v3 =	vmul.f32 v5, v3;
	_ =	sdelay $0x1  }
0x18c: {  	v3 =	vmul.f32 $1.442695020e+00, v3;
	_ =	sdelay $0x1  }
0x18d: {  	(erf) = vpow2.f32 v3;
	_ =	sdelay $0x4  }
0x18e: {  	vm15 =	vge.s32 v4, v0;
	vm1 =	vlt.s32 v4, v1  }
0x18f: {  	vm0 =	vmand vm15, vm1;
	v3 =	vsub.s32 v4, v0  }
0x190: {  	v3 =	vnsel vm0, $0x13C0, v3;
	_ =	sdelay $0x1  }
0x191: {  	v4 =	vpop (erf)  }
0x192: {  	[tilespmem:$0x8300] =	vst v4  }
0x193: {  	[tilespmem:s18+$0x7300] =	vst v3  }
0x194: {  	[tilespmem:v3+s26+$0x0] =	vst.idx.add.f32.msk $0xffff, v4  }
0x195: {  	v3 =	vld [tilespmem:s5+$0x6390]  }
0x196: {  	v4 =	vld [tilespmem:s5+$0x7390];
	_ =	sdelay $0x6  }
0x197: {  	v3 =	vld.idx.msk [tilespmem:v3+s14+$0x0], $0xffff  }
0x198: {  	v5 =	vld.idx.msk [tilespmem:v4+s20+$0x0], $0xffff;
	_ =	sdelay $0x4  }
0x199: {  	v3 =	vadd.f32 v5, v3;
	_ =	sdelay $0x1  }
0x19a: {  	v5 =	vmul.f32 $7.071067690e-01, v3;
	_ =	sdelay $0x1  }
0x19b: {  	v6 =	vand.u32 $0x7FFFFFFF, v5  }
0x19c: {  	v6 =	vmul.f32 $3.275910910e-01, v6;
	_ =	sdelay $0x1  }
0x19d: {  	v6 =	vadd.f32 $1.000000000e+00, v6;
	_ =	sdelay $0x1  }
0x19e: {  	(erf) = vrcp.f32 v6;
	_ =	sdelay $0x8  }
0x19f: {  	v6 =	vpop (erf)  }
0x1a0: {  	v7 =	vmul.f32 $1.061405420e+00, v6;
	_ =	sdelay $0x1  }
0x1a1: {  	v7 =	vadd.f32 $-1.453152060e+00, v7  }
0x1a2: {  	v8 =	vmul.f32 v5, v5  }
0x1a3: {  	v7 =	vmul.f32 v7, v6  }
0x1a4: {  	v8 =	vsub.f32 $0.0e+00, v8  }
0x1a5: {  	v7 =	vadd.f32 $1.421413780e+00, v7  }
0x1a6: {  	v8 =	vmul.f32 $1.442695020e+00, v8  }
0x1a7: {  	v7 =	vmul.f32 v7, v6  }
0x1a8: {  	(erf) = vpow2.f32 v8  }
0x1a9: {  	v7 =	vadd.f32 $-2.844967250e-01, v7;
	_ =	sdelay $0x1  }
0x1aa: {  	v7 =	vmul.f32 v7, v6;
	_ =	sdelay $0x1  }
0x1ab: {  	v7 =	vadd.f32 $2.548295860e-01, v7;
	_ =	sdelay $0x2  }
0x1ac: {  	v6 =	vmul.f32 v7, v6  }
0x1ad: {  	v7 =	vpop (erf)  }
0x1ae: {  	v6 =	vmul.f32 v6, v7;
	_ =	sdelay $0x1  }
0x1af: {  	v6 =	vsub.f32 $1.000000000e+00, v6;
	_ =	sdelay $0x1  }
0x1b0: {  	v7 =	vsub.f32 $0.0e+00, v6  }
0x1b1: {  	vm4 =	vge.f32 v5, $0.0e+00  }
0x1b2: {  	v5 =	vsel vm4, v6, v7  }
0x1b3: {  	v3 =	vmul.f32 $5.000000000e-01, v3;
	v5 =	vadd.f32 $1.000000000e+00, v5;
	_ =	sdelay $0x1  }
0x1b4: {  	v3 =	vmul.f32 v5, v3;
	_ =	sdelay $0x1  }
0x1b5: {  	v3 =	vmul.f32 $1.442695020e+00, v3;
	_ =	sdelay $0x1  }
0x1b6: {  	(erf) = vpow2.f32 v3;
	_ =	sdelay $0x4  }
0x1b7: {  	vm5 =	vge.s32 v4, v0;
	vm6 =	vlt.s32 v4, v1  }
0x1b8: {  	vm0 =	vmand vm5, vm6;
	v3 =	vsub.s32 v4, v0  }
0x1b9: {  	v3 =	vnsel vm0, $0x13C0, v3;
	_ =	sdelay $0x1  }
0x1ba: {  	v4 =	vpop (erf)  }
0x1bb: {  	[tilespmem:$0x8310] =	vst v4  }
0x1bc: {  	[tilespmem:s5+$0x7390] =	vst v3  }
0x1bd: {  	[tilespmem:v3+s26+$0x0] =	vst.idx.add.f32.msk $0xffff, v4  }
0x1be: {  	v3 =	vld [tilespmem:s5+$0x63A0]  }
0x1bf: {  	v4 =	vld [tilespmem:s5+$0x73A0];
	_ =	sdelay $0x6  }
0x1c0: {  	v3 =	vld.idx.msk [tilespmem:v3+s14+$0x0], $0xffff  }
0x1c1: {  	v5 =	vld.idx.msk [tilespmem:v4+s20+$0x0], $0xffff;
	_ =	sdelay $0x4  }
0x1c2: {  	v3 =	vadd.f32 v5, v3;
	_ =	sdelay $0x1  }
0x1c3: {  	v5 =	vmul.f32 $7.071067690e-01, v3;
	_ =	sdelay $0x1  }
0x1c4: {  	v6 =	vand.u32 $0x7FFFFFFF, v5  }
0x1c5: {  	v6 =	vmul.f32 $3.275910910e-01, v6;
	_ =	sdelay $0x1  }
0x1c6: {  	v6 =	vadd.f32 $1.000000000e+00, v6;
	_ =	sdelay $0x1  }
0x1c7: {  	(erf) = vrcp.f32 v6;
	_ =	sdelay $0x8  }
0x1c8: {  	v6 =	vpop (erf)  }
0x1c9: {  	v7 =	vmul.f32 $1.061405420e+00, v6;
	_ =	sdelay $0x1  }
0x1ca: {  	v7 =	vadd.f32 $-1.453152060e+00, v7  }
0x1cb: {  	v8 =	vmul.f32 v5, v5  }
0x1cc: {  	v7 =	vmul.f32 v7, v6  }
0x1cd: {  	v8 =	vsub.f32 $0.0e+00, v8  }
0x1ce: {  	v7 =	vadd.f32 $1.421413780e+00, v7  }
0x1cf: {  	v8 =	vmul.f32 $1.442695020e+00, v8  }
0x1d0: {  	v7 =	vmul.f32 v7, v6  }
0x1d1: {  	(erf) = vpow2.f32 v8  }
0x1d2: {  	v7 =	vadd.f32 $-2.844967250e-01, v7;
	_ =	sdelay $0x1  }
0x1d3: {  	v7 =	vmul.f32 v7, v6;
	_ =	sdelay $0x1  }
0x1d4: {  	v7 =	vadd.f32 $2.548295860e-01, v7;
	_ =	sdelay $0x2  }
0x1d5: {  	v6 =	vmul.f32 v7, v6  }
0x1d6: {  	v7 =	vpop (erf)  }
0x1d7: {  	v6 =	vmul.f32 v6, v7;
	_ =	sdelay $0x1  }
0x1d8: {  	v6 =	vsub.f32 $1.000000000e+00, v6;
	_ =	sdelay $0x1  }
0x1d9: {  	v7 =	vsub.f32 $0.0e+00, v6  }
0x1da: {  	vm7 =	vge.f32 v5, $0.0e+00  }
0x1db: {  	v5 =	vsel vm7, v6, v7  }
0x1dc: {  	v3 =	vmul.f32 $5.000000000e-01, v3;
	v5 =	vadd.f32 $1.000000000e+00, v5;
	_ =	sdelay $0x1  }
0x1dd: {  	v3 =	vmul.f32 v5, v3;
	_ =	sdelay $0x1  }
0x1de: {  	v3 =	vmul.f32 $1.442695020e+00, v3;
	_ =	sdelay $0x1  }
0x1df: {  	(erf) = vpow2.f32 v3;
	_ =	sdelay $0x4  }
0x1e0: {  	vm8 =	vge.s32 v4, v0;
	vm9 =	vlt.s32 v4, v1  }
0x1e1: {  	vm0 =	vmand vm8, vm9;
	v3 =	vsub.s32 v4, v0  }
0x1e2: {  	v3 =	vnsel vm0, $0x13C0, v3;
	_ =	sdelay $0x1  }
0x1e3: {  	v4 =	vpop (erf)  }
0x1e4: {  	[tilespmem:$0x8320] =	vst v4  }
0x1e5: {  	[tilespmem:s5+$0x73A0] =	vst v3  }
0x1e6: {  	[tilespmem:v3+s26+$0x0] =	vst.idx.add.f32.msk $0xffff, v4  }
0x1e7: {  	v3 =	vld [tilespmem:s5+$0x63B0]  }
0x1e8: {  	v4 =	vld [tilespmem:s5+$0x73B0];
	_ =	sdelay $0x6  }
0x1e9: {  	v3 =	vld.idx.msk [tilespmem:v3+s14+$0x0], $0xffff  }
0x1ea: {  	v5 =	vld.idx.msk [tilespmem:v4+s20+$0x0], $0xffff;
	_ =	sdelay $0x4  }
0x1eb: {  	v3 =	vadd.f32 v5, v3;
	_ =	sdelay $0x1  }
0x1ec: {  	v5 =	vmul.f32 $7.071067690e-01, v3;
	_ =	sdelay $0x1  }
0x1ed: {  	v6 =	vand.u32 $0x7FFFFFFF, v5  }
0x1ee: {  	v6 =	vmul.f32 $3.275910910e-01, v6;
	_ =	sdelay $0x1  }
0x1ef: {  	v6 =	vadd.f32 $1.000000000e+00, v6;
	_ =	sdelay $0x1  }
0x1f0: {  	(erf) = vrcp.f32 v6;
	_ =	sdelay $0x8  }
0x1f1: {  	v6 =	vpop (erf)  }
0x1f2: {  	v7 =	vmul.f32 $1.061405420e+00, v6;
	_ =	sdelay $0x1  }
0x1f3: {  	v7 =	vadd.f32 $-1.453152060e+00, v7  }
0x1f4: {  	v8 =	vmul.f32 v5, v5  }
0x1f5: {  	v7 =	vmul.f32 v7, v6  }
0x1f6: {  	v8 =	vsub.f32 $0.0e+00, v8  }
0x1f7: {  	v7 =	vadd.f32 $1.421413780e+00, v7  }
0x1f8: {  	v8 =	vmul.f32 $1.442695020e+00, v8  }
0x1f9: {  	v7 =	vmul.f32 v7, v6  }
0x1fa: {  	(erf) = vpow2.f32 v8  }
0x1fb: {  	v7 =	vadd.f32 $-2.844967250e-01, v7;
	_ =	sdelay $0x1  }
0x1fc: {  	v7 =	vmul.f32 v7, v6;
	_ =	sdelay $0x1  }
0x1fd: {  	v7 =	vadd.f32 $2.548295860e-01, v7;
	_ =	sdelay $0x2  }
0x1fe: {  	v6 =	vmul.f32 v7, v6  }
0x1ff: {  	v7 =	vpop (erf)  }
0x200: {  	v6 =	vmul.f32 v6, v7;
	_ =	sdelay $0x1  }
0x201: {  	v6 =	vsub.f32 $1.000000000e+00, v6;
	_ =	sdelay $0x1  }
0x202: {  	v7 =	vsub.f32 $0.0e+00, v6  }
0x203: {  	vm10 =	vge.f32 v5, $0.0e+00  }
0x204: {  	v5 =	vsel vm10, v6, v7  }
0x205: {  	v3 =	vmul.f32 $5.000000000e-01, v3;
	v5 =	vadd.f32 $1.000000000e+00, v5;
	_ =	sdelay $0x1  }
0x206: {  	v3 =	vmul.f32 v5, v3;
	_ =	sdelay $0x1  }
0x207: {  	v3 =	vmul.f32 $1.442695020e+00, v3;
	_ =	sdelay $0x1  }
0x208: {  	(erf) = vpow2.f32 v3;
	_ =	sdelay $0x4  }
0x209: {  	vm11 =	vge.s32 v4, v0;
	vm12 =	vlt.s32 v4, v1  }
0x20a: {  	vm0 =	vmand vm11, vm12;
	v3 =	vsub.s32 v4, v0  }
0x20b: {  	v3 =	vnsel vm0, $0x13C0, v3;
	_ =	sdelay $0x1  }
0x20c: {  	v4 =	vpop (erf)  }
0x20d: {  	[tilespmem:$0x8330] =	vst v4  }
0x20e: {  	[tilespmem:s5+$0x73B0] =	vst v3  }
0x20f: {  	[tilespmem:v3+s26+$0x0] =	vst.idx.add.f32.msk $0xffff, v4  }
0x210: {  	v3 =	vld [tilespmem:s5+$0x63C0]  }
0x211: {  	v4 =	vld [tilespmem:s5+$0x73C0];
	_ =	sdelay $0x6  }
0x212: {  	v3 =	vld.idx.msk [tilespmem:v3+s14+$0x0], $0xffff  }
0x213: {  	v5 =	vld.idx.msk [tilespmem:v4+s20+$0x0], $0xffff;
	_ =	sdelay $0x4  }
0x214: {  	v3 =	vadd.f32 v5, v3;
	_ =	sdelay $0x1  }
0x215: {  	v5 =	vmul.f32 $7.071067690e-01, v3;
	_ =	sdelay $0x1  }
0x216: {  	v6 =	vand.u32 $0x7FFFFFFF, v5  }
0x217: {  	v6 =	vmul.f32 $3.275910910e-01, v6;
	_ =	sdelay $0x1  }
0x218: {  	v6 =	vadd.f32 $1.000000000e+00, v6;
	_ =	sdelay $0x1  }
0x219: {  	(erf) = vrcp.f32 v6;
	_ =	sdelay $0x8  }
0x21a: {  	v6 =	vpop (erf)  }
0x21b: {  	v7 =	vmul.f32 $1.061405420e+00, v6;
	_ =	sdelay $0x1  }
0x21c: {  	v7 =	vadd.f32 $-1.453152060e+00, v7  }
0x21d: {  	v8 =	vmul.f32 v5, v5  }
0x21e: {  	v7 =	vmul.f32 v7, v6  }
0x21f: {  	v8 =	vsub.f32 $0.0e+00, v8  }
0x220: {  	v7 =	vadd.f32 $1.421413780e+00, v7  }
0x221: {  	v8 =	vmul.f32 $1.442695020e+00, v8  }
0x222: {  	v7 =	vmul.f32 v7, v6  }
0x223: {  	(erf) = vpow2.f32 v8  }
0x224: {  	v7 =	vadd.f32 $-2.844967250e-01, v7;
	_ =	sdelay $0x1  }
0x225: {  	v7 =	vmul.f32 v7, v6;
	_ =	sdelay $0x1  }
0x226: {  	v7 =	vadd.f32 $2.548295860e-01, v7;
	_ =	sdelay $0x2  }
0x227: {  	v6 =	vmul.f32 v7, v6  }
0x228: {  	v7 =	vpop (erf)  }
0x229: {  	v6 =	vmul.f32 v6, v7;
	_ =	sdelay $0x1  }
0x22a: {  	v6 =	vsub.f32 $1.000000000e+00, v6;
	_ =	sdelay $0x1  }
0x22b: {  	v7 =	vsub.f32 $0.0e+00, v6  }
0x22c: {  	vm13 =	vge.f32 v5, $0.0e+00  }
0x22d: {  	v5 =	vsel vm13, v6, v7  }
0x22e: {  	v3 =	vmul.f32 $5.000000000e-01, v3;
	v5 =	vadd.f32 $1.000000000e+00, v5;
	_ =	sdelay $0x1  }
0x22f: {  	v3 =	vmul.f32 v5, v3;
	_ =	sdelay $0x1  }
0x230: {  	v3 =	vmul.f32 $1.442695020e+00, v3;
	_ =	sdelay $0x1  }
0x231: {  	(erf) = vpow2.f32 v3;
	_ =	sdelay $0x4  }
0x232: {  	vm14 =	vge.s32 v4, v0;
	vm15 =	vlt.s32 v4, v1  }
0x233: {  	vm0 =	vmand vm14, vm15;
	v3 =	vsub.s32 v4, v0  }
0x234: {  	v3 =	vnsel vm0, $0x13C0, v3  }
0x235: {  	v4 =	vmov s14  }
0x236: {  	v4 =	vand.u32 $0xFFFFFFFE, v4;
	v5 =	vpop (erf)  }
0x237: {  	v4 =	vbroadcast v4, $0x0;
	[tilespmem:$0x8340] =	vst v5  }
0x238: {  	[tilespmem:s5+$0x73C0] =	vst v3  }
0x239: {  	[tilespmem:v3+s26+$0x0] =	vst.idx.add.f32.msk $0xffff, v5  }
0x23a: {  	_ =	swait.ge [sflag:s28], $0x2800  }
0x23b: {  	[sflag:s28] =	ssyncset.done $0x0  }
0x23c: {  	[sflag:s28] =	ssyncadd.s32 $0xFFFFD800  }
0x23d: {  	s9 =	simm.s32 $0xAC00;
	v4 =	vld.idx.msk [tilespmem:v4+s29+$0x0], $0xffff  }
0x23e: {  	v3 =	vld [tilespmem:s9+$0xFFFFFFF0]  }
0x23f: {  	v5 =	vld [tilespmem:s9+$0xFFFFFF80]  }
0x240: {  	s15 =	simm.s32 $0x1;
	v8 =	vld [tilespmem:s9+$0xFFFFFF90]  }
0x241: {  	v9 =	vmov s15;
	v10 =	vld [tilespmem:s9+$0xFFFFFFA0]  }
0x242: {  	v13 =	vld [tilespmem:s9+$0xFFFFFFB0]  }
0x243: {  	v7 =	vld [tilespmem:s9+$0xFFFFFFC0]  }
0x244: {  	v6 =	vld [tilespmem:s9+$0xFFFFFFD0];
	v11 =	vmul.f32 v3, v4  }
0x245: {  	v12 =	vmul.f32 v5, v4;
	v5 =	vld [tilespmem:s9+$0xFFFFFFE0]  }
0x246: {  	v3 =	vld.idx.msk [tilespmem:v9+s29+$0x0], $0xffff;
	v8 =	vmul.f32 v8, v4;
	[tilespmem:s9+$0xFFFFFFF0] =	vst v11  }
0x247: {  	s11 =	simm.s32 $0x2;
	v9 =	vld [tilespmem:s9+$0x0];
	[tilespmem:s9+$0xFFFFFF80] =	vst v12;
	v11 =	vmul.f32 v10, v4  }
0x248: {  	s10 =	simm.s32 $0xAC00;
	s12 =	simm.s32 $0x4;
	s5 =	sadd.s32 $0x7300, s18;
	v12 =	vmov s11;
	[tilespmem:s9+$0xFFFFFF90] =	vst v8;
	v10 =	vmul.f32 v13, v4;
	v8 =	vld [tilespmem:s9+$0x10]  }
.LBB2_10:
0x249: {  	p0 =	slt.u32 s12, $0x4E;
	v12 =	vand.u32 $0xFFFFFFFE, v12;
	s14 =	sadd.s32 $0x1, s11;
	[tilespmem:s9+$0xFFFFFFA0] =	vst v11;
	v7 =	vmul.f32 v7, v4;
	v11 =	vld [tilespmem:s9+$0x20];
	s11 =	smov.u32 s12  }
0x24a: {  	v12 =	vbroadcast v12, $0x0;
	v13 =	vmov s14;
	[tilespmem:s9+$0xFFFFFFB0] =	vst v10;
	v6 =	vmul.f32 v6, v4;
	v10 =	vld [tilespmem:s9+$0x30]  }
0x24b: {  	[tilespmem:s9+$0xFFFFFFC0] =	vst v7;
	v4 =	vmul.f32 v5, v4;
	v5 =	vld [tilespmem:s9+$0x40]  }
0x24c: {  	[tilespmem:s9+$0xFFFFFFD0] =	vst v6;
	v6 =	vmul.f32 v9, v3;
	v7 =	vld [tilespmem:s9+$0x50]  }
0x24d: {  	[tilespmem:s9+$0xFFFFFFE0] =	vst v4;
	v4 =	vmul.f32 v8, v3;
	v8 =	vld [tilespmem:s9+$0x60]  }
0x24e: {  	[tilespmem:s9+$0x0] =	vst v6;
	v6 =	vmul.f32 v11, v3;
	v9 =	vld [tilespmem:s9+$0x70]  }
0x24f: {  	v11 =	vld.idx.msk [tilespmem:v13+s29+$0x0], $0xffff;
	[tilespmem:s9+$0x10] =	vst v4;
	v10 =	vmul.f32 v10, v3  }
0x250: {  	s9 =	sadd.s32 $0x100, s9;
	v4 =	vld.idx.msk [tilespmem:v12+s29+$0x0], $0xffff;
	[tilespmem:s10+$0x20] =	vst v6;
	v5 =	vmul.f32 v5, v3  }
0x251: {  	v6 =	vld [tilespmem:s9+$0xFFFFFFF0];
	[tilespmem:s10+$0x30] =	vst v10;
	v7 =	vmul.f32 v7, v3  }
0x252: {  	v10 =	vld [tilespmem:s9+$0xFFFFFF80];
	[tilespmem:s10+$0x40] =	vst v5;
	v5 =	vmul.f32 v8, v3  }
0x253: {  	v8 =	vld [tilespmem:s9+$0xFFFFFF90];
	[tilespmem:s10+$0x50] =	vst v7;
	v7 =	vmul.f32 v9, v3  }
0x254: {  	v9 =	vld [tilespmem:s9+$0xFFFFFFA0];
	[tilespmem:s10+$0x60] =	vst v5  }
0x255: {  	v3 =	vmov v11;
	v13 =	vld [tilespmem:s9+$0xFFFFFFB0];
	[tilespmem:s10+$0x70] =	vst v7;
	s10 =	smov.u32 s9  }
.Ltmp3:
0x256: {  	v7 =	vld [tilespmem:s9+$0xFFFFFFC0];
	v11 =	vmul.f32 v6, v4;
	(pc) =	sbr.rel @p0 .LBB2_10-.Ltmp3, $4  }
0x257: {  	v10 =	vmul.f32 v10, v4;
	v6 =	vld [tilespmem:s9+$0xFFFFFFD0]  }
0x258: {  	v8 =	vmul.f32 v8, v4;
	v5 =	vld [tilespmem:s9+$0xFFFFFFE0];
	[tilespmem:s9+$0xFFFFFFF0] =	vst v11  }
0x259: {  	[tilespmem:s9+$0xFFFFFF80] =	vst v10;
	v11 =	vmul.f32 v9, v4;
	v9 =	vld [tilespmem:s9+$0x0]  }
0x25a: {  	s12 =	sadd.s32 $0x2, s12;
	v12 =	vmov s11;
	[tilespmem:s9+$0xFFFFFF90] =	vst v8;
	v10 =	vmul.f32 v13, v4;
	v8 =	vld [tilespmem:s9+$0x10]  }
0x25b: {  	v13 =	vld [tilespmem:s9+$0x20]  }
0x25c: {  	v14 =	vld [tilespmem:s9+$0x30]  }
0x25d: {  	v12 =	vand.u32 $0xFFFFFFFE, v12;
	s11 =	sadd.s32 $0x1, s11;
	v16 =	vld [tilespmem:s9+$0x40];
	[tilespmem:s9+$0xFFFFFFA0] =	vst v11;
	v7 =	vmul.f32 v7, v4  }
0x25e: {  	v31 =	vld [tilespmem:s9+$0x50];
	v12 =	vbroadcast v12, $0x0;
	v15 =	vmov s11;
	[tilespmem:s9+$0xFFFFFFB0] =	vst v10;
	v6 =	vmul.f32 v6, v4  }
0x25f: {  	v32 =	vld [tilespmem:s9+$0x60];
	[tilespmem:s9+$0xFFFFFFC0] =	vst v7;
	v33 =	vmul.f32 v5, v4  }
0x260: {  	v34 =	vld [tilespmem:s9+$0x70];
	s18 =	sadd.s32 $0x100, s9;
	v9 =	vmul.f32 v9, v3;
	[tilespmem:s9+$0xFFFFFFD0] =	vst v6  }
0x261: {  	v42 =	vld [tilespmem:s18+$0xFFFFFF80];
	v35 =	vmul.f32 v8, v3;
	[tilespmem:s9+$0xFFFFFFE0] =	vst v33  }
0x262: {  	v52 =	vld [tilespmem:s18+$0x0];
	[tilespmem:s9+$0x0] =	vst v9;
	v37 =	vmul.f32 v13, v3  }
0x263: {  	v39 =	vmul.f32 v14, v3;
	v36 =	vld.idx.msk [tilespmem:v15+s29+$0x0], $0xffff;
	[tilespmem:s9+$0x10] =	vst v35  }
0x264: {  	v41 =	vmul.f32 v16, v3;
	v38 =	vld.idx.msk [tilespmem:v12+s29+$0x0], $0xffff;
	[tilespmem:s10+$0x20] =	vst v37  }
0x265: {  	v54 =	vld [tilespmem:s18+$0x20];
	v43 =	vmul.f32 v31, v3;
	[tilespmem:s10+$0x30] =	vst v39  }
0x266: {  	v46 =	vld [tilespmem:s18+$0xFFFFFFA0];
	v45 =	vmul.f32 v32, v3;
	[tilespmem:s10+$0x40] =	vst v41  }
0x267: {  	v57 =	vld [tilespmem:s18+$0x40];
	v3 =	vmul.f32 v34, v3;
	[tilespmem:s10+$0x50] =	vst v43  }
0x268: {  	v48 =	vld [tilespmem:s18+$0xFFFFFFC0];
	[tilespmem:s10+$0x60] =	vst v45;
	v58 =	vmul.f32 v52, v36  }
0x269: {  	v60 =	vld [tilespmem:s18+$0x60];
	[tilespmem:s10+$0x70] =	vst v3;
	v3 =	vmul.f32 v42, v38  }
0x26a: {  	v51 =	vld [tilespmem:s18+$0xFFFFFFE0];
	v4 =	vmul.f32 v54, v36;
	[tilespmem:s18+$0x0] =	vst v58  }
0x26b: {  	v40 =	vld [tilespmem:s18+$0xFFFFFFF0];
	[tilespmem:s18+$0xFFFFFF80] =	vst v3;
	v3 =	vmul.f32 v46, v38  }
0x26c: {  	v53 =	vld [tilespmem:s18+$0x10];
	v62 =	vmul.f32 v57, v36;
	[tilespmem:s18+$0x20] =	vst v4  }
0x26d: {  	v44 =	vld [tilespmem:s18+$0xFFFFFF90];
	[tilespmem:s18+$0xFFFFFFA0] =	vst v3;
	v3 =	vmul.f32 v48, v38  }
0x26e: {  	v56 =	vld [tilespmem:s18+$0x30];
	v63 =	vmul.f32 v60, v36;
	[tilespmem:s18+$0x40] =	vst v62  }
0x26f: {  	v47 =	vld [tilespmem:s18+$0xFFFFFFB0];
	[tilespmem:s18+$0xFFFFFFC0] =	vst v3;
	v3 =	vmul.f32 v51, v38  }
0x270: {  	v59 =	vld [tilespmem:s18+$0x50];
	v49 =	vmul.f32 v40, v38;
	[tilespmem:s18+$0x60] =	vst v63  }
0x271: {  	v50 =	vld [tilespmem:s18+$0xFFFFFFD0];
	[tilespmem:s18+$0xFFFFFFE0] =	vst v3;
	v3 =	vmul.f32 v53, v36  }
0x272: {  	v61 =	vld [tilespmem:s18+$0x70];
	v11 =	vmul.f32 v44, v38;
	[tilespmem:s18+$0xFFFFFFF0] =	vst v49  }
0x273: {  	[tilespmem:s18+$0x10] =	vst v3;
	v3 =	vmul.f32 v56, v36  }
0x274: {  	v5 =	vmul.f32 v47, v38;
	[tilespmem:s18+$0xFFFFFF90] =	vst v11  }
0x275: {  	[tilespmem:s18+$0x30] =	vst v3;
	v3 =	vmul.f32 v59, v36  }
0x276: {  	v55 =	vmul.f32 v50, v38;
	[tilespmem:s18+$0xFFFFFFB0] =	vst v5  }
0x277: {  	s1 =	sadd.s32 $0x1, s1;
	[tilespmem:s18+$0x50] =	vst v3;
	v3 =	vmul.f32 v61, v36  }
0x278: {  	p0 =	sne.s32 s1, $0xC;
	[tilespmem:s18+$0xFFFFFFD0] =	vst v55  }
.Ltmp4:
0x279: {  	[tilespmem:s18+$0x70] =	vst v3;
	(pc) =	sbr.rel @p0 .LBB2_7-.Ltmp4, $4  }
0x27a: {  	[spmem:s3] =	stream.indirect.scatter.add.f32 [tilespmem:s25], [sflag:$0x2], $0x80, s5, s24, $0xb8;
	[tilespmem:$0x17380] =	vst v63  }
0x27b: {  	_ =	swait.ge [sflag:s19], $0x2800  }
0x27c: {  	[sflag:s19] =	ssyncset.done $0x0  }
0x27d: {  	[sflag:s19] =	ssyncadd.s32 $0xFFFFD800  }
0x27e: {  	v3 =	vld [tilespmem:$0x6F00]  }
0x27f: {  	v4 =	vld [tilespmem:$0x7F00];
	_ =	sdelay $0x5  }
0x280: {  	s1 =	simm.s32 $0x0  }
0x281: {  	v3 =	vld.idx.msk [tilespmem:v3+s1+$0x0], $0xffff  }
0x282: {  	v5 =	vld.idx.msk [tilespmem:v4+s20+$0x0], $0xffff;
	_ =	sdelay $0x4  }
0x283: {  	v3 =	vadd.f32 v5, v3;
	_ =	sdelay $0x1  }
0x284: {  	v5 =	vmul.f32 $7.071067690e-01, v3;
	_ =	sdelay $0x1  }
0x285: {  	v6 =	vand.u32 $0x7FFFFFFF, v5  }
0x286: {  	v6 =	vmul.f32 $3.275910910e-01, v6;
	_ =	sdelay $0x1  }
0x287: {  	v6 =	vadd.f32 $1.000000000e+00, v6;
	_ =	sdelay $0x1  }
0x288: {  	(erf) = vrcp.f32 v6;
	_ =	sdelay $0x8  }
0x289: {  	v6 =	vpop (erf)  }
0x28a: {  	v7 =	vmul.f32 $1.061405420e+00, v6;
	_ =	sdelay $0x1  }
0x28b: {  	v7 =	vadd.f32 $-1.453152060e+00, v7  }
0x28c: {  	v8 =	vmul.f32 v5, v5  }
0x28d: {  	v7 =	vmul.f32 v7, v6  }
0x28e: {  	v8 =	vsub.f32 $0.0e+00, v8  }
0x28f: {  	v7 =	vadd.f32 $1.421413780e+00, v7  }
0x290: {  	v8 =	vmul.f32 $1.442695020e+00, v8  }
0x291: {  	v7 =	vmul.f32 v7, v6  }
0x292: {  	(erf) = vpow2.f32 v8  }
0x293: {  	v7 =	vadd.f32 $-2.844967250e-01, v7;
	_ =	sdelay $0x1  }
0x294: {  	v7 =	vmul.f32 v7, v6;
	_ =	sdelay $0x1  }
0x295: {  	v7 =	vadd.f32 $2.548295860e-01, v7;
	_ =	sdelay $0x2  }
0x296: {  	v6 =	vmul.f32 v7, v6  }
0x297: {  	v7 =	vpop (erf)  }
0x298: {  	v6 =	vmul.f32 v6, v7;
	_ =	sdelay $0x1  }
0x299: {  	v6 =	vsub.f32 $1.000000000e+00, v6;
	_ =	sdelay $0x1  }
0x29a: {  	v7 =	vsub.f32 $0.0e+00, v6  }
0x29b: {  	vm0 =	vge.f32 v5, $0.0e+00  }
0x29c: {  	v5 =	vsel vm0, v6, v7  }
0x29d: {  	v3 =	vmul.f32 $5.000000000e-01, v3;
	v5 =	vadd.f32 $1.000000000e+00, v5;
	_ =	sdelay $0x1  }
0x29e: {  	v3 =	vmul.f32 v5, v3;
	_ =	sdelay $0x1  }
0x29f: {  	v3 =	vmul.f32 $1.442695020e+00, v3;
	_ =	sdelay $0x1  }
0x2a0: {  	(erf) = vpow2.f32 v3;
	_ =	sdelay $0x3  }
0x2a1: {  	vm15 =	vge.s32 v4, v0;
	vm1 =	vlt.s32 v4, v1  }
0x2a2: {  	vm0 =	vmand vm15, vm1;
	v3 =	vsub.s32 v4, v0  }
0x2a3: {  	v3 =	vnsel vm0, $0x13C0, v3;
	_ =	sdelay $0x2  }
0x2a4: {  	[tilespmem:$0x7F00] =	vst v3;
	v4 =	vpop (erf)  }
0x2a5: {  	[tilespmem:$0x8300] =	vst v4  }
0x2a6: {  	[tilespmem:v3+s26+$0x0] =	vst.idx.add.f32.msk $0xffff, v4  }
0x2a7: {  	v3 =	vld [tilespmem:$0x6F10]  }
0x2a8: {  	v4 =	vld [tilespmem:$0x7F10];
	_ =	sdelay $0x6  }
0x2a9: {  	v3 =	vld.idx.msk [tilespmem:v3+s1+$0x0], $0xffff  }
0x2aa: {  	v5 =	vld.idx.msk [tilespmem:v4+s20+$0x0], $0xffff;
	_ =	sdelay $0x4  }
0x2ab: {  	v3 =	vadd.f32 v5, v3;
	_ =	sdelay $0x1  }
0x2ac: {  	v5 =	vmul.f32 $7.071067690e-01, v3;
	_ =	sdelay $0x1  }
0x2ad: {  	v6 =	vand.u32 $0x7FFFFFFF, v5  }
0x2ae: {  	v6 =	vmul.f32 $3.275910910e-01, v6;
	_ =	sdelay $0x1  }
0x2af: {  	v6 =	vadd.f32 $1.000000000e+00, v6;
	_ =	sdelay $0x1  }
0x2b0: {  	(erf) = vrcp.f32 v6;
	_ =	sdelay $0x8  }
0x2b1: {  	v6 =	vpop (erf)  }
0x2b2: {  	v7 =	vmul.f32 $1.061405420e+00, v6;
	_ =	sdelay $0x1  }
0x2b3: {  	v7 =	vadd.f32 $-1.453152060e+00, v7  }
0x2b4: {  	v8 =	vmul.f32 v5, v5  }
0x2b5: {  	v7 =	vmul.f32 v7, v6  }
0x2b6: {  	v8 =	vsub.f32 $0.0e+00, v8  }
0x2b7: {  	v7 =	vadd.f32 $1.421413780e+00, v7  }
0x2b8: {  	v8 =	vmul.f32 $1.442695020e+00, v8  }
0x2b9: {  	v7 =	vmul.f32 v7, v6  }
0x2ba: {  	(erf) = vpow2.f32 v8  }
0x2bb: {  	v7 =	vadd.f32 $-2.844967250e-01, v7;
	_ =	sdelay $0x1  }
0x2bc: {  	v7 =	vmul.f32 v7, v6;
	_ =	sdelay $0x1  }
0x2bd: {  	v7 =	vadd.f32 $2.548295860e-01, v7;
	_ =	sdelay $0x2  }
0x2be: {  	v6 =	vmul.f32 v7, v6  }
0x2bf: {  	v7 =	vpop (erf)  }
0x2c0: {  	v6 =	vmul.f32 v6, v7;
	_ =	sdelay $0x1  }
0x2c1: {  	v6 =	vsub.f32 $1.000000000e+00, v6;
	_ =	sdelay $0x1  }
0x2c2: {  	v7 =	vsub.f32 $0.0e+00, v6  }
0x2c3: {  	vm4 =	vge.f32 v5, $0.0e+00  }
0x2c4: {  	v5 =	vsel vm4, v6, v7  }
0x2c5: {  	v3 =	vmul.f32 $5.000000000e-01, v3;
	v5 =	vadd.f32 $1.000000000e+00, v5;
	_ =	sdelay $0x1  }
0x2c6: {  	v3 =	vmul.f32 v5, v3;
	_ =	sdelay $0x1  }
0x2c7: {  	v3 =	vmul.f32 $1.442695020e+00, v3;
	_ =	sdelay $0x1  }
0x2c8: {  	(erf) = vpow2.f32 v3;
	_ =	sdelay $0x3  }
0x2c9: {  	vm5 =	vge.s32 v4, v0;
	vm6 =	vlt.s32 v4, v1  }
0x2ca: {  	vm0 =	vmand vm5, vm6;
	v3 =	vsub.s32 v4, v0  }
0x2cb: {  	v3 =	vnsel vm0, $0x13C0, v3;
	_ =	sdelay $0x2  }
0x2cc: {  	[tilespmem:$0x7F10] =	vst v3;
	v4 =	vpop (erf)  }
0x2cd: {  	[tilespmem:$0x8310] =	vst v4  }
0x2ce: {  	[tilespmem:v3+s26+$0x0] =	vst.idx.add.f32.msk $0xffff, v4  }
0x2cf: {  	v3 =	vld [tilespmem:$0x6F20]  }
0x2d0: {  	v4 =	vld [tilespmem:$0x7F20];
	_ =	sdelay $0x6  }
0x2d1: {  	v3 =	vld.idx.msk [tilespmem:v3+s1+$0x0], $0xffff  }
0x2d2: {  	v5 =	vld.idx.msk [tilespmem:v4+s20+$0x0], $0xffff;
	_ =	sdelay $0x4  }
0x2d3: {  	v3 =	vadd.f32 v5, v3;
	_ =	sdelay $0x1  }
0x2d4: {  	v5 =	vmul.f32 $7.071067690e-01, v3;
	_ =	sdelay $0x1  }
0x2d5: {  	v6 =	vand.u32 $0x7FFFFFFF, v5  }
0x2d6: {  	v6 =	vmul.f32 $3.275910910e-01, v6;
	_ =	sdelay $0x1  }
0x2d7: {  	v6 =	vadd.f32 $1.000000000e+00, v6;
	_ =	sdelay $0x1  }
0x2d8: {  	(erf) = vrcp.f32 v6;
	_ =	sdelay $0x8  }
0x2d9: {  	v6 =	vpop (erf)  }
0x2da: {  	v7 =	vmul.f32 $1.061405420e+00, v6;
	_ =	sdelay $0x1  }
0x2db: {  	v7 =	vadd.f32 $-1.453152060e+00, v7  }
0x2dc: {  	v8 =	vmul.f32 v5, v5  }
0x2dd: {  	v7 =	vmul.f32 v7, v6  }
0x2de: {  	v8 =	vsub.f32 $0.0e+00, v8  }
0x2df: {  	v7 =	vadd.f32 $1.421413780e+00, v7  }
0x2e0: {  	v8 =	vmul.f32 $1.442695020e+00, v8  }
0x2e1: {  	v7 =	vmul.f32 v7, v6  }
0x2e2: {  	(erf) = vpow2.f32 v8  }
0x2e3: {  	v7 =	vadd.f32 $-2.844967250e-01, v7;
	_ =	sdelay $0x1  }
0x2e4: {  	v7 =	vmul.f32 v7, v6;
	_ =	sdelay $0x1  }
0x2e5: {  	v7 =	vadd.f32 $2.548295860e-01, v7;
	_ =	sdelay $0x2  }
0x2e6: {  	v6 =	vmul.f32 v7, v6  }
0x2e7: {  	v7 =	vpop (erf)  }
0x2e8: {  	v6 =	vmul.f32 v6, v7;
	_ =	sdelay $0x1  }
0x2e9: {  	v6 =	vsub.f32 $1.000000000e+00, v6;
	_ =	sdelay $0x1  }
0x2ea: {  	v7 =	vsub.f32 $0.0e+00, v6  }
0x2eb: {  	vm7 =	vge.f32 v5, $0.0e+00  }
0x2ec: {  	v5 =	vsel vm7, v6, v7  }
0x2ed: {  	v3 =	vmul.f32 $5.000000000e-01, v3;
	v5 =	vadd.f32 $1.000000000e+00, v5;
	_ =	sdelay $0x1  }
0x2ee: {  	v3 =	vmul.f32 v5, v3;
	_ =	sdelay $0x1  }
0x2ef: {  	v3 =	vmul.f32 $1.442695020e+00, v3;
	_ =	sdelay $0x1  }
0x2f0: {  	(erf) = vpow2.f32 v3;
	_ =	sdelay $0x3  }
0x2f1: {  	vm8 =	vge.s32 v4, v0;
	vm9 =	vlt.s32 v4, v1  }
0x2f2: {  	vm0 =	vmand vm8, vm9;
	v3 =	vsub.s32 v4, v0  }
0x2f3: {  	v3 =	vnsel vm0, $0x13C0, v3;
	_ =	sdelay $0x2  }
0x2f4: {  	[tilespmem:$0x7F20] =	vst v3;
	v4 =	vpop (erf)  }
0x2f5: {  	[tilespmem:$0x8320] =	vst v4  }
0x2f6: {  	[tilespmem:v3+s26+$0x0] =	vst.idx.add.f32.msk $0xffff, v4  }
0x2f7: {  	v3 =	vld [tilespmem:$0x6F30]  }
0x2f8: {  	v4 =	vld [tilespmem:$0x7F30];
	_ =	sdelay $0x6  }
0x2f9: {  	v3 =	vld.idx.msk [tilespmem:v3+s1+$0x0], $0xffff  }
0x2fa: {  	v5 =	vld.idx.msk [tilespmem:v4+s20+$0x0], $0xffff;
	_ =	sdelay $0x4  }
0x2fb: {  	v3 =	vadd.f32 v5, v3;
	_ =	sdelay $0x1  }
0x2fc: {  	v5 =	vmul.f32 $7.071067690e-01, v3;
	_ =	sdelay $0x1  }
0x2fd: {  	v6 =	vand.u32 $0x7FFFFFFF, v5  }
0x2fe: {  	v6 =	vmul.f32 $3.275910910e-01, v6;
	_ =	sdelay $0x1  }
0x2ff: {  	v6 =	vadd.f32 $1.000000000e+00, v6;
	_ =	sdelay $0x1  }
0x300: {  	(erf) = vrcp.f32 v6;
	_ =	sdelay $0x8  }
0x301: {  	v6 =	vpop (erf)  }
0x302: {  	v7 =	vmul.f32 $1.061405420e+00, v6;
	_ =	sdelay $0x1  }
0x303: {  	v7 =	vadd.f32 $-1.453152060e+00, v7  }
0x304: {  	v8 =	vmul.f32 v5, v5  }
0x305: {  	v7 =	vmul.f32 v7, v6  }
0x306: {  	v8 =	vsub.f32 $0.0e+00, v8  }
0x307: {  	v7 =	vadd.f32 $1.421413780e+00, v7  }
0x308: {  	v8 =	vmul.f32 $1.442695020e+00, v8  }
0x309: {  	v7 =	vmul.f32 v7, v6  }
0x30a: {  	(erf) = vpow2.f32 v8  }
0x30b: {  	v7 =	vadd.f32 $-2.844967250e-01, v7;
	_ =	sdelay $0x1  }
0x30c: {  	v7 =	vmul.f32 v7, v6;
	_ =	sdelay $0x1  }
0x30d: {  	v7 =	vadd.f32 $2.548295860e-01, v7;
	_ =	sdelay $0x2  }
0x30e: {  	v6 =	vmul.f32 v7, v6  }
0x30f: {  	v7 =	vpop (erf)  }
0x310: {  	v6 =	vmul.f32 v6, v7;
	_ =	sdelay $0x1  }
0x311: {  	v6 =	vsub.f32 $1.000000000e+00, v6;
	_ =	sdelay $0x1  }
0x312: {  	v7 =	vsub.f32 $0.0e+00, v6  }
0x313: {  	vm10 =	vge.f32 v5, $0.0e+00  }
0x314: {  	v5 =	vsel vm10, v6, v7  }
0x315: {  	v3 =	vmul.f32 $5.000000000e-01, v3;
	v5 =	vadd.f32 $1.000000000e+00, v5;
	_ =	sdelay $0x1  }
0x316: {  	v3 =	vmul.f32 v5, v3;
	_ =	sdelay $0x1  }
0x317: {  	v3 =	vmul.f32 $1.442695020e+00, v3;
	_ =	sdelay $0x1  }
0x318: {  	(erf) = vpow2.f32 v3;
	_ =	sdelay $0x3  }
0x319: {  	vm11 =	vge.s32 v4, v0;
	vm12 =	vlt.s32 v4, v1  }
0x31a: {  	vm0 =	vmand vm11, vm12;
	v3 =	vsub.s32 v4, v0  }
0x31b: {  	v3 =	vnsel vm0, $0x13C0, v3;
	_ =	sdelay $0x2  }
0x31c: {  	[tilespmem:$0x7F30] =	vst v3;
	v4 =	vpop (erf)  }
0x31d: {  	[tilespmem:$0x8330] =	vst v4  }
0x31e: {  	[tilespmem:v3+s26+$0x0] =	vst.idx.add.f32.msk $0xffff, v4  }
0x31f: {  	v3 =	vld [tilespmem:$0x6F40]  }
0x320: {  	v4 =	vld [tilespmem:$0x7F40];
	_ =	sdelay $0x6  }
0x321: {  	v3 =	vld.idx.msk [tilespmem:v3+s1+$0x0], $0xffff  }
0x322: {  	v5 =	vld.idx.msk [tilespmem:v4+s20+$0x0], $0xffff;
	_ =	sdelay $0x4  }
0x323: {  	v3 =	vadd.f32 v5, v3;
	_ =	sdelay $0x1  }
0x324: {  	v5 =	vmul.f32 $7.071067690e-01, v3;
	_ =	sdelay $0x1  }
0x325: {  	v6 =	vand.u32 $0x7FFFFFFF, v5  }
0x326: {  	v6 =	vmul.f32 $3.275910910e-01, v6;
	_ =	sdelay $0x1  }
0x327: {  	v6 =	vadd.f32 $1.000000000e+00, v6;
	_ =	sdelay $0x1  }
0x328: {  	(erf) = vrcp.f32 v6;
	_ =	sdelay $0x8  }
0x329: {  	v6 =	vpop (erf)  }
0x32a: {  	v7 =	vmul.f32 $1.061405420e+00, v6;
	_ =	sdelay $0x1  }
0x32b: {  	v7 =	vadd.f32 $-1.453152060e+00, v7  }
0x32c: {  	v8 =	vmul.f32 v5, v5  }
0x32d: {  	v7 =	vmul.f32 v7, v6  }
0x32e: {  	v8 =	vsub.f32 $0.0e+00, v8  }
0x32f: {  	v7 =	vadd.f32 $1.421413780e+00, v7  }
0x330: {  	v8 =	vmul.f32 $1.442695020e+00, v8  }
0x331: {  	v7 =	vmul.f32 v7, v6  }
0x332: {  	(erf) = vpow2.f32 v8  }
0x333: {  	v7 =	vadd.f32 $-2.844967250e-01, v7;
	_ =	sdelay $0x1  }
0x334: {  	v7 =	vmul.f32 v7, v6;
	_ =	sdelay $0x1  }
0x335: {  	v7 =	vadd.f32 $2.548295860e-01, v7;
	_ =	sdelay $0x2  }
0x336: {  	v6 =	vmul.f32 v7, v6  }
0x337: {  	v7 =	vpop (erf)  }
0x338: {  	v6 =	vmul.f32 v6, v7;
	_ =	sdelay $0x1  }
0x339: {  	v6 =	vsub.f32 $1.000000000e+00, v6;
	_ =	sdelay $0x1  }
0x33a: {  	v7 =	vsub.f32 $0.0e+00, v6  }
0x33b: {  	vm13 =	vge.f32 v5, $0.0e+00  }
0x33c: {  	v5 =	vsel vm13, v6, v7  }
0x33d: {  	v3 =	vmul.f32 $5.000000000e-01, v3;
	v5 =	vadd.f32 $1.000000000e+00, v5;
	_ =	sdelay $0x1  }
0x33e: {  	v3 =	vmul.f32 v5, v3;
	_ =	sdelay $0x1  }
0x33f: {  	v3 =	vmul.f32 $1.442695020e+00, v3;
	_ =	sdelay $0x1  }
0x340: {  	(erf) = vpow2.f32 v3;
	_ =	sdelay $0x3  }
0x341: {  	vm14 =	vge.s32 v4, v0;
	vm15 =	vlt.s32 v4, v1  }
0x342: {  	vm0 =	vmand vm14, vm15;
	v3 =	vsub.s32 v4, v0  }
0x343: {  	v3 =	vnsel vm0, $0x13C0, v3  }
0x344: {  	v4 =	vmov s1  }
0x345: {  	v4 =	vand.u32 $0xFFFFFFFE, v4  }
0x346: {  	v4 =	vbroadcast v4, $0x0;
	[tilespmem:$0x7F40] =	vst v3;
	v5 =	vpop (erf)  }
0x347: {  	[tilespmem:$0x8340] =	vst v5  }
0x348: {  	[tilespmem:v3+s26+$0x0] =	vst.idx.add.f32.msk $0xffff, v5  }
0x349: {  	_ =	swait.ge [sflag:s28], $0x2800  }
0x34a: {  	[sflag:s28] =	ssyncset.done $0x0  }
0x34b: {  	[sflag:s28] =	ssyncadd.s32 $0xFFFFD800  }
0x34c: {  	s1 =	simm.s32 $0x8400;
	v4 =	vld.idx.msk [tilespmem:v4+s29+$0x0], $0xffff  }
0x34d: {  	v3 =	vld [tilespmem:s1+$0xFFFFFFF0]  }
0x34e: {  	v5 =	vld [tilespmem:s1+$0xFFFFFF80]  }
0x34f: {  	s5 =	simm.s32 $0x1;
	v8 =	vld [tilespmem:s1+$0xFFFFFF90]  }
0x350: {  	v9 =	vmov s5;
	v10 =	vld [tilespmem:s1+$0xFFFFFFA0]  }
0x351: {  	v13 =	vld [tilespmem:s1+$0xFFFFFFB0]  }
0x352: {  	v7 =	vld [tilespmem:s1+$0xFFFFFFC0]  }
0x353: {  	v6 =	vld [tilespmem:s1+$0xFFFFFFD0];
	v11 =	vmul.f32 v3, v4  }
0x354: {  	v12 =	vmul.f32 v5, v4;
	v5 =	vld [tilespmem:s1+$0xFFFFFFE0]  }
0x355: {  	v3 =	vld.idx.msk [tilespmem:v9+s29+$0x0], $0xffff;
	v8 =	vmul.f32 v8, v4;
	[tilespmem:s1+$0xFFFFFFF0] =	vst v11  }
0x356: {  	s9 =	simm.s32 $0x2;
	v9 =	vld [tilespmem:s1+$0x0];
	[tilespmem:s1+$0xFFFFFF80] =	vst v12;
	v11 =	vmul.f32 v10, v4  }
0x357: {  	s10 =	simm.s32 $0x4;
	s5 =	simm.s32 $0x8400;
	v12 =	vmov s9;
	[tilespmem:s1+$0xFFFFFF90] =	vst v8;
	v10 =	vmul.f32 v13, v4;
	v8 =	vld [tilespmem:s1+$0x10]  }
.LBB2_13:
0x358: {  	p0 =	slt.u32 s10, $0x4E;
	v12 =	vand.u32 $0xFFFFFFFE, v12;
	s11 =	sadd.s32 $0x1, s9;
	[tilespmem:s1+$0xFFFFFFA0] =	vst v11;
	v7 =	vmul.f32 v7, v4;
	v11 =	vld [tilespmem:s1+$0x20];
	s9 =	smov.u32 s10  }
0x359: {  	v12 =	vbroadcast v12, $0x0;
	v13 =	vmov s11;
	[tilespmem:s1+$0xFFFFFFB0] =	vst v10;
	v6 =	vmul.f32 v6, v4;
	v10 =	vld [tilespmem:s1+$0x30]  }
0x35a: {  	[tilespmem:s1+$0xFFFFFFC0] =	vst v7;
	v4 =	vmul.f32 v5, v4;
	v5 =	vld [tilespmem:s1+$0x40]  }
0x35b: {  	[tilespmem:s1+$0xFFFFFFD0] =	vst v6;
	v6 =	vmul.f32 v9, v3;
	v7 =	vld [tilespmem:s1+$0x50]  }
0x35c: {  	[tilespmem:s1+$0xFFFFFFE0] =	vst v4;
	v4 =	vmul.f32 v8, v3;
	v8 =	vld [tilespmem:s1+$0x60]  }
0x35d: {  	[tilespmem:s1+$0x0] =	vst v6;
	v6 =	vmul.f32 v11, v3;
	v9 =	vld [tilespmem:s1+$0x70]  }
0x35e: {  	v11 =	vld.idx.msk [tilespmem:v13+s29+$0x0], $0xffff;
	[tilespmem:s1+$0x10] =	vst v4;
	v10 =	vmul.f32 v10, v3  }
0x35f: {  	s1 =	sadd.s32 $0x100, s1;
	v4 =	vld.idx.msk [tilespmem:v12+s29+$0x0], $0xffff;
	[tilespmem:s5+$0x20] =	vst v6;
	v5 =	vmul.f32 v5, v3  }
0x360: {  	v6 =	vld [tilespmem:s1+$0xFFFFFFF0];
	[tilespmem:s5+$0x30] =	vst v10;
	v7 =	vmul.f32 v7, v3  }
0x361: {  	v10 =	vld [tilespmem:s1+$0xFFFFFF80];
	[tilespmem:s5+$0x40] =	vst v5;
	v5 =	vmul.f32 v8, v3  }
0x362: {  	v8 =	vld [tilespmem:s1+$0xFFFFFF90];
	[tilespmem:s5+$0x50] =	vst v7;
	v7 =	vmul.f32 v9, v3  }
0x363: {  	v9 =	vld [tilespmem:s1+$0xFFFFFFA0];
	[tilespmem:s5+$0x60] =	vst v5  }
0x364: {  	v3 =	vmov v11;
	v13 =	vld [tilespmem:s1+$0xFFFFFFB0];
	[tilespmem:s5+$0x70] =	vst v7;
	s5 =	smov.u32 s1  }
.Ltmp5:
0x365: {  	v7 =	vld [tilespmem:s1+$0xFFFFFFC0];
	v11 =	vmul.f32 v6, v4;
	(pc) =	sbr.rel @p0 .LBB2_13-.Ltmp5, $4  }
0x366: {  	v10 =	vmul.f32 v10, v4;
	v6 =	vld [tilespmem:s1+$0xFFFFFFD0]  }
0x367: {  	v8 =	vmul.f32 v8, v4;
	v5 =	vld [tilespmem:s1+$0xFFFFFFE0];
	[tilespmem:s1+$0xFFFFFFF0] =	vst v11  }
0x368: {  	[tilespmem:s1+$0xFFFFFF80] =	vst v10;
	v11 =	vmul.f32 v9, v4;
	v9 =	vld [tilespmem:s1+$0x0]  }
0x369: {  	s10 =	sadd.s32 $0x2, s10;
	v12 =	vmov s9;
	[tilespmem:s1+$0xFFFFFF90] =	vst v8;
	v10 =	vmul.f32 v13, v4;
	v8 =	vld [tilespmem:s1+$0x10]  }
0x36a: {  	v13 =	vld [tilespmem:s1+$0x20]  }
0x36b: {  	v14 =	vld [tilespmem:s1+$0x30]  }
0x36c: {  	v12 =	vand.u32 $0xFFFFFFFE, v12;
	s9 =	sadd.s32 $0x1, s9;
	v16 =	vld [tilespmem:s1+$0x40];
	[tilespmem:s1+$0xFFFFFFA0] =	vst v11;
	v7 =	vmul.f32 v7, v4  }
0x36d: {  	v31 =	vld [tilespmem:s1+$0x50];
	v12 =	vbroadcast v12, $0x0;
	v15 =	vmov s9;
	[tilespmem:s1+$0xFFFFFFB0] =	vst v10;
	v6 =	vmul.f32 v6, v4  }
0x36e: {  	v32 =	vld [tilespmem:s1+$0x60];
	[tilespmem:s1+$0xFFFFFFC0] =	vst v7;
	v33 =	vmul.f32 v5, v4  }
0x36f: {  	v34 =	vld [tilespmem:s1+$0x70];
	s18 =	sadd.s32 $0x100, s1;
	v9 =	vmul.f32 v9, v3;
	[tilespmem:s1+$0xFFFFFFD0] =	vst v6  }
0x370: {  	v42 =	vld [tilespmem:s18+$0xFFFFFF80];
	v35 =	vmul.f32 v8, v3;
	[tilespmem:s1+$0xFFFFFFE0] =	vst v33  }
0x371: {  	v52 =	vld [tilespmem:s18+$0x0];
	[tilespmem:s1+$0x0] =	vst v9;
	v37 =	vmul.f32 v13, v3  }
0x372: {  	v39 =	vmul.f32 v14, v3;
	v36 =	vld.idx.msk [tilespmem:v15+s29+$0x0], $0xffff;
	[tilespmem:s1+$0x10] =	vst v35  }
0x373: {  	v41 =	vmul.f32 v16, v3;
	v38 =	vld.idx.msk [tilespmem:v12+s29+$0x0], $0xffff;
	[tilespmem:s5+$0x20] =	vst v37  }
0x374: {  	v54 =	vld [tilespmem:s18+$0x20];
	v43 =	vmul.f32 v31, v3;
	[tilespmem:s5+$0x30] =	vst v39  }
0x375: {  	v46 =	vld [tilespmem:s18+$0xFFFFFFA0];
	v45 =	vmul.f32 v32, v3;
	[tilespmem:s5+$0x40] =	vst v41  }
0x376: {  	v57 =	vld [tilespmem:s18+$0x40];
	v3 =	vmul.f32 v34, v3;
	[tilespmem:s5+$0x50] =	vst v43  }
0x377: {  	v48 =	vld [tilespmem:s18+$0xFFFFFFC0];
	[tilespmem:s5+$0x60] =	vst v45;
	v58 =	vmul.f32 v52, v36  }
0x378: {  	v60 =	vld [tilespmem:s18+$0x60];
	[tilespmem:s5+$0x70] =	vst v3;
	v3 =	vmul.f32 v42, v38  }
0x379: {  	v51 =	vld [tilespmem:s18+$0xFFFFFFE0];
	v4 =	vmul.f32 v54, v36;
	[tilespmem:s18+$0x0] =	vst v58  }
0x37a: {  	v40 =	vld [tilespmem:s18+$0xFFFFFFF0];
	[tilespmem:s18+$0xFFFFFF80] =	vst v3;
	v3 =	vmul.f32 v46, v38  }
0x37b: {  	v53 =	vld [tilespmem:s18+$0x10];
	v62 =	vmul.f32 v57, v36;
	[tilespmem:s18+$0x20] =	vst v4  }
0x37c: {  	v44 =	vld [tilespmem:s18+$0xFFFFFF90];
	[tilespmem:s18+$0xFFFFFFA0] =	vst v3;
	v3 =	vmul.f32 v48, v38  }
0x37d: {  	v56 =	vld [tilespmem:s18+$0x30];
	v63 =	vmul.f32 v60, v36;
	[tilespmem:s18+$0x40] =	vst v62  }
0x37e: {  	v47 =	vld [tilespmem:s18+$0xFFFFFFB0];
	[tilespmem:s18+$0xFFFFFFC0] =	vst v3;
	v3 =	vmul.f32 v51, v38  }
0x37f: {  	v59 =	vld [tilespmem:s18+$0x50];
	v49 =	vmul.f32 v40, v38;
	[tilespmem:s18+$0x60] =	vst v63  }
0x380: {  	v50 =	vld [tilespmem:s18+$0xFFFFFFD0];
	[tilespmem:s18+$0xFFFFFFE0] =	vst v3;
	v3 =	vmul.f32 v53, v36  }
0x381: {  	v61 =	vld [tilespmem:s18+$0x70];
	v11 =	vmul.f32 v44, v38;
	[tilespmem:s18+$0xFFFFFFF0] =	vst v49  }
0x382: {  	[tilespmem:s18+$0x10] =	vst v3;
	v3 =	vmul.f32 v56, v36  }
0x383: {  	v5 =	vmul.f32 v47, v38;
	[tilespmem:s18+$0xFFFFFF90] =	vst v11  }
0x384: {  	[tilespmem:s18+$0x30] =	vst v3;
	v3 =	vmul.f32 v59, v36  }
0x385: {  	v55 =	vmul.f32 v50, v38;
	[tilespmem:s18+$0xFFFFFFB0] =	vst v5  }
0x386: {  	s31 =	sadd.s32 $0x1, s31;
	[tilespmem:s18+$0x50] =	vst v3;
	v3 =	vmul.f32 v61, v36  }
0x387: {  	p0 =	sne.s32 s31, $0xA;
	[tilespmem:s18+$0xFFFFFFD0] =	vst v55  }
.Ltmp6:
0x388: {  	[tilespmem:s18+$0x70] =	vst v3;
	(pc) =	sbr.rel @p0 .LBB2_6-.Ltmp6, $4  }
0x389: {  	[spmem:s3] =	stream.indirect.scatter.add.f32 [tilespmem:s21], [sflag:$0x2], $0x80, s30, s24, $0xb8;
	[tilespmem:$0x17380] =	vst v63  }
0x38a: {  	_ =	swait.ge [sflag:s19], $0x2800  }
0x38b: {  	[sflag:s19] =	ssyncset.done $0x0  }
0x38c: {  	[sflag:s19] =	ssyncadd.s32 $0xFFFFD800  }
0x38d: {  	s1 =	stileid.u32  }
0x38e: {  	[bflag:$0x0] =	sbarrier.arrive $0xFFFF;
	s1 =	sshll.u32 s1, $0x6  }
0x38f: {  	s4 =	sshrl.u32 s8, $0x3;
	s5 =	rddreg [dreg:$0x9];
	s1 =	sor.u32 $0x1C02, s1  }
0x390: {  	[hbm:s5], [sflag:s1] =	dma.local [spmem:s4], $0x1400  }
0x391: {  	s0 =	sadd.s32 $0x1, s0;
	_ =	swait.ge [sflag:s19], $0x1400  }
0x392: {  	s31 =	simm.s32 $0x400;
	p0 =	sne.s32 s0, s16;
	[sflag:s19] =	ssyncset.done $0x0  }
.Ltmp7:
0x393: {  	s18 =	rddreg [dreg:$0xa];
	[sflag:s19] =	ssyncadd.s32 $0xFFFFEC00;
	(pc) =	sbr.rel @p0 .LBB2_1-.Ltmp7, $4  }
0x394: {  	[hbm4b:s18+s17] =	stream.strided.scatter [tilespmem:s26], [sflag:$0x2], $0x1400, s31, s17, $0x38;
	[tilespmem:$0x17380] =	vst v63  }
0x395: {  	_ =	swait.ge [sflag:s19], $0x1400  }
0x396: {  	[sflag:s19] =	ssyncset.done $0x0  }
0x397: {  	[sflag:s19] =	ssyncadd.s32 $0xFFFFEC00  }
0x398: {  	_ =	sfence.sel $0x180000  }
0x399: {  	[bflag:$0x0] =	sbarrier.arrive $0xFFFF  }
0x39a: {  	_ =	strace $0x90000047  }
0x39b: {  	s0 =	stileid.u32;
	[bflag:$0x2] =	sbarrier.arrive $0xFFFF  }
0x39c: {  	p0 =	sne.s32 s0, $0x0;
	s0 =	rddreg [dreg:$0x3]  }
0x39d: {  	s0 =	sadd.s32 @!p0 $0x100000, s0  }
0x39e: {  	[sflag:s0] =	ssyncadd.tile.s32 @!p0 $0x1;
	_ =	shalt  }
.Lfunc_end2:
_tile_overlayer_lowered:
.L_overlay_start_2:
0x39f: {  	(tag) =	ssettag $0x2  }
0x3a0: {  	s0 =	rddreg [dreg:$0x0];
	s2 =	stileid.u32  }
0x3a1: {  	s1 =	rddreg [dreg:$0x1];
	p0 =	sne.s32 s2, $0x0  }
0x3a2: {  	s3 =	rddreg [dreg:$0x2];
	[bflag:$0x3] =	sbarrier.arrive $0xFFFF;
	s2 =	simm.s32 @!p0 $0x1C02  }
0x3a3: {  	[timem:s3], [sflag:s2] =	dma.local @!p0 [hbm:s0], s1  }
0x3a4: {  	s0 =	simm.s32 @!p0 $0x2  }
0x3a5: {  	_ =	swait.ge @!p0 [sflag:s0], s1  }
0x3a6: {  	s1 =	ssub.s32 @!p0 $0x0, s1;
	[sflag:s0] =	ssyncset.done @!p0 $0x0  }
0x3a7: {  	[sflag:s0] =	ssyncadd.s32 @!p0 s1  }
0x3a8: {  	[bflag:$0x3] =	sbarrier.arrive $0xFFFF  }
0x3a9: {  	_ =	shalt  }

</sc_bundles>
